<compile_context>
chip_gen: v7x
topology: tpu7x:2x2x1
jax: 0.10.2.dev20260603
libtpu: 0.0.44.dev20260713+nightly
codegen_flags: <defaults>
</compile_context>

<pallas_src>
import functools

import jax
import jax.numpy as jnp
from jax import lax
from jax.experimental import pallas as pl
from jax.experimental.pallas import tpu as pltpu
from jax.experimental.pallas import tpu_sc as plsc

B, S, H = 4, 2048, 4096

NC = 2
NS = 16
NW = NC * NS

HSPLIT = NW // B
HPW = H // HSPLIT
NLANE = 16
NGRP = HPW // NLANE

SCHUNK = 64
NCHUNK = S // SCHUNK
NPAIR = NCHUNK // 2


def _top3_body(x_hbm, out_hbm, buf0, buf1, tbuf, sem0, sem1):
  cid = lax.axis_index("c")
  sid = lax.axis_index("s")
  wid = sid * NC + cid
  bb = wid // HSPLIT
  h0 = (wid % HSPLIT) * HPW

  neg_inf = jnp.full((NLANE,), -jnp.inf, jnp.float32)
  for g in range(NGRP):
    sl = pl.ds(g * NLANE, NLANE)
    tbuf[0, sl] = neg_inf
    tbuf[1, sl] = neg_inf
    tbuf[2, sl] = neg_inf

  def start(c, buf, sem):
    pltpu.async_copy(
        x_hbm.at[bb, pl.ds(c * SCHUNK, SCHUNK), pl.ds(h0, HPW)], buf, sem)

  def wait(buf, sem):
    pltpu.make_async_copy(
        x_hbm.at[bb, pl.ds(0, SCHUNK), pl.ds(h0, HPW)], buf, sem).wait()

  def process(buf):
    @pl.loop(0, NGRP)
    def _(g):
      sl = pl.ds(g * NLANE, NLANE)
      t1 = tbuf[0, sl]
      t2 = tbuf[1, sl]
      t3 = tbuf[2, sl]
      for s in range(0, SCHUNK, 2):
        va = buf[s, sl]
        vb = buf[s + 1, sl]
        hi = jnp.maximum(va, vb)
        lo = jnp.minimum(va, vb)
        q = jnp.minimum(t1, hi)
        t1 = jnp.maximum(t1, hi)
        r = jnp.maximum(t2, lo)
        t2 = jnp.maximum(q, r)
        t3 = jnp.maximum(t3, jnp.minimum(q, r))
      tbuf[0, sl] = t1
      tbuf[1, sl] = t2
      tbuf[2, sl] = t3

  start(0, buf0, sem0)
  start(1, buf1, sem1)

  @pl.loop(0, NPAIR)
  def _(i):
    c0 = i * 2
    wait(buf0, sem0)
    process(buf0)

    @pl.when(c0 + 2 < NCHUNK)
    def _():
      start(c0 + 2, buf0, sem0)

    wait(buf1, sem1)
    process(buf1)

    @pl.when(c0 + 3 < NCHUNK)
    def _():
      start(c0 + 3, buf1, sem1)

  pltpu.sync_copy(tbuf, out_hbm.at[bb, :, pl.ds(h0, HPW)])


_top3 = functools.partial(
    pl.kernel,
    out_type=jax.ShapeDtypeStruct((B, 3, H), jnp.float32),
    mesh=plsc.VectorSubcoreMesh(core_axis_name="c", subcore_axis_name="s"),
    scratch_types=[
        pltpu.VMEM((SCHUNK, HPW), jnp.float32),
        pltpu.VMEM((SCHUNK, HPW), jnp.float32),
        pltpu.VMEM((3, HPW), jnp.float32),
        pltpu.SemaphoreType.DMA,
        pltpu.SemaphoreType.DMA,
    ],
)(_top3_body)


MPAD = 16
HBLK = 512


def _linear_body(p_ref, w_ref, b_ref, o_ref):
  acc = lax.dot_general(
      p_ref[...].astype(jnp.bfloat16), w_ref[...].astype(jnp.bfloat16),
      (((1,), (1,)), ((), ())),
      preferred_element_type=jnp.float32)
  o_ref[...] = jnp.tanh(acc + b_ref[...])


def _linear(p16, W, b2d):
  return pl.pallas_call(
      _linear_body,
      grid=(H // HBLK,),
      in_specs=[
          pl.BlockSpec((MPAD, H), lambda j: (0, 0)),
          pl.BlockSpec((HBLK, H), lambda j: (j, 0)),
          pl.BlockSpec((1, HBLK), lambda j: (0, j)),
      ],
      out_specs=pl.BlockSpec((MPAD, HBLK), lambda j: (0, j)),
      out_shape=jax.ShapeDtypeStruct((MPAD, H), jnp.float32),
  )(p16, W, b2d)


@jax.jit
def kernel(sequence_output, W, b):
  pooled = _top3(sequence_output)
  p16 = jnp.pad(pooled.reshape(B * 3, H), ((0, MPAD - B * 3), (0, 0)))
  out16 = _linear(p16, W, b.reshape(1, H))
  return out16[:B * 3].reshape(B, 3, H)

# --- scband reference (transcript-rebuilt; emitter-appended) ---
"""Pipeline reference for scband-pooler-10359461118117 (READ-ONLY COPY).

The authoritative reference and input builder live on the scoring server;
editing this copy changes nothing except your own understanding.
"""

import jax, jax.numpy as jnp
import numpy as np

B, S, H = 4, 2048, 4096

def setup_inputs(seed: int = 0) -> dict:
    key = jax.random.key(seed)
    k1, k2, k3 = jax.random.split(key, 3)
    sequence_output = jax.random.normal(k1, (B, S, H), dtype=jnp.float32)
    # Pooler linear parameters (hidden_size=4096)
    W = jax.random.normal(k2, (H, H), dtype=jnp.float32) * 0.02
    b = jax.random.normal(k3, (H,), dtype=jnp.float32) * 0.02
    return {"sequence_output": sequence_output, "W": W, "b": b}

def reference(sequence_output, W, b):
    x = sequence_output  # [B, S, H]
    # torch.topk(x, k=3, dim=1): per-(batch, feature) top-3 along the sequence axis.
    xt = jnp.transpose(x, (0, 2, 1))  # [B, H, S]
    _, idx = jax.lax.top_k(xt, 3)  # idx: [B, H, 3]
    top1_index = idx[:, :, 0]  # [B, H]
    top2_index = idx[:, :, 1]
    top3_index = idx[:, :, 2]
    # torch.gather(x, 1, top_i.unsqueeze(1)) -> [B, 1, H]
    top1_value = jnp.take_along_axis(x, top1_index[:, None, :], axis=1)
    top2_value = jnp.take_along_axis(x, top2_index[:, None, :], axis=1)
    top3_value = jnp.take_along_axis(x, top3_index[:, None, :], axis=1)
    pooled = jnp.concatenate([top1_value, top2_value, top3_value], axis=1)  # [B, 3, H]
    pooled = jnp.tanh(jnp.dot(pooled, W.T) + b)
    return pooled

if __name__ == "__main__":
    import jax
    _d = setup_inputs()
    print(jax.jit(kernel)(*tuple(_d.values())))

</pallas_src>

<mosaic_0001>
#map = affine_map<(d0, d1) -> (0, 0, 0)>
module attributes {stable_mosaic.version = 14 : i64} {
  func.func @_top3_body(%arg0: i32, %arg1: i32, %arg2: memref<4x2048x4096xf32, #tpu.memory_space<hbm>>, %arg3: memref<4x3x4096xf32, #tpu.memory_space<hbm>>, %arg4: memref<64x512xf32, #tpu.memory_space<vmem>>, %arg5: memref<64x512xf32, #tpu.memory_space<vmem>>, %arg6: memref<3x512xf32, #tpu.memory_space<vmem>>, %arg7: memref<!tpu.dma_semaphore, #tpu.memory_space<semaphore_mem>>, %arg8: memref<!tpu.dma_semaphore, #tpu.memory_space<semaphore_mem>>) attributes {dimension_semantics = [#tpu.dimension_semantics<core_parallel>, #tpu.dimension_semantics<subcore_parallel>], iteration_bounds = array<i64: 2, 16>, scalar_prefetch = 0 : i64, scratch_operands = 5 : i64, tpu.core_type = #tpu.core_type<sc_vector_subcore>, window_params = [{transform_indices = #map}, {transform_indices = #map}]} {
    %mul3A = arith.constant 2 : i32
    %mul3A_0 = arith.muli %arg1, %mul3A : i32
    %add3A = arith.addi %mul3A_0, %arg0 : i32
    %jit3A = arith.constant 8 : i32
    %div3A = arith.divsi %add3A, %jit3A : i32
    %sign3A = arith.constant 0 : i32
    %sign3A_1 = arith.cmpi sgt, %add3A, %sign3A : i32
    %sign3A_2 = arith.extui %sign3A_1 : i1 to i32
    %sign3A_3 = arith.constant 0 : i32
    %sign3A_4 = arith.cmpi slt, %add3A, %sign3A_3 : i32
    %sign3A_5 = arith.extui %sign3A_4 : i1 to i32
    %sign3A_6 = arith.subi %sign3A_2, %sign3A_5 : i32
    %sign3A_7 = arith.constant 0 : i32
    %sign3A_8 = arith.cmpi sgt, %jit3A, %sign3A_7 : i32
    %sign3A_9 = arith.extui %sign3A_8 : i1 to i32
    %sign3A_10 = arith.constant 0 : i32
    %sign3A_11 = arith.cmpi slt, %jit3A, %sign3A_10 : i32
    %sign3A_12 = arith.extui %sign3A_11 : i1 to i32
    %sign3A_13 = arith.subi %sign3A_9, %sign3A_12 : i32
    %ne3A = arith.cmpi ne, %sign3A_6, %sign3A_13 : i32
    %rem3A = arith.remsi %add3A, %jit3A : i32
    %ne3A_14 = arith.constant 0 : i32
    %ne3A_15 = arith.cmpi ne, %rem3A, %ne3A_14 : i32
    %and3A = arith.andi %ne3A, %ne3A_15 : i1
    %sub3A = arith.constant 1 : i32
    %sub3A_16 = arith.subi %div3A, %sub3A : i32
    %select_n3A = arith.select %and3A, %sub3A_16, %div3A : i32
    %jit3A_17 = arith.constant 8 : i32
    %eq3A = arith.constant 0 : i32
    %eq3A_18 = arith.cmpi eq, %jit3A_17, %eq3A : i32
    %jit3A_19 = arith.constant 1 : i32
    %select_n3A_20 = arith.select %eq3A_18, %jit3A_19, %jit3A_17 : i32
    %rem3A_21 = arith.remsi %add3A, %select_n3A_20 : i32
    %ne3A_22 = arith.constant 0 : i32
    %ne3A_23 = arith.cmpi ne, %rem3A_21, %ne3A_22 : i32
    %lt3A = arith.constant 0 : i32
    %lt3A_24 = arith.cmpi slt, %rem3A_21, %lt3A : i32
    %lt3A_25 = arith.constant 0 : i32
    %lt3A_26 = arith.cmpi slt, %select_n3A_20, %lt3A_25 : i32
    %ne3A_27 = arith.xori %lt3A_24, %lt3A_26 : i1
    %and3A_28 = arith.andi %ne3A_27, %ne3A_23 : i1
    %add3A_29 = arith.addi %rem3A_21, %select_n3A_20 : i32
    %select_n3A_30 = arith.select %and3A_28, %add3A_29, %rem3A_21 : i32
    %mul3A_31 = arith.constant 512 : i32
    %mul3A_32 = arith.muli %select_n3A_30, %mul3A_31 : i32
    %broadcast_in_dim3A = arith.constant 0xFF800000 : f32
    %broadcast_in_dim3A_33 = vector.broadcast %broadcast_in_dim3A : f32 to vector<16xf32>
    %swap3A = arith.constant 0 : i32
    %swap3A_34 = arith.index_cast %swap3A : i32 to index
    %swap3A_35 = arith.constant 0 : index
    %swap3A_36 = tpu.vector_load %arg6[%swap3A_34, %swap3A_35] {strides = array<i32>} : memref<3x512xf32, #tpu.memory_space<vmem>>, vector<1x16xf32>,
    %swap3A_37 = vector.shape_cast %swap3A_36 : vector<1x16xf32> to vector<16xf32>
    %swap3A_38 = vector.shape_cast %broadcast_in_dim3A_33 : vector<16xf32> to vector<1x16xf32>
    tpu.vector_store %arg6[%swap3A_34, %swap3A_35], %swap3A_38 {strides = array<i32>} : memref<3x512xf32, #tpu.memory_space<vmem>>, vector<1x16xf32>,
    %swap3A_39 = arith.constant 1 : i32
    %swap3A_40 = arith.index_cast %swap3A_39 : i32 to index
    %swap3A_41 = arith.constant 0 : index
    %swap3A_42 = tpu.vector_load %arg6[%swap3A_40, %swap3A_41] {strides = array<i32>} : memref<3x512xf32, #tpu.memory_space<vmem>>, vector<1x16xf32>,
    %swap3A_43 = vector.shape_cast %swap3A_42 : vector<1x16xf32> to vector<16xf32>
    %swap3A_44 = vector.shape_cast %broadcast_in_dim3A_33 : vector<16xf32> to vector<1x16xf32>
    tpu.vector_store %arg6[%swap3A_40, %swap3A_41], %swap3A_44 {strides = array<i32>} : memref<3x512xf32, #tpu.memory_space<vmem>>, vector<1x16xf32>,
    %swap3A_45 = arith.constant 2 : i32
    %swap3A_46 = arith.index_cast %swap3A_45 : i32 to index
    %swap3A_47 = arith.constant 0 : index
    %swap3A_48 = tpu.vector_load %arg6[%swap3A_46, %swap3A_47] {strides = array<i32>} : memref<3x512xf32, #tpu.memory_space<vmem>>, vector<1x16xf32>,
    %swap3A_49 = vector.shape_cast %swap3A_48 : vector<1x16xf32> to vector<16xf32>
    %swap3A_50 = vector.shape_cast %broadcast_in_dim3A_33 : vector<16xf32> to vector<1x16xf32>
    tpu.vector_store %arg6[%swap3A_46, %swap3A_47], %swap3A_50 {strides = array<i32>} : memref<3x512xf32, #tpu.memory_space<vmem>>, vector<1x16xf32>,
    %swap3A_51 = arith.constant 0 : i32
    %swap3A_52 = arith.index_cast %swap3A_51 : i32 to index
    %swap3A_53 = arith.constant 16 : index
    %swap3A_54 = tpu.vector_load %arg6[%swap3A_52, %swap3A_53] {strides = array<i32>} : memref<3x512xf32, #tpu.memory_space<vmem>>, vector<1x16xf32>,
    %swap3A_55 = vector.shape_cast %swap3A_54 : vector<1x16xf32> to vector<16xf32>
    %swap3A_56 = vector.shape_cast %broadcast_in_dim3A_33 : vector<16xf32> to vector<1x16xf32>
    tpu.vector_store %arg6[%swap3A_52, %swap3A_53], %swap3A_56 {strides = array<i32>} : memref<3x512xf32, #tpu.memory_space<vmem>>, vector<1x16xf32>,
    %swap3A_57 = arith.constant 1 : i32
    %swap3A_58 = arith.index_cast %swap3A_57 : i32 to index
    %swap3A_59 = arith.constant 16 : index
    %swap3A_60 = tpu.vector_load %arg6[%swap3A_58, %swap3A_59] {strides = array<i32>} : memref<3x512xf32, #tpu.memory_space<vmem>>, vector<1x16xf32>,
    %swap3A_61 = vector.shape_cast %swap3A_60 : vector<1x16xf32> to vector<16xf32>
    %swap3A_62 = vector.shape_cast %broadcast_in_dim3A_33 : vector<16xf32> to vector<1x16xf32>
    tpu.vector_store %arg6[%swap3A_58, %swap3A_59], %swap3A_62 {strides = array<i32>} : memref<3x512xf32, #tpu.memory_space<vmem>>, vector<1x16xf32>,
    %swap3A_63 = arith.constant 2 : i32
    %swap3A_64 = arith.index_cast %swap3A_63 : i32 to index
    %swap3A_65 = arith.constant 16 : index
    %swap3A_66 = tpu.vector_load %arg6[%swap3A_64, %swap3A_65] {strides = array<i32>} : memref<3x512xf32, #tpu.memory_space<vmem>>, vector<1x16xf32>,
    %swap3A_67 = vector.shape_cast %swap3A_66 : vector<1x16xf32> to vector<16xf32>
    %swap3A_68 = vector.shape_cast %broadcast_in_dim3A_33 : vector<16xf32> to vector<1x16xf32>
    tpu.vector_store %arg6[%swap3A_64, %swap3A_65], %swap3A_68 {strides = array<i32>} : memref<3x512xf32, #tpu.memory_space<vmem>>, vector<1x16xf32>,
    %swap3A_69 = arith.constant 0 : i32
    %swap3A_70 = arith.index_cast %swap3A_69 : i32 to index
    %swap3A_71 = arith.constant 32 : index
    %swap3A_72 = tpu.vector_load %arg6[%swap3A_70, %swap3A_71] {strides = array<i32>} : memref<3x512xf32, #tpu.memory_space<vmem>>, vector<1x16xf32>,
    %swap3A_73 = vector.shape_cast %swap3A_72 : vector<1x16xf32> to vector<16xf32>
    %swap3A_74 = vector.shape_cast %broadcast_in_dim3A_33 : vector<16xf32> to vector<1x16xf32>
    tpu.vector_store %arg6[%swap3A_70, %swap3A_71], %swap3A_74 {strides = array<i32>} : memref<3x512xf32, #tpu.memory_space<vmem>>, vector<1x16xf32>,
    %swap3A_75 = arith.constant 1 : i32
    %swap3A_76 = arith.index_cast %swap3A_75 : i32 to index
    %swap3A_77 = arith.constant 32 : index
    %swap3A_78 = tpu.vector_load %arg6[%swap3A_76, %swap3A_77] {strides = array<i32>} : memref<3x512xf32, #tpu.memory_space<vmem>>, vector<1x16xf32>,
    %swap3A_79 = vector.shape_cast %swap3A_78 : vector<1x16xf32> to vector<16xf32>
    %swap3A_80 = vector.shape_cast %broadcast_in_dim3A_33 : vector<16xf32> to vector<1x16xf32>
    tpu.vector_store %arg6[%swap3A_76, %swap3A_77], %swap3A_80 {strides = array<i32>} : memref<3x512xf32, #tpu.memory_space<vmem>>, vector<1x16xf32>,
    %swap3A_81 = arith.constant 2 : i32
    %swap3A_82 = arith.index_cast %swap3A_81 : i32 to index
    %swap3A_83 = arith.constant 32 : index
    %swap3A_84 = tpu.vector_load %arg6[%swap3A_82, %swap3A_83] {strides = array<i32>} : memref<3x512xf32, #tpu.memory_space<vmem>>, vector<1x16xf32>,
    %swap3A_85 = vector.shape_cast %swap3A_84 : vector<1x16xf32> to vector<16xf32>
    %swap3A_86 = vector.shape_cast %broadcast_in_dim3A_33 : vector<16xf32> to vector<1x16xf32>
    tpu.vector_store %arg6[%swap3A_82, %swap3A_83], %swap3A_86 {strides = array<i32>} : memref<3x512xf32, #tpu.memory_space<vmem>>, vector<1x16xf32>,
    %swap3A_87 = arith.constant 0 : i32
    %swap3A_88 = arith.index_cast %swap3A_87 : i32 to index
    %swap3A_89 = arith.constant 48 : index
    %swap3A_90 = tpu.vector_load %arg6[%swap3A_88, %swap3A_89] {strides = array<i32>} : memref<3x512xf32, #tpu.memory_space<vmem>>, vector<1x16xf32>,
    %swap3A_91 = vector.shape_cast %swap3A_90 : vector<1x16xf32> to vector<16xf32>
    %swap3A_92 = vector.shape_cast %broadcast_in_dim3A_33 : vector<16xf32> to vector<1x16xf32>
    tpu.vector_store %arg6[%swap3A_88, %swap3A_89], %swap3A_92 {strides = array<i32>} : memref<3x512xf32, #tpu.memory_space<vmem>>, vector<1x16xf32>,
    %swap3A_93 = arith.constant 1 : i32
    %swap3A_94 = arith.index_cast %swap3A_93 : i32 to index
    %swap3A_95 = arith.constant 48 : index
    %swap3A_96 = tpu.vector_load %arg6[%swap3A_94, %swap3A_95] {strides = array<i32>} : memref<3x512xf32, #tpu.memory_space<vmem>>, vector<1x16xf32>,
    %swap3A_97 = vector.shape_cast %swap3A_96 : vector<1x16xf32> to vector<16xf32>
    %swap3A_98 = vector.shape_cast %broadcast_in_dim3A_33 : vector<16xf32> to vector<1x16xf32>
    tpu.vector_store %arg6[%swap3A_94, %swap3A_95], %swap3A_98 {strides = array<i32>} : memref<3x512xf32, #tpu.memory_space<vmem>>, vector<1x16xf32>,
    %swap3A_99 = arith.constant 2 : i32
    %swap3A_100 = arith.index_cast %swap3A_99 : i32 to index
    %swap3A_101 = arith.constant 48 : index
    %swap3A_102 = tpu.vector_load %arg6[%swap3A_100, %swap3A_101] {strides = array<i32>} : memref<3x512xf32, #tpu.memory_space<vmem>>, vector<1x16xf32>,
    %swap3A_103 = vector.shape_cast %swap3A_102 : vector<1x16xf32> to vector<16xf32>
    %swap3A_104 = vector.shape_cast %broadcast_in_dim3A_33 : vector<16xf32> to vector<1x16xf32>
    tpu.vector_store %arg6[%swap3A_100, %swap3A_101], %swap3A_104 {strides = array<i32>} : memref<3x512xf32, #tpu.memory_space<vmem>>, vector<1x16xf32>,
    %swap3A_105 = arith.constant 0 : i32
    %swap3A_106 = arith.index_cast %swap3A_105 : i32 to index
    %swap3A_107 = arith.constant 64 : index
    %swap3A_108 = tpu.vector_load %arg6[%swap3A_106, %swap3A_107] {strides = array<i32>} : memref<3x512xf32, #tpu.memory_space<vmem>>, vector<1x16xf32>,
    %swap3A_109 = vector.shape_cast %swap3A_108 : vector<1x16xf32> to vector<16xf32>
    %swap3A_110 = vector.shape_cast %broadcast_in_dim3A_33 : vector<16xf32> to vector<1x16xf32>
    tpu.vector_store %arg6[%swap3A_106, %swap3A_107], %swap3A_110 {strides = array<i32>} : memref<3x512xf32, #tpu.memory_space<vmem>>, vector<1x16xf32>,
    %swap3A_111 = arith.constant 1 : i32
    %swap3A_112 = arith.index_cast %swap3A_111 : i32 to index
    %swap3A_113 = arith.constant 64 : index
    %swap3A_114 = tpu.vector_load %arg6[%swap3A_112, %swap3A_113] {strides = array<i32>} : memref<3x512xf32, #tpu.memory_space<vmem>>, vector<1x16xf32>,
    %swap3A_115 = vector.shape_cast %swap3A_114 : vector<1x16xf32> to vector<16xf32>
    %swap3A_116 = vector.shape_cast %broadcast_in_dim3A_33 : vector<16xf32> to vector<1x16xf32>
    tpu.vector_store %arg6[%swap3A_112, %swap3A_113], %swap3A_116 {strides = array<i32>} : memref<3x512xf32, #tpu.memory_space<vmem>>, vector<1x16xf32>,
    %swap3A_117 = arith.constant 2 : i32
    %swap3A_118 = arith.index_cast %swap3A_117 : i32 to index
    %swap3A_119 = arith.constant 64 : index
    %swap3A_120 = tpu.vector_load %arg6[%swap3A_118, %swap3A_119] {strides = array<i32>} : memref<3x512xf32, #tpu.memory_space<vmem>>, vector<1x16xf32>,
    %swap3A_121 = vector.shape_cast %swap3A_120 : vector<1x16xf32> to vector<16xf32>
    %swap3A_122 = vector.shape_cast %broadcast_in_dim3A_33 : vector<16xf32> to vector<1x16xf32>
    tpu.vector_store %arg6[%swap3A_118, %swap3A_119], %swap3A_122 {strides = array<i32>} : memref<3x512xf32, #tpu.memory_space<vmem>>, vector<1x16xf32>,
    %swap3A_123 = arith.constant 0 : i32
    %swap3A_124 = arith.index_cast %swap3A_123 : i32 to index
    %swap3A_125 = arith.constant 80 : index
    %swap3A_126 = tpu.vector_load %arg6[%swap3A_124, %swap3A_125] {strides = array<i32>} : memref<3x512xf32, #tpu.memory_space<vmem>>, vector<1x16xf32>,
    %swap3A_127 = vector.shape_cast %swap3A_126 : vector<1x16xf32> to vector<16xf32>
    %swap3A_128 = vector.shape_cast %broadcast_in_dim3A_33 : vector<16xf32> to vector<1x16xf32>
    tpu.vector_store %arg6[%swap3A_124, %swap3A_125], %swap3A_128 {strides = array<i32>} : memref<3x512xf32, #tpu.memory_space<vmem>>, vector<1x16xf32>,
    %swap3A_129 = arith.constant 1 : i32
    %swap3A_130 = arith.index_cast %swap3A_129 : i32 to index
    %swap3A_131 = arith.constant 80 : index
    %swap3A_132 = tpu.vector_load %arg6[%swap3A_130, %swap3A_131] {strides = array<i32>} : memref<3x512xf32, #tpu.memory_space<vmem>>, vector<1x16xf32>,
    %swap3A_133 = vector.shape_cast %swap3A_132 : vector<1x16xf32> to vector<16xf32>
    %swap3A_134 = vector.shape_cast %broadcast_in_dim3A_33 : vector<16xf32> to vector<1x16xf32>
    tpu.vector_store %arg6[%swap3A_130, %swap3A_131], %swap3A_134 {strides = array<i32>} : memref<3x512xf32, #tpu.memory_space<vmem>>, vector<1x16xf32>,
    %swap3A_135 = arith.constant 2 : i32
    %swap3A_136 = arith.index_cast %swap3A_135 : i32 to index
    %swap3A_137 = arith.constant 80 : index
    %swap3A_138 = tpu.vector_load %arg6[%swap3A_136, %swap3A_137] {strides = array<i32>} : memref<3x512xf32, #tpu.memory_space<vmem>>, vector<1x16xf32>,
    %swap3A_139 = vector.shape_cast %swap3A_138 : vector<1x16xf32> to vector<16xf32>
    %swap3A_140 = vector.shape_cast %broadcast_in_dim3A_33 : vector<16xf32> to vector<1x16xf32>
    tpu.vector_store %arg6[%swap3A_136, %swap3A_137], %swap3A_140 {strides = array<i32>} : memref<3x512xf32, #tpu.memory_space<vmem>>, vector<1x16xf32>,
    %swap3A_141 = arith.constant 0 : i32
    %swap3A_142 = arith.index_cast %swap3A_141 : i32 to index
    %swap3A_143 = arith.constant 96 : index
    %swap3A_144 = tpu.vector_load %arg6[%swap3A_142, %swap3A_143] {strides = array<i32>} : memref<3x512xf32, #tpu.memory_space<vmem>>, vector<1x16xf32>,
    %swap3A_145 = vector.shape_cast %swap3A_144 : vector<1x16xf32> to vector<16xf32>
    %swap3A_146 = vector.shape_cast %broadcast_in_dim3A_33 : vector<16xf32> to vector<1x16xf32>
    tpu.vector_store %arg6[%swap3A_142, %swap3A_143], %swap3A_146 {strides = array<i32>} : memref<3x512xf32, #tpu.memory_space<vmem>>, vector<1x16xf32>,
    %swap3A_147 = arith.constant 1 : i32
    %swap3A_148 = arith.index_cast %swap3A_147 : i32 to index
    %swap3A_149 = arith.constant 96 : index
    %swap3A_150 = tpu.vector_load %arg6[%swap3A_148, %swap3A_149] {strides = array<i32>} : memref<3x512xf32, #tpu.memory_space<vmem>>, vector<1x16xf32>,
    %swap3A_151 = vector.shape_cast %swap3A_150 : vector<1x16xf32> to vector<16xf32>
    %swap3A_152 = vector.shape_cast %broadcast_in_dim3A_33 : vector<16xf32> to vector<1x16xf32>
    tpu.vector_store %arg6[%swap3A_148, %swap3A_149], %swap3A_152 {strides = array<i32>} : memref<3x512xf32, #tpu.memory_space<vmem>>, vector<1x16xf32>,
    %swap3A_153 = arith.constant 2 : i32
    %swap3A_154 = arith.index_cast %swap3A_153 : i32 to index
    %swap3A_155 = arith.constant 96 : index
    %swap3A_156 = tpu.vector_load %arg6[%swap3A_154, %swap3A_155] {strides = array<i32>} : memref<3x512xf32, #tpu.memory_space<vmem>>, vector<1x16xf32>,
    %swap3A_157 = vector.shape_cast %swap3A_156 : vector<1x16xf32> to vector<16xf32>
    %swap3A_158 = vector.shape_cast %broadcast_in_dim3A_33 : vector<16xf32> to vector<1x16xf32>
    tpu.vector_store %arg6[%swap3A_154, %swap3A_155], %swap3A_158 {strides = array<i32>} : memref<3x512xf32, #tpu.memory_space<vmem>>, vector<1x16xf32>,
    %swap3A_159 = arith.constant 0 : i32
    %swap3A_160 = arith.index_cast %swap3A_159 : i32 to index
    %swap3A_161 = arith.constant 112 : index
    %swap3A_162 = tpu.vector_load %arg6[%swap3A_160, %swap3A_161] {strides = array<i32>} : memref<3x512xf32, #tpu.memory_space<vmem>>, vector<1x16xf32>,
    %swap3A_163 = vector.shape_cast %swap3A_162 : vector<1x16xf32> to vector<16xf32>
    %swap3A_164 = vector.shape_cast %broadcast_in_dim3A_33 : vector<16xf32> to vector<1x16xf32>
    tpu.vector_store %arg6[%swap3A_160, %swap3A_161], %swap3A_164 {strides = array<i32>} : memref<3x512xf32, #tpu.memory_space<vmem>>, vector<1x16xf32>,
    %swap3A_165 = arith.constant 1 : i32
    %swap3A_166 = arith.index_cast %swap3A_165 : i32 to index
    %swap3A_167 = arith.constant 112 : index
    %swap3A_168 = tpu.vector_load %arg6[%swap3A_166, %swap3A_167] {strides = array<i32>} : memref<3x512xf32, #tpu.memory_space<vmem>>, vector<1x16xf32>,
    %swap3A_169 = vector.shape_cast %swap3A_168 : vector<1x16xf32> to vector<16xf32>
    %swap3A_170 = vector.shape_cast %broadcast_in_dim3A_33 : vector<16xf32> to vector<1x16xf32>
    tpu.vector_store %arg6[%swap3A_166, %swap3A_167], %swap3A_170 {strides = array<i32>} : memref<3x512xf32, #tpu.memory_space<vmem>>, vector<1x16xf32>,
    %swap3A_171 = arith.constant 2 : i32
    %swap3A_172 = arith.index_cast %swap3A_171 : i32 to index
    %swap3A_173 = arith.constant 112 : index
    %swap3A_174 = tpu.vector_load %arg6[%swap3A_172, %swap3A_173] {strides = array<i32>} : memref<3x512xf32, #tpu.memory_space<vmem>>, vector<1x16xf32>,
    %swap3A_175 = vector.shape_cast %swap3A_174 : vector<1x16xf32> to vector<16xf32>
    %swap3A_176 = vector.shape_cast %broadcast_in_dim3A_33 : vector<16xf32> to vector<1x16xf32>
    tpu.vector_store %arg6[%swap3A_172, %swap3A_173], %swap3A_176 {strides = array<i32>} : memref<3x512xf32, #tpu.memory_space<vmem>>, vector<1x16xf32>,
    %swap3A_177 = arith.constant 0 : i32
    %swap3A_178 = arith.index_cast %swap3A_177 : i32 to index
    %swap3A_179 = arith.constant 128 : index
    %swap3A_180 = tpu.vector_load %arg6[%swap3A_178, %swap3A_179] {strides = array<i32>} : memref<3x512xf32, #tpu.memory_space<vmem>>, vector<1x16xf32>,
    %swap3A_181 = vector.shape_cast %swap3A_180 : vector<1x16xf32> to vector<16xf32>
    %swap3A_182 = vector.shape_cast %broadcast_in_dim3A_33 : vector<16xf32> to vector<1x16xf32>
    tpu.vector_store %arg6[%swap3A_178, %swap3A_179], %swap3A_182 {strides = array<i32>} : memref<3x512xf32, #tpu.memory_space<vmem>>, vector<1x16xf32>,
    %swap3A_183 = arith.constant 1 : i32
    %swap3A_184 = arith.index_cast %swap3A_183 : i32 to index
    %swap3A_185 = arith.constant 128 : index
    %swap3A_186 = tpu.vector_load %arg6[%swap3A_184, %swap3A_185] {strides = array<i32>} : memref<3x512xf32, #tpu.memory_space<vmem>>, vector<1x16xf32>,
    %swap3A_187 = vector.shape_cast %swap3A_186 : vector<1x16xf32> to vector<16xf32>
    %swap3A_188 = vector.shape_cast %broadcast_in_dim3A_33 : vector<16xf32> to vector<1x16xf32>
    tpu.vector_store %arg6[%swap3A_184, %swap3A_185], %swap3A_188 {strides = array<i32>} : memref<3x512xf32, #tpu.memory_space<vmem>>, vector<1x16xf32>,
    %swap3A_189 = arith.constant 2 : i32
    %swap3A_190 = arith.index_cast %swap3A_189 : i32 to index
    %swap3A_191 = arith.constant 128 : index
    %swap3A_192 = tpu.vector_load %arg6[%swap3A_190, %swap3A_191] {strides = array<i32>} : memref<3x512xf32, #tpu.memory_space<vmem>>, vector<1x16xf32>,
    %swap3A_193 = vector.shape_cast %swap3A_192 : vector<1x16xf32> to vector<16xf32>
    %swap3A_194 = vector.shape_cast %broadcast_in_dim3A_33 : vector<16xf32> to vector<1x16xf32>
    tpu.vector_store %arg6[%swap3A_190, %swap3A_191], %swap3A_194 {strides = array<i32>} : memref<3x512xf32, #tpu.memory_space<vmem>>, vector<1x16xf32>,
    %swap3A_195 = arith.constant 0 : i32
    %swap3A_196 = arith.index_cast %swap3A_195 : i32 to index
    %swap3A_197 = arith.constant 144 : index
    %swap3A_198 = tpu.vector_load %arg6[%swap3A_196, %swap3A_197] {strides = array<i32>} : memref<3x512xf32, #tpu.memory_space<vmem>>, vector<1x16xf32>,
    %swap3A_199 = vector.shape_cast %swap3A_198 : vector<1x16xf32> to vector<16xf32>
    %swap3A_200 = vector.shape_cast %broadcast_in_dim3A_33 : vector<16xf32> to vector<1x16xf32>
    tpu.vector_store %arg6[%swap3A_196, %swap3A_197], %swap3A_200 {strides = array<i32>} : memref<3x512xf32, #tpu.memory_space<vmem>>, vector<1x16xf32>,
    %swap3A_201 = arith.constant 1 : i32
    %swap3A_202 = arith.index_cast %swap3A_201 : i32 to index
    %swap3A_203 = arith.constant 144 : index
    %swap3A_204 = tpu.vector_load %arg6[%swap3A_202, %swap3A_203] {strides = array<i32>} : memref<3x512xf32, #tpu.memory_space<vmem>>, vector<1x16xf32>,
    %swap3A_205 = vector.shape_cast %swap3A_204 : vector<1x16xf32> to vector<16xf32>
    %swap3A_206 = vector.shape_cast %broadcast_in_dim3A_33 : vector<16xf32> to vector<1x16xf32>
    tpu.vector_store %arg6[%swap3A_202, %swap3A_203], %swap3A_206 {strides = array<i32>} : memref<3x512xf32, #tpu.memory_space<vmem>>, vector<1x16xf32>,
    %swap3A_207 = arith.constant 2 : i32
    %swap3A_208 = arith.index_cast %swap3A_207 : i32 to index
    %swap3A_209 = arith.constant 144 : index
    %swap3A_210 = tpu.vector_load %arg6[%swap3A_208, %swap3A_209] {strides = array<i32>} : memref<3x512xf32, #tpu.memory_space<vmem>>, vector<1x16xf32>,
    %swap3A_211 = vector.shape_cast %swap3A_210 : vector<1x16xf32> to vector<16xf32>
    %swap3A_212 = vector.shape_cast %broadcast_in_dim3A_33 : vector<16xf32> to vector<1x16xf32>
    tpu.vector_store %arg6[%swap3A_208, %swap3A_209], %swap3A_212 {strides = array<i32>} : memref<3x512xf32, #tpu.memory_space<vmem>>, vector<1x16xf32>,
    %swap3A_213 = arith.constant 0 : i32
    %swap3A_214 = arith.index_cast %swap3A_213 : i32 to index
    %swap3A_215 = arith.constant 160 : index
    %swap3A_216 = tpu.vector_load %arg6[%swap3A_214, %swap3A_215] {strides = array<i32>} : memref<3x512xf32, #tpu.memory_space<vmem>>, vector<1x16xf32>,
    %swap3A_217 = vector.shape_cast %swap3A_216 : vector<1x16xf32> to vector<16xf32>
    %swap3A_218 = vector.shape_cast %broadcast_in_dim3A_33 : vector<16xf32> to vector<1x16xf32>
    tpu.vector_store %arg6[%swap3A_214, %swap3A_215], %swap3A_218 {strides = array<i32>} : memref<3x512xf32, #tpu.memory_space<vmem>>, vector<1x16xf32>,
    %swap3A_219 = arith.constant 1 : i32
    %swap3A_220 = arith.index_cast %swap3A_219 : i32 to index
    %swap3A_221 = arith.constant 160 : index
    %swap3A_222 = tpu.vector_load %arg6[%swap3A_220, %swap3A_221] {strides = array<i32>} : memref<3x512xf32, #tpu.memory_space<vmem>>, vector<1x16xf32>,
    %swap3A_223 = vector.shape_cast %swap3A_222 : vector<1x16xf32> to vector<16xf32>
    %swap3A_224 = vector.shape_cast %broadcast_in_dim3A_33 : vector<16xf32> to vector<1x16xf32>
    tpu.vector_store %arg6[%swap3A_220, %swap3A_221], %swap3A_224 {strides = array<i32>} : memref<3x512xf32, #tpu.memory_space<vmem>>, vector<1x16xf32>,
    %swap3A_225 = arith.constant 2 : i32
    %swap3A_226 = arith.index_cast %swap3A_225 : i32 to index
    %swap3A_227 = arith.constant 160 : index
    %swap3A_228 = tpu.vector_load %arg6[%swap3A_226, %swap3A_227] {strides = array<i32>} : memref<3x512xf32, #tpu.memory_space<vmem>>, vector<1x16xf32>,
    %swap3A_229 = vector.shape_cast %swap3A_228 : vector<1x16xf32> to vector<16xf32>
    %swap3A_230 = vector.shape_cast %broadcast_in_dim3A_33 : vector<16xf32> to vector<1x16xf32>
    tpu.vector_store %arg6[%swap3A_226, %swap3A_227], %swap3A_230 {strides = array<i32>} : memref<3x512xf32, #tpu.memory_space<vmem>>, vector<1x16xf32>,
    %swap3A_231 = arith.constant 0 : i32
    %swap3A_232 = arith.index_cast %swap3A_231 : i32 to index
    %swap3A_233 = arith.constant 176 : index
    %swap3A_234 = tpu.vector_load %arg6[%swap3A_232, %swap3A_233] {strides = array<i32>} : memref<3x512xf32, #tpu.memory_space<vmem>>, vector<1x16xf32>,
    %swap3A_235 = vector.shape_cast %swap3A_234 : vector<1x16xf32> to vector<16xf32>
    %swap3A_236 = vector.shape_cast %broadcast_in_dim3A_33 : vector<16xf32> to vector<1x16xf32>
    tpu.vector_store %arg6[%swap3A_232, %swap3A_233], %swap3A_236 {strides = array<i32>} : memref<3x512xf32, #tpu.memory_space<vmem>>, vector<1x16xf32>,
    %swap3A_237 = arith.constant 1 : i32
    %swap3A_238 = arith.index_cast %swap3A_237 : i32 to index
    %swap3A_239 = arith.constant 176 : index
    %swap3A_240 = tpu.vector_load %arg6[%swap3A_238, %swap3A_239] {strides = array<i32>} : memref<3x512xf32, #tpu.memory_space<vmem>>, vector<1x16xf32>,
    %swap3A_241 = vector.shape_cast %swap3A_240 : vector<1x16xf32> to vector<16xf32>
    %swap3A_242 = vector.shape_cast %broadcast_in_dim3A_33 : vector<16xf32> to vector<1x16xf32>
    tpu.vector_store %arg6[%swap3A_238, %swap3A_239], %swap3A_242 {strides = array<i32>} : memref<3x512xf32, #tpu.memory_space<vmem>>, vector<1x16xf32>,
    %swap3A_243 = arith.constant 2 : i32
    %swap3A_244 = arith.index_cast %swap3A_243 : i32 to index
    %swap3A_245 = arith.constant 176 : index
    %swap3A_246 = tpu.vector_load %arg6[%swap3A_244, %swap3A_245] {strides = array<i32>} : memref<3x512xf32, #tpu.memory_space<vmem>>, vector<1x16xf32>,
    %swap3A_247 = vector.shape_cast %swap3A_246 : vector<1x16xf32> to vector<16xf32>
    %swap3A_248 = vector.shape_cast %broadcast_in_dim3A_33 : vector<16xf32> to vector<1x16xf32>
    tpu.vector_store %arg6[%swap3A_244, %swap3A_245], %swap3A_248 {strides = array<i32>} : memref<3x512xf32, #tpu.memory_space<vmem>>, vector<1x16xf32>,
    %swap3A_249 = arith.constant 0 : i32
    %swap3A_250 = arith.index_cast %swap3A_249 : i32 to index
    %swap3A_251 = arith.constant 192 : index
    %swap3A_252 = tpu.vector_load %arg6[%swap3A_250, %swap3A_251] {strides = array<i32>} : memref<3x512xf32, #tpu.memory_space<vmem>>, vector<1x16xf32>,
    %swap3A_253 = vector.shape_cast %swap3A_252 : vector<1x16xf32> to vector<16xf32>
    %swap3A_254 = vector.shape_cast %broadcast_in_dim3A_33 : vector<16xf32> to vector<1x16xf32>
    tpu.vector_store %arg6[%swap3A_250, %swap3A_251], %swap3A_254 {strides = array<i32>} : memref<3x512xf32, #tpu.memory_space<vmem>>, vector<1x16xf32>,
    %swap3A_255 = arith.constant 1 : i32
    %swap3A_256 = arith.index_cast %swap3A_255 : i32 to index
    %swap3A_257 = arith.constant 192 : index
    %swap3A_258 = tpu.vector_load %arg6[%swap3A_256, %swap3A_257] {strides = array<i32>} : memref<3x512xf32, #tpu.memory_space<vmem>>, vector<1x16xf32>,
    %swap3A_259 = vector.shape_cast %swap3A_258 : vector<1x16xf32> to vector<16xf32>
    %swap3A_260 = vector.shape_cast %broadcast_in_dim3A_33 : vector<16xf32> to vector<1x16xf32>
    tpu.vector_store %arg6[%swap3A_256, %swap3A_257], %swap3A_260 {strides = array<i32>} : memref<3x512xf32, #tpu.memory_space<vmem>>, vector<1x16xf32>,
    %swap3A_261 = arith.constant 2 : i32
    %swap3A_262 = arith.index_cast %swap3A_261 : i32 to index
    %swap3A_263 = arith.constant 192 : index
    %swap3A_264 = tpu.vector_load %arg6[%swap3A_262, %swap3A_263] {strides = array<i32>} : memref<3x512xf32, #tpu.memory_space<vmem>>, vector<1x16xf32>,
    %swap3A_265 = vector.shape_cast %swap3A_264 : vector<1x16xf32> to vector<16xf32>
    %swap3A_266 = vector.shape_cast %broadcast_in_dim3A_33 : vector<16xf32> to vector<1x16xf32>
    tpu.vector_store %arg6[%swap3A_262, %swap3A_263], %swap3A_266 {strides = array<i32>} : memref<3x512xf32, #tpu.memory_space<vmem>>, vector<1x16xf32>,
    %swap3A_267 = arith.constant 0 : i32
    %swap3A_268 = arith.index_cast %swap3A_267 : i32 to index
    %swap3A_269 = arith.constant 208 : index
    %swap3A_270 = tpu.vector_load %arg6[%swap3A_268, %swap3A_269] {strides = array<i32>} : memref<3x512xf32, #tpu.memory_space<vmem>>, vector<1x16xf32>,
    %swap3A_271 = vector.shape_cast %swap3A_270 : vector<1x16xf32> to vector<16xf32>
    %swap3A_272 = vector.shape_cast %broadcast_in_dim3A_33 : vector<16xf32> to vector<1x16xf32>
    tpu.vector_store %arg6[%swap3A_268, %swap3A_269], %swap3A_272 {strides = array<i32>} : memref<3x512xf32, #tpu.memory_space<vmem>>, vector<1x16xf32>,
    %swap3A_273 = arith.constant 1 : i32
    %swap3A_274 = arith.index_cast %swap3A_273 : i32 to index
    %swap3A_275 = arith.constant 208 : index
    %swap3A_276 = tpu.vector_load %arg6[%swap3A_274, %swap3A_275] {strides = array<i32>} : memref<3x512xf32, #tpu.memory_space<vmem>>, vector<1x16xf32>,
    %swap3A_277 = vector.shape_cast %swap3A_276 : vector<1x16xf32> to vector<16xf32>
    %swap3A_278 = vector.shape_cast %broadcast_in_dim3A_33 : vector<16xf32> to vector<1x16xf32>
    tpu.vector_store %arg6[%swap3A_274, %swap3A_275], %swap3A_278 {strides = array<i32>} : memref<3x512xf32, #tpu.memory_space<vmem>>, vector<1x16xf32>,
    %swap3A_279 = arith.constant 2 : i32
    %swap3A_280 = arith.index_cast %swap3A_279 : i32 to index
    %swap3A_281 = arith.constant 208 : index
    %swap3A_282 = tpu.vector_load %arg6[%swap3A_280, %swap3A_281] {strides = array<i32>} : memref<3x512xf32, #tpu.memory_space<vmem>>, vector<1x16xf32>,
    %swap3A_283 = vector.shape_cast %swap3A_282 : vector<1x16xf32> to vector<16xf32>
    %swap3A_284 = vector.shape_cast %broadcast_in_dim3A_33 : vector<16xf32> to vector<1x16xf32>
    tpu.vector_store %arg6[%swap3A_280, %swap3A_281], %swap3A_284 {strides = array<i32>} : memref<3x512xf32, #tpu.memory_space<vmem>>, vector<1x16xf32>,
    %swap3A_285 = arith.constant 0 : i32
    %swap3A_286 = arith.index_cast %swap3A_285 : i32 to index
    %swap3A_287 = arith.constant 224 : index
    %swap3A_288 = tpu.vector_load %arg6[%swap3A_286, %swap3A_287] {strides = array<i32>} : memref<3x512xf32, #tpu.memory_space<vmem>>, vector<1x16xf32>,
    %swap3A_289 = vector.shape_cast %swap3A_288 : vector<1x16xf32> to vector<16xf32>
    %swap3A_290 = vector.shape_cast %broadcast_in_dim3A_33 : vector<16xf32> to vector<1x16xf32>
    tpu.vector_store %arg6[%swap3A_286, %swap3A_287], %swap3A_290 {strides = array<i32>} : memref<3x512xf32, #tpu.memory_space<vmem>>, vector<1x16xf32>,
    %swap3A_291 = arith.constant 1 : i32
    %swap3A_292 = arith.index_cast %swap3A_291 : i32 to index
    %swap3A_293 = arith.constant 224 : index
    %swap3A_294 = tpu.vector_load %arg6[%swap3A_292, %swap3A_293] {strides = array<i32>} : memref<3x512xf32, #tpu.memory_space<vmem>>, vector<1x16xf32>,
    %swap3A_295 = vector.shape_cast %swap3A_294 : vector<1x16xf32> to vector<16xf32>
    %swap3A_296 = vector.shape_cast %broadcast_in_dim3A_33 : vector<16xf32> to vector<1x16xf32>
    tpu.vector_store %arg6[%swap3A_292, %swap3A_293], %swap3A_296 {strides = array<i32>} : memref<3x512xf32, #tpu.memory_space<vmem>>, vector<1x16xf32>,
    %swap3A_297 = arith.constant 2 : i32
    %swap3A_298 = arith.index_cast %swap3A_297 : i32 to index
    %swap3A_299 = arith.constant 224 : index
    %swap3A_300 = tpu.vector_load %arg6[%swap3A_298, %swap3A_299] {strides = array<i32>} : memref<3x512xf32, #tpu.memory_space<vmem>>, vector<1x16xf32>,
    %swap3A_301 = vector.shape_cast %swap3A_300 : vector<1x16xf32> to vector<16xf32>
    %swap3A_302 = vector.shape_cast %broadcast_in_dim3A_33 : vector<16xf32> to vector<1x16xf32>
    tpu.vector_store %arg6[%swap3A_298, %swap3A_299], %swap3A_302 {strides = array<i32>} : memref<3x512xf32, #tpu.memory_space<vmem>>, vector<1x16xf32>,
    %swap3A_303 = arith.constant 0 : i32
    %swap3A_304 = arith.index_cast %swap3A_303 : i32 to index
    %swap3A_305 = arith.constant 240 : index
    %swap3A_306 = tpu.vector_load %arg6[%swap3A_304, %swap3A_305] {strides = array<i32>} : memref<3x512xf32, #tpu.memory_space<vmem>>, vector<1x16xf32>,
    %swap3A_307 = vector.shape_cast %swap3A_306 : vector<1x16xf32> to vector<16xf32>
    %swap3A_308 = vector.shape_cast %broadcast_in_dim3A_33 : vector<16xf32> to vector<1x16xf32>
    tpu.vector_store %arg6[%swap3A_304, %swap3A_305], %swap3A_308 {strides = array<i32>} : memref<3x512xf32, #tpu.memory_space<vmem>>, vector<1x16xf32>,
    %swap3A_309 = arith.constant 1 : i32
    %swap3A_310 = arith.index_cast %swap3A_309 : i32 to index
    %swap3A_311 = arith.constant 240 : index
    %swap3A_312 = tpu.vector_load %arg6[%swap3A_310, %swap3A_311] {strides = array<i32>} : memref<3x512xf32, #tpu.memory_space<vmem>>, vector<1x16xf32>,
    %swap3A_313 = vector.shape_cast %swap3A_312 : vector<1x16xf32> to vector<16xf32>
    %swap3A_314 = vector.shape_cast %broadcast_in_dim3A_33 : vector<16xf32> to vector<1x16xf32>
    tpu.vector_store %arg6[%swap3A_310, %swap3A_311], %swap3A_314 {strides = array<i32>} : memref<3x512xf32, #tpu.memory_space<vmem>>, vector<1x16xf32>,
    %swap3A_315 = arith.constant 2 : i32
    %swap3A_316 = arith.index_cast %swap3A_315 : i32 to index
    %swap3A_317 = arith.constant 240 : index
    %swap3A_318 = tpu.vector_load %arg6[%swap3A_316, %swap3A_317] {strides = array<i32>} : memref<3x512xf32, #tpu.memory_space<vmem>>, vector<1x16xf32>,
    %swap3A_319 = vector.shape_cast %swap3A_318 : vector<1x16xf32> to vector<16xf32>
    %swap3A_320 = vector.shape_cast %broadcast_in_dim3A_33 : vector<16xf32> to vector<1x16xf32>
    tpu.vector_store %arg6[%swap3A_316, %swap3A_317], %swap3A_320 {strides = array<i32>} : memref<3x512xf32, #tpu.memory_space<vmem>>, vector<1x16xf32>,
    %swap3A_321 = arith.constant 0 : i32
    %swap3A_322 = arith.index_cast %swap3A_321 : i32 to index
    %swap3A_323 = arith.constant 256 : index
    %swap3A_324 = tpu.vector_load %arg6[%swap3A_322, %swap3A_323] {strides = array<i32>} : memref<3x512xf32, #tpu.memory_space<vmem>>, vector<1x16xf32>,
    %swap3A_325 = vector.shape_cast %swap3A_324 : vector<1x16xf32> to vector<16xf32>
    %swap3A_326 = vector.shape_cast %broadcast_in_dim3A_33 : vector<16xf32> to vector<1x16xf32>
    tpu.vector_store %arg6[%swap3A_322, %swap3A_323], %swap3A_326 {strides = array<i32>} : memref<3x512xf32, #tpu.memory_space<vmem>>, vector<1x16xf32>,
    %swap3A_327 = arith.constant 1 : i32
    %swap3A_328 = arith.index_cast %swap3A_327 : i32 to index
    %swap3A_329 = arith.constant 256 : index
    %swap3A_330 = tpu.vector_load %arg6[%swap3A_328, %swap3A_329] {strides = array<i32>} : memref<3x512xf32, #tpu.memory_space<vmem>>, vector<1x16xf32>,
    %swap3A_331 = vector.shape_cast %swap3A_330 : vector<1x16xf32> to vector<16xf32>
    %swap3A_332 = vector.shape_cast %broadcast_in_dim3A_33 : vector<16xf32> to vector<1x16xf32>
    tpu.vector_store %arg6[%swap3A_328, %swap3A_329], %swap3A_332 {strides = array<i32>} : memref<3x512xf32, #tpu.memory_space<vmem>>, vector<1x16xf32>,
    %swap3A_333 = arith.constant 2 : i32
    %swap3A_334 = arith.index_cast %swap3A_333 : i32 to index
    %swap3A_335 = arith.constant 256 : index
    %swap3A_336 = tpu.vector_load %arg6[%swap3A_334, %swap3A_335] {strides = array<i32>} : memref<3x512xf32, #tpu.memory_space<vmem>>, vector<1x16xf32>,
    %swap3A_337 = vector.shape_cast %swap3A_336 : vector<1x16xf32> to vector<16xf32>
    %swap3A_338 = vector.shape_cast %broadcast_in_dim3A_33 : vector<16xf32> to vector<1x16xf32>
    tpu.vector_store %arg6[%swap3A_334, %swap3A_335], %swap3A_338 {strides = array<i32>} : memref<3x512xf32, #tpu.memory_space<vmem>>, vector<1x16xf32>,
    %swap3A_339 = arith.constant 0 : i32
    %swap3A_340 = arith.index_cast %swap3A_339 : i32 to index
    %swap3A_341 = arith.constant 272 : index
    %swap3A_342 = tpu.vector_load %arg6[%swap3A_340, %swap3A_341] {strides = array<i32>} : memref<3x512xf32, #tpu.memory_space<vmem>>, vector<1x16xf32>,
    %swap3A_343 = vector.shape_cast %swap3A_342 : vector<1x16xf32> to vector<16xf32>
    %swap3A_344 = vector.shape_cast %broadcast_in_dim3A_33 : vector<16xf32> to vector<1x16xf32>
    tpu.vector_store %arg6[%swap3A_340, %swap3A_341], %swap3A_344 {strides = array<i32>} : memref<3x512xf32, #tpu.memory_space<vmem>>, vector<1x16xf32>,
    %swap3A_345 = arith.constant 1 : i32
    %swap3A_346 = arith.index_cast %swap3A_345 : i32 to index
    %swap3A_347 = arith.constant 272 : index
    %swap3A_348 = tpu.vector_load %arg6[%swap3A_346, %swap3A_347] {strides = array<i32>} : memref<3x512xf32, #tpu.memory_space<vmem>>, vector<1x16xf32>,
    %swap3A_349 = vector.shape_cast %swap3A_348 : vector<1x16xf32> to vector<16xf32>
    %swap3A_350 = vector.shape_cast %broadcast_in_dim3A_33 : vector<16xf32> to vector<1x16xf32>
    tpu.vector_store %arg6[%swap3A_346, %swap3A_347], %swap3A_350 {strides = array<i32>} : memref<3x512xf32, #tpu.memory_space<vmem>>, vector<1x16xf32>,
    %swap3A_351 = arith.constant 2 : i32
    %swap3A_352 = arith.index_cast %swap3A_351 : i32 to index
    %swap3A_353 = arith.constant 272 : index
    %swap3A_354 = tpu.vector_load %arg6[%swap3A_352, %swap3A_353] {strides = array<i32>} : memref<3x512xf32, #tpu.memory_space<vmem>>, vector<1x16xf32>,
    %swap3A_355 = vector.shape_cast %swap3A_354 : vector<1x16xf32> to vector<16xf32>
    %swap3A_356 = vector.shape_cast %broadcast_in_dim3A_33 : vector<16xf32> to vector<1x16xf32>
    tpu.vector_store %arg6[%swap3A_352, %swap3A_353], %swap3A_356 {strides = array<i32>} : memref<3x512xf32, #tpu.memory_space<vmem>>, vector<1x16xf32>,
    %swap3A_357 = arith.constant 0 : i32
    %swap3A_358 = arith.index_cast %swap3A_357 : i32 to index
    %swap3A_359 = arith.constant 288 : index
    %swap3A_360 = tpu.vector_load %arg6[%swap3A_358, %swap3A_359] {strides = array<i32>} : memref<3x512xf32, #tpu.memory_space<vmem>>, vector<1x16xf32>,
    %swap3A_361 = vector.shape_cast %swap3A_360 : vector<1x16xf32> to vector<16xf32>
    %swap3A_362 = vector.shape_cast %broadcast_in_dim3A_33 : vector<16xf32> to vector<1x16xf32>
    tpu.vector_store %arg6[%swap3A_358, %swap3A_359], %swap3A_362 {strides = array<i32>} : memref<3x512xf32, #tpu.memory_space<vmem>>, vector<1x16xf32>,
    %swap3A_363 = arith.constant 1 : i32
    %swap3A_364 = arith.index_cast %swap3A_363 : i32 to index
    %swap3A_365 = arith.constant 288 : index
    %swap3A_366 = tpu.vector_load %arg6[%swap3A_364, %swap3A_365] {strides = array<i32>} : memref<3x512xf32, #tpu.memory_space<vmem>>, vector<1x16xf32>,
    %swap3A_367 = vector.shape_cast %swap3A_366 : vector<1x16xf32> to vector<16xf32>
    %swap3A_368 = vector.shape_cast %broadcast_in_dim3A_33 : vector<16xf32> to vector<1x16xf32>
    tpu.vector_store %arg6[%swap3A_364, %swap3A_365], %swap3A_368 {strides = array<i32>} : memref<3x512xf32, #tpu.memory_space<vmem>>, vector<1x16xf32>,
    %swap3A_369 = arith.constant 2 : i32
    %swap3A_370 = arith.index_cast %swap3A_369 : i32 to index
    %swap3A_371 = arith.constant 288 : index
    %swap3A_372 = tpu.vector_load %arg6[%swap3A_370, %swap3A_371] {strides = array<i32>} : memref<3x512xf32, #tpu.memory_space<vmem>>, vector<1x16xf32>,
    %swap3A_373 = vector.shape_cast %swap3A_372 : vector<1x16xf32> to vector<16xf32>
    %swap3A_374 = vector.shape_cast %broadcast_in_dim3A_33 : vector<16xf32> to vector<1x16xf32>
    tpu.vector_store %arg6[%swap3A_370, %swap3A_371], %swap3A_374 {strides = array<i32>} : memref<3x512xf32, #tpu.memory_space<vmem>>, vector<1x16xf32>,
    %swap3A_375 = arith.constant 0 : i32
    %swap3A_376 = arith.index_cast %swap3A_375 : i32 to index
    %swap3A_377 = arith.constant 304 : index
    %swap3A_378 = tpu.vector_load %arg6[%swap3A_376, %swap3A_377] {strides = array<i32>} : memref<3x512xf32, #tpu.memory_space<vmem>>, vector<1x16xf32>,
    %swap3A_379 = vector.shape_cast %swap3A_378 : vector<1x16xf32> to vector<16xf32>
    %swap3A_380 = vector.shape_cast %broadcast_in_dim3A_33 : vector<16xf32> to vector<1x16xf32>
    tpu.vector_store %arg6[%swap3A_376, %swap3A_377], %swap3A_380 {strides = array<i32>} : memref<3x512xf32, #tpu.memory_space<vmem>>, vector<1x16xf32>,
    %swap3A_381 = arith.constant 1 : i32
    %swap3A_382 = arith.index_cast %swap3A_381 : i32 to index
    %swap3A_383 = arith.constant 304 : index
    %swap3A_384 = tpu.vector_load %arg6[%swap3A_382, %swap3A_383] {strides = array<i32>} : memref<3x512xf32, #tpu.memory_space<vmem>>, vector<1x16xf32>,
    %swap3A_385 = vector.shape_cast %swap3A_384 : vector<1x16xf32> to vector<16xf32>
    %swap3A_386 = vector.shape_cast %broadcast_in_dim3A_33 : vector<16xf32> to vector<1x16xf32>
    tpu.vector_store %arg6[%swap3A_382, %swap3A_383], %swap3A_386 {strides = array<i32>} : memref<3x512xf32, #tpu.memory_space<vmem>>, vector<1x16xf32>,
    %swap3A_387 = arith.constant 2 : i32
    %swap3A_388 = arith.index_cast %swap3A_387 : i32 to index
    %swap3A_389 = arith.constant 304 : index
    %swap3A_390 = tpu.vector_load %arg6[%swap3A_388, %swap3A_389] {strides = array<i32>} : memref<3x512xf32, #tpu.memory_space<vmem>>, vector<1x16xf32>,
    %swap3A_391 = vector.shape_cast %swap3A_390 : vector<1x16xf32> to vector<16xf32>
    %swap3A_392 = vector.shape_cast %broadcast_in_dim3A_33 : vector<16xf32> to vector<1x16xf32>
    tpu.vector_store %arg6[%swap3A_388, %swap3A_389], %swap3A_392 {strides = array<i32>} : memref<3x512xf32, #tpu.memory_space<vmem>>, vector<1x16xf32>,
    %swap3A_393 = arith.constant 0 : i32
    %swap3A_394 = arith.index_cast %swap3A_393 : i32 to index
    %swap3A_395 = arith.constant 320 : index
    %swap3A_396 = tpu.vector_load %arg6[%swap3A_394, %swap3A_395] {strides = array<i32>} : memref<3x512xf32, #tpu.memory_space<vmem>>, vector<1x16xf32>,
    %swap3A_397 = vector.shape_cast %swap3A_396 : vector<1x16xf32> to vector<16xf32>
    %swap3A_398 = vector.shape_cast %broadcast_in_dim3A_33 : vector<16xf32> to vector<1x16xf32>
    tpu.vector_store %arg6[%swap3A_394, %swap3A_395], %swap3A_398 {strides = array<i32>} : memref<3x512xf32, #tpu.memory_space<vmem>>, vector<1x16xf32>,
    %swap3A_399 = arith.constant 1 : i32
    %swap3A_400 = arith.index_cast %swap3A_399 : i32 to index
    %swap3A_401 = arith.constant 320 : index
    %swap3A_402 = tpu.vector_load %arg6[%swap3A_400, %swap3A_401] {strides = array<i32>} : memref<3x512xf32, #tpu.memory_space<vmem>>, vector<1x16xf32>,
    %swap3A_403 = vector.shape_cast %swap3A_402 : vector<1x16xf32> to vector<16xf32>
    %swap3A_404 = vector.shape_cast %broadcast_in_dim3A_33 : vector<16xf32> to vector<1x16xf32>
    tpu.vector_store %arg6[%swap3A_400, %swap3A_401], %swap3A_404 {strides = array<i32>} : memref<3x512xf32, #tpu.memory_space<vmem>>, vector<1x16xf32>,
    %swap3A_405 = arith.constant 2 : i32
    %swap3A_406 = arith.index_cast %swap3A_405 : i32 to index
    %swap3A_407 = arith.constant 320 : index
    %swap3A_408 = tpu.vector_load %arg6[%swap3A_406, %swap3A_407] {strides = array<i32>} : memref<3x512xf32, #tpu.memory_space<vmem>>, vector<1x16xf32>,
    %swap3A_409 = vector.shape_cast %swap3A_408 : vector<1x16xf32> to vector<16xf32>
    %swap3A_410 = vector.shape_cast %broadcast_in_dim3A_33 : vector<16xf32> to vector<1x16xf32>
    tpu.vector_store %arg6[%swap3A_406, %swap3A_407], %swap3A_410 {strides = array<i32>} : memref<3x512xf32, #tpu.memory_space<vmem>>, vector<1x16xf32>,
    %swap3A_411 = arith.constant 0 : i32
    %swap3A_412 = arith.index_cast %swap3A_411 : i32 to index
    %swap3A_413 = arith.constant 336 : index
    %swap3A_414 = tpu.vector_load %arg6[%swap3A_412, %swap3A_413] {strides = array<i32>} : memref<3x512xf32, #tpu.memory_space<vmem>>, vector<1x16xf32>,
    %swap3A_415 = vector.shape_cast %swap3A_414 : vector<1x16xf32> to vector<16xf32>
    %swap3A_416 = vector.shape_cast %broadcast_in_dim3A_33 : vector<16xf32> to vector<1x16xf32>
    tpu.vector_store %arg6[%swap3A_412, %swap3A_413], %swap3A_416 {strides = array<i32>} : memref<3x512xf32, #tpu.memory_space<vmem>>, vector<1x16xf32>,
    %swap3A_417 = arith.constant 1 : i32
    %swap3A_418 = arith.index_cast %swap3A_417 : i32 to index
    %swap3A_419 = arith.constant 336 : index
    %swap3A_420 = tpu.vector_load %arg6[%swap3A_418, %swap3A_419] {strides = array<i32>} : memref<3x512xf32, #tpu.memory_space<vmem>>, vector<1x16xf32>,
    %swap3A_421 = vector.shape_cast %swap3A_420 : vector<1x16xf32> to vector<16xf32>
    %swap3A_422 = vector.shape_cast %broadcast_in_dim3A_33 : vector<16xf32> to vector<1x16xf32>
    tpu.vector_store %arg6[%swap3A_418, %swap3A_419], %swap3A_422 {strides = array<i32>} : memref<3x512xf32, #tpu.memory_space<vmem>>, vector<1x16xf32>,
    %swap3A_423 = arith.constant 2 : i32
    %swap3A_424 = arith.index_cast %swap3A_423 : i32 to index
    %swap3A_425 = arith.constant 336 : index
    %swap3A_426 = tpu.vector_load %arg6[%swap3A_424, %swap3A_425] {strides = array<i32>} : memref<3x512xf32, #tpu.memory_space<vmem>>, vector<1x16xf32>,
    %swap3A_427 = vector.shape_cast %swap3A_426 : vector<1x16xf32> to vector<16xf32>
    %swap3A_428 = vector.shape_cast %broadcast_in_dim3A_33 : vector<16xf32> to vector<1x16xf32>
    tpu.vector_store %arg6[%swap3A_424, %swap3A_425], %swap3A_428 {strides = array<i32>} : memref<3x512xf32, #tpu.memory_space<vmem>>, vector<1x16xf32>,
    %swap3A_429 = arith.constant 0 : i32
    %swap3A_430 = arith.index_cast %swap3A_429 : i32 to index
    %swap3A_431 = arith.constant 352 : index
    %swap3A_432 = tpu.vector_load %arg6[%swap3A_430, %swap3A_431] {strides = array<i32>} : memref<3x512xf32, #tpu.memory_space<vmem>>, vector<1x16xf32>,
    %swap3A_433 = vector.shape_cast %swap3A_432 : vector<1x16xf32> to vector<16xf32>
    %swap3A_434 = vector.shape_cast %broadcast_in_dim3A_33 : vector<16xf32> to vector<1x16xf32>
    tpu.vector_store %arg6[%swap3A_430, %swap3A_431], %swap3A_434 {strides = array<i32>} : memref<3x512xf32, #tpu.memory_space<vmem>>, vector<1x16xf32>,
    %swap3A_435 = arith.constant 1 : i32
    %swap3A_436 = arith.index_cast %swap3A_435 : i32 to index
    %swap3A_437 = arith.constant 352 : index
    %swap3A_438 = tpu.vector_load %arg6[%swap3A_436, %swap3A_437] {strides = array<i32>} : memref<3x512xf32, #tpu.memory_space<vmem>>, vector<1x16xf32>,
    %swap3A_439 = vector.shape_cast %swap3A_438 : vector<1x16xf32> to vector<16xf32>
    %swap3A_440 = vector.shape_cast %broadcast_in_dim3A_33 : vector<16xf32> to vector<1x16xf32>
    tpu.vector_store %arg6[%swap3A_436, %swap3A_437], %swap3A_440 {strides = array<i32>} : memref<3x512xf32, #tpu.memory_space<vmem>>, vector<1x16xf32>,
    %swap3A_441 = arith.constant 2 : i32
    %swap3A_442 = arith.index_cast %swap3A_441 : i32 to index
    %swap3A_443 = arith.constant 352 : index
    %swap3A_444 = tpu.vector_load %arg6[%swap3A_442, %swap3A_443] {strides = array<i32>} : memref<3x512xf32, #tpu.memory_space<vmem>>, vector<1x16xf32>,
    %swap3A_445 = vector.shape_cast %swap3A_444 : vector<1x16xf32> to vector<16xf32>
    %swap3A_446 = vector.shape_cast %broadcast_in_dim3A_33 : vector<16xf32> to vector<1x16xf32>
    tpu.vector_store %arg6[%swap3A_442, %swap3A_443], %swap3A_446 {strides = array<i32>} : memref<3x512xf32, #tpu.memory_space<vmem>>, vector<1x16xf32>,
    %swap3A_447 = arith.constant 0 : i32
    %swap3A_448 = arith.index_cast %swap3A_447 : i32 to index
    %swap3A_449 = arith.constant 368 : index
    %swap3A_450 = tpu.vector_load %arg6[%swap3A_448, %swap3A_449] {strides = array<i32>} : memref<3x512xf32, #tpu.memory_space<vmem>>, vector<1x16xf32>,
    %swap3A_451 = vector.shape_cast %swap3A_450 : vector<1x16xf32> to vector<16xf32>
    %swap3A_452 = vector.shape_cast %broadcast_in_dim3A_33 : vector<16xf32> to vector<1x16xf32>
    tpu.vector_store %arg6[%swap3A_448, %swap3A_449], %swap3A_452 {strides = array<i32>} : memref<3x512xf32, #tpu.memory_space<vmem>>, vector<1x16xf32>,
    %swap3A_453 = arith.constant 1 : i32
    %swap3A_454 = arith.index_cast %swap3A_453 : i32 to index
    %swap3A_455 = arith.constant 368 : index
    %swap3A_456 = tpu.vector_load %arg6[%swap3A_454, %swap3A_455] {strides = array<i32>} : memref<3x512xf32, #tpu.memory_space<vmem>>, vector<1x16xf32>,
    %swap3A_457 = vector.shape_cast %swap3A_456 : vector<1x16xf32> to vector<16xf32>
    %swap3A_458 = vector.shape_cast %broadcast_in_dim3A_33 : vector<16xf32> to vector<1x16xf32>
    tpu.vector_store %arg6[%swap3A_454, %swap3A_455], %swap3A_458 {strides = array<i32>} : memref<3x512xf32, #tpu.memory_space<vmem>>, vector<1x16xf32>,
    %swap3A_459 = arith.constant 2 : i32
    %swap3A_460 = arith.index_cast %swap3A_459 : i32 to index
    %swap3A_461 = arith.constant 368 : index
    %swap3A_462 = tpu.vector_load %arg6[%swap3A_460, %swap3A_461] {strides = array<i32>} : memref<3x512xf32, #tpu.memory_space<vmem>>, vector<1x16xf32>,
    %swap3A_463 = vector.shape_cast %swap3A_462 : vector<1x16xf32> to vector<16xf32>
    %swap3A_464 = vector.shape_cast %broadcast_in_dim3A_33 : vector<16xf32> to vector<1x16xf32>
    tpu.vector_store %arg6[%swap3A_460, %swap3A_461], %swap3A_464 {strides = array<i32>} : memref<3x512xf32, #tpu.memory_space<vmem>>, vector<1x16xf32>,
    %swap3A_465 = arith.constant 0 : i32
    %swap3A_466 = arith.index_cast %swap3A_465 : i32 to index
    %swap3A_467 = arith.constant 384 : index
    %swap3A_468 = tpu.vector_load %arg6[%swap3A_466, %swap3A_467] {strides = array<i32>} : memref<3x512xf32, #tpu.memory_space<vmem>>, vector<1x16xf32>,
    %swap3A_469 = vector.shape_cast %swap3A_468 : vector<1x16xf32> to vector<16xf32>
    %swap3A_470 = vector.shape_cast %broadcast_in_dim3A_33 : vector<16xf32> to vector<1x16xf32>
    tpu.vector_store %arg6[%swap3A_466, %swap3A_467], %swap3A_470 {strides = array<i32>} : memref<3x512xf32, #tpu.memory_space<vmem>>, vector<1x16xf32>,
    %swap3A_471 = arith.constant 1 : i32
    %swap3A_472 = arith.index_cast %swap3A_471 : i32 to index
    %swap3A_473 = arith.constant 384 : index
    %swap3A_474 = tpu.vector_load %arg6[%swap3A_472, %swap3A_473] {strides = array<i32>} : memref<3x512xf32, #tpu.memory_space<vmem>>, vector<1x16xf32>,
    %swap3A_475 = vector.shape_cast %swap3A_474 : vector<1x16xf32> to vector<16xf32>
    %swap3A_476 = vector.shape_cast %broadcast_in_dim3A_33 : vector<16xf32> to vector<1x16xf32>
    tpu.vector_store %arg6[%swap3A_472, %swap3A_473], %swap3A_476 {strides = array<i32>} : memref<3x512xf32, #tpu.memory_space<vmem>>, vector<1x16xf32>,
    %swap3A_477 = arith.constant 2 : i32
    %swap3A_478 = arith.index_cast %swap3A_477 : i32 to index
    %swap3A_479 = arith.constant 384 : index
    %swap3A_480 = tpu.vector_load %arg6[%swap3A_478, %swap3A_479] {strides = array<i32>} : memref<3x512xf32, #tpu.memory_space<vmem>>, vector<1x16xf32>,
    %swap3A_481 = vector.shape_cast %swap3A_480 : vector<1x16xf32> to vector<16xf32>
    %swap3A_482 = vector.shape_cast %broadcast_in_dim3A_33 : vector<16xf32> to vector<1x16xf32>
    tpu.vector_store %arg6[%swap3A_478, %swap3A_479], %swap3A_482 {strides = array<i32>} : memref<3x512xf32, #tpu.memory_space<vmem>>, vector<1x16xf32>,
    %swap3A_483 = arith.constant 0 : i32
    %swap3A_484 = arith.index_cast %swap3A_483 : i32 to index
    %swap3A_485 = arith.constant 400 : index
    %swap3A_486 = tpu.vector_load %arg6[%swap3A_484, %swap3A_485] {strides = array<i32>} : memref<3x512xf32, #tpu.memory_space<vmem>>, vector<1x16xf32>,
    %swap3A_487 = vector.shape_cast %swap3A_486 : vector<1x16xf32> to vector<16xf32>
    %swap3A_488 = vector.shape_cast %broadcast_in_dim3A_33 : vector<16xf32> to vector<1x16xf32>
    tpu.vector_store %arg6[%swap3A_484, %swap3A_485], %swap3A_488 {strides = array<i32>} : memref<3x512xf32, #tpu.memory_space<vmem>>, vector<1x16xf32>,
    %swap3A_489 = arith.constant 1 : i32
    %swap3A_490 = arith.index_cast %swap3A_489 : i32 to index
    %swap3A_491 = arith.constant 400 : index
    %swap3A_492 = tpu.vector_load %arg6[%swap3A_490, %swap3A_491] {strides = array<i32>} : memref<3x512xf32, #tpu.memory_space<vmem>>, vector<1x16xf32>,
    %swap3A_493 = vector.shape_cast %swap3A_492 : vector<1x16xf32> to vector<16xf32>
    %swap3A_494 = vector.shape_cast %broadcast_in_dim3A_33 : vector<16xf32> to vector<1x16xf32>
    tpu.vector_store %arg6[%swap3A_490, %swap3A_491], %swap3A_494 {strides = array<i32>} : memref<3x512xf32, #tpu.memory_space<vmem>>, vector<1x16xf32>,
    %swap3A_495 = arith.constant 2 : i32
    %swap3A_496 = arith.index_cast %swap3A_495 : i32 to index
    %swap3A_497 = arith.constant 400 : index
    %swap3A_498 = tpu.vector_load %arg6[%swap3A_496, %swap3A_497] {strides = array<i32>} : memref<3x512xf32, #tpu.memory_space<vmem>>, vector<1x16xf32>,
    %swap3A_499 = vector.shape_cast %swap3A_498 : vector<1x16xf32> to vector<16xf32>
    %swap3A_500 = vector.shape_cast %broadcast_in_dim3A_33 : vector<16xf32> to vector<1x16xf32>
    tpu.vector_store %arg6[%swap3A_496, %swap3A_497], %swap3A_500 {strides = array<i32>} : memref<3x512xf32, #tpu.memory_space<vmem>>, vector<1x16xf32>,
    %swap3A_501 = arith.constant 0 : i32
    %swap3A_502 = arith.index_cast %swap3A_501 : i32 to index
    %swap3A_503 = arith.constant 416 : index
    %swap3A_504 = tpu.vector_load %arg6[%swap3A_502, %swap3A_503] {strides = array<i32>} : memref<3x512xf32, #tpu.memory_space<vmem>>, vector<1x16xf32>,
    %swap3A_505 = vector.shape_cast %swap3A_504 : vector<1x16xf32> to vector<16xf32>
    %swap3A_506 = vector.shape_cast %broadcast_in_dim3A_33 : vector<16xf32> to vector<1x16xf32>
    tpu.vector_store %arg6[%swap3A_502, %swap3A_503], %swap3A_506 {strides = array<i32>} : memref<3x512xf32, #tpu.memory_space<vmem>>, vector<1x16xf32>,
    %swap3A_507 = arith.constant 1 : i32
    %swap3A_508 = arith.index_cast %swap3A_507 : i32 to index
    %swap3A_509 = arith.constant 416 : index
    %swap3A_510 = tpu.vector_load %arg6[%swap3A_508, %swap3A_509] {strides = array<i32>} : memref<3x512xf32, #tpu.memory_space<vmem>>, vector<1x16xf32>,
    %swap3A_511 = vector.shape_cast %swap3A_510 : vector<1x16xf32> to vector<16xf32>
    %swap3A_512 = vector.shape_cast %broadcast_in_dim3A_33 : vector<16xf32> to vector<1x16xf32>
    tpu.vector_store %arg6[%swap3A_508, %swap3A_509], %swap3A_512 {strides = array<i32>} : memref<3x512xf32, #tpu.memory_space<vmem>>, vector<1x16xf32>,
    %swap3A_513 = arith.constant 2 : i32
    %swap3A_514 = arith.index_cast %swap3A_513 : i32 to index
    %swap3A_515 = arith.constant 416 : index
    %swap3A_516 = tpu.vector_load %arg6[%swap3A_514, %swap3A_515] {strides = array<i32>} : memref<3x512xf32, #tpu.memory_space<vmem>>, vector<1x16xf32>,
    %swap3A_517 = vector.shape_cast %swap3A_516 : vector<1x16xf32> to vector<16xf32>
    %swap3A_518 = vector.shape_cast %broadcast_in_dim3A_33 : vector<16xf32> to vector<1x16xf32>
    tpu.vector_store %arg6[%swap3A_514, %swap3A_515], %swap3A_518 {strides = array<i32>} : memref<3x512xf32, #tpu.memory_space<vmem>>, vector<1x16xf32>,
    %swap3A_519 = arith.constant 0 : i32
    %swap3A_520 = arith.index_cast %swap3A_519 : i32 to index
    %swap3A_521 = arith.constant 432 : index
    %swap3A_522 = tpu.vector_load %arg6[%swap3A_520, %swap3A_521] {strides = array<i32>} : memref<3x512xf32, #tpu.memory_space<vmem>>, vector<1x16xf32>,
    %swap3A_523 = vector.shape_cast %swap3A_522 : vector<1x16xf32> to vector<16xf32>
    %swap3A_524 = vector.shape_cast %broadcast_in_dim3A_33 : vector<16xf32> to vector<1x16xf32>
    tpu.vector_store %arg6[%swap3A_520, %swap3A_521], %swap3A_524 {strides = array<i32>} : memref<3x512xf32, #tpu.memory_space<vmem>>, vector<1x16xf32>,
    %swap3A_525 = arith.constant 1 : i32
    %swap3A_526 = arith.index_cast %swap3A_525 : i32 to index
    %swap3A_527 = arith.constant 432 : index
    %swap3A_528 = tpu.vector_load %arg6[%swap3A_526, %swap3A_527] {strides = array<i32>} : memref<3x512xf32, #tpu.memory_space<vmem>>, vector<1x16xf32>,
    %swap3A_529 = vector.shape_cast %swap3A_528 : vector<1x16xf32> to vector<16xf32>
    %swap3A_530 = vector.shape_cast %broadcast_in_dim3A_33 : vector<16xf32> to vector<1x16xf32>
    tpu.vector_store %arg6[%swap3A_526, %swap3A_527], %swap3A_530 {strides = array<i32>} : memref<3x512xf32, #tpu.memory_space<vmem>>, vector<1x16xf32>,
    %swap3A_531 = arith.constant 2 : i32
    %swap3A_532 = arith.index_cast %swap3A_531 : i32 to index
    %swap3A_533 = arith.constant 432 : index
    %swap3A_534 = tpu.vector_load %arg6[%swap3A_532, %swap3A_533] {strides = array<i32>} : memref<3x512xf32, #tpu.memory_space<vmem>>, vector<1x16xf32>,
    %swap3A_535 = vector.shape_cast %swap3A_534 : vector<1x16xf32> to vector<16xf32>
    %swap3A_536 = vector.shape_cast %broadcast_in_dim3A_33 : vector<16xf32> to vector<1x16xf32>
    tpu.vector_store %arg6[%swap3A_532, %swap3A_533], %swap3A_536 {strides = array<i32>} : memref<3x512xf32, #tpu.memory_space<vmem>>, vector<1x16xf32>,
    %swap3A_537 = arith.constant 0 : i32
    %swap3A_538 = arith.index_cast %swap3A_537 : i32 to index
    %swap3A_539 = arith.constant 448 : index
    %swap3A_540 = tpu.vector_load %arg6[%swap3A_538, %swap3A_539] {strides = array<i32>} : memref<3x512xf32, #tpu.memory_space<vmem>>, vector<1x16xf32>,
    %swap3A_541 = vector.shape_cast %swap3A_540 : vector<1x16xf32> to vector<16xf32>
    %swap3A_542 = vector.shape_cast %broadcast_in_dim3A_33 : vector<16xf32> to vector<1x16xf32>
    tpu.vector_store %arg6[%swap3A_538, %swap3A_539], %swap3A_542 {strides = array<i32>} : memref<3x512xf32, #tpu.memory_space<vmem>>, vector<1x16xf32>,
    %swap3A_543 = arith.constant 1 : i32
    %swap3A_544 = arith.index_cast %swap3A_543 : i32 to index
    %swap3A_545 = arith.constant 448 : index
    %swap3A_546 = tpu.vector_load %arg6[%swap3A_544, %swap3A_545] {strides = array<i32>} : memref<3x512xf32, #tpu.memory_space<vmem>>, vector<1x16xf32>,
    %swap3A_547 = vector.shape_cast %swap3A_546 : vector<1x16xf32> to vector<16xf32>
    %swap3A_548 = vector.shape_cast %broadcast_in_dim3A_33 : vector<16xf32> to vector<1x16xf32>
    tpu.vector_store %arg6[%swap3A_544, %swap3A_545], %swap3A_548 {strides = array<i32>} : memref<3x512xf32, #tpu.memory_space<vmem>>, vector<1x16xf32>,
    %swap3A_549 = arith.constant 2 : i32
    %swap3A_550 = arith.index_cast %swap3A_549 : i32 to index
    %swap3A_551 = arith.constant 448 : index
    %swap3A_552 = tpu.vector_load %arg6[%swap3A_550, %swap3A_551] {strides = array<i32>} : memref<3x512xf32, #tpu.memory_space<vmem>>, vector<1x16xf32>,
    %swap3A_553 = vector.shape_cast %swap3A_552 : vector<1x16xf32> to vector<16xf32>
    %swap3A_554 = vector.shape_cast %broadcast_in_dim3A_33 : vector<16xf32> to vector<1x16xf32>
    tpu.vector_store %arg6[%swap3A_550, %swap3A_551], %swap3A_554 {strides = array<i32>} : memref<3x512xf32, #tpu.memory_space<vmem>>, vector<1x16xf32>,
    %swap3A_555 = arith.constant 0 : i32
    %swap3A_556 = arith.index_cast %swap3A_555 : i32 to index
    %swap3A_557 = arith.constant 464 : index
    %swap3A_558 = tpu.vector_load %arg6[%swap3A_556, %swap3A_557] {strides = array<i32>} : memref<3x512xf32, #tpu.memory_space<vmem>>, vector<1x16xf32>,
    %swap3A_559 = vector.shape_cast %swap3A_558 : vector<1x16xf32> to vector<16xf32>
    %swap3A_560 = vector.shape_cast %broadcast_in_dim3A_33 : vector<16xf32> to vector<1x16xf32>
    tpu.vector_store %arg6[%swap3A_556, %swap3A_557], %swap3A_560 {strides = array<i32>} : memref<3x512xf32, #tpu.memory_space<vmem>>, vector<1x16xf32>,
    %swap3A_561 = arith.constant 1 : i32
    %swap3A_562 = arith.index_cast %swap3A_561 : i32 to index
    %swap3A_563 = arith.constant 464 : index
    %swap3A_564 = tpu.vector_load %arg6[%swap3A_562, %swap3A_563] {strides = array<i32>} : memref<3x512xf32, #tpu.memory_space<vmem>>, vector<1x16xf32>,
    %swap3A_565 = vector.shape_cast %swap3A_564 : vector<1x16xf32> to vector<16xf32>
    %swap3A_566 = vector.shape_cast %broadcast_in_dim3A_33 : vector<16xf32> to vector<1x16xf32>
    tpu.vector_store %arg6[%swap3A_562, %swap3A_563], %swap3A_566 {strides = array<i32>} : memref<3x512xf32, #tpu.memory_space<vmem>>, vector<1x16xf32>,
    %swap3A_567 = arith.constant 2 : i32
    %swap3A_568 = arith.index_cast %swap3A_567 : i32 to index
    %swap3A_569 = arith.constant 464 : index
    %swap3A_570 = tpu.vector_load %arg6[%swap3A_568, %swap3A_569] {strides = array<i32>} : memref<3x512xf32, #tpu.memory_space<vmem>>, vector<1x16xf32>,
    %swap3A_571 = vector.shape_cast %swap3A_570 : vector<1x16xf32> to vector<16xf32>
    %swap3A_572 = vector.shape_cast %broadcast_in_dim3A_33 : vector<16xf32> to vector<1x16xf32>
    tpu.vector_store %arg6[%swap3A_568, %swap3A_569], %swap3A_572 {strides = array<i32>} : memref<3x512xf32, #tpu.memory_space<vmem>>, vector<1x16xf32>,
    %swap3A_573 = arith.constant 0 : i32
    %swap3A_574 = arith.index_cast %swap3A_573 : i32 to index
    %swap3A_575 = arith.constant 480 : index
    %swap3A_576 = tpu.vector_load %arg6[%swap3A_574, %swap3A_575] {strides = array<i32>} : memref<3x512xf32, #tpu.memory_space<vmem>>, vector<1x16xf32>,
    %swap3A_577 = vector.shape_cast %swap3A_576 : vector<1x16xf32> to vector<16xf32>
    %swap3A_578 = vector.shape_cast %broadcast_in_dim3A_33 : vector<16xf32> to vector<1x16xf32>
    tpu.vector_store %arg6[%swap3A_574, %swap3A_575], %swap3A_578 {strides = array<i32>} : memref<3x512xf32, #tpu.memory_space<vmem>>, vector<1x16xf32>,
    %swap3A_579 = arith.constant 1 : i32
    %swap3A_580 = arith.index_cast %swap3A_579 : i32 to index
    %swap3A_581 = arith.constant 480 : index
    %swap3A_582 = tpu.vector_load %arg6[%swap3A_580, %swap3A_581] {strides = array<i32>} : memref<3x512xf32, #tpu.memory_space<vmem>>, vector<1x16xf32>,
    %swap3A_583 = vector.shape_cast %swap3A_582 : vector<1x16xf32> to vector<16xf32>
    %swap3A_584 = vector.shape_cast %broadcast_in_dim3A_33 : vector<16xf32> to vector<1x16xf32>
    tpu.vector_store %arg6[%swap3A_580, %swap3A_581], %swap3A_584 {strides = array<i32>} : memref<3x512xf32, #tpu.memory_space<vmem>>, vector<1x16xf32>,
    %swap3A_585 = arith.constant 2 : i32
    %swap3A_586 = arith.index_cast %swap3A_585 : i32 to index
    %swap3A_587 = arith.constant 480 : index
    %swap3A_588 = tpu.vector_load %arg6[%swap3A_586, %swap3A_587] {strides = array<i32>} : memref<3x512xf32, #tpu.memory_space<vmem>>, vector<1x16xf32>,
    %swap3A_589 = vector.shape_cast %swap3A_588 : vector<1x16xf32> to vector<16xf32>
    %swap3A_590 = vector.shape_cast %broadcast_in_dim3A_33 : vector<16xf32> to vector<1x16xf32>
    tpu.vector_store %arg6[%swap3A_586, %swap3A_587], %swap3A_590 {strides = array<i32>} : memref<3x512xf32, #tpu.memory_space<vmem>>, vector<1x16xf32>,
    %swap3A_591 = arith.constant 0 : i32
    %swap3A_592 = arith.index_cast %swap3A_591 : i32 to index
    %swap3A_593 = arith.constant 496 : index
    %swap3A_594 = tpu.vector_load %arg6[%swap3A_592, %swap3A_593] {strides = array<i32>} : memref<3x512xf32, #tpu.memory_space<vmem>>, vector<1x16xf32>,
    %swap3A_595 = vector.shape_cast %swap3A_594 : vector<1x16xf32> to vector<16xf32>
    %swap3A_596 = vector.shape_cast %broadcast_in_dim3A_33 : vector<16xf32> to vector<1x16xf32>
    tpu.vector_store %arg6[%swap3A_592, %swap3A_593], %swap3A_596 {strides = array<i32>} : memref<3x512xf32, #tpu.memory_space<vmem>>, vector<1x16xf32>,
    %swap3A_597 = arith.constant 1 : i32
    %swap3A_598 = arith.index_cast %swap3A_597 : i32 to index
    %swap3A_599 = arith.constant 496 : index
    %swap3A_600 = tpu.vector_load %arg6[%swap3A_598, %swap3A_599] {strides = array<i32>} : memref<3x512xf32, #tpu.memory_space<vmem>>, vector<1x16xf32>,
    %swap3A_601 = vector.shape_cast %swap3A_600 : vector<1x16xf32> to vector<16xf32>
    %swap3A_602 = vector.shape_cast %broadcast_in_dim3A_33 : vector<16xf32> to vector<1x16xf32>
    tpu.vector_store %arg6[%swap3A_598, %swap3A_599], %swap3A_602 {strides = array<i32>} : memref<3x512xf32, #tpu.memory_space<vmem>>, vector<1x16xf32>,
    %swap3A_603 = arith.constant 2 : i32
    %swap3A_604 = arith.index_cast %swap3A_603 : i32 to index
    %swap3A_605 = arith.constant 496 : index
    %swap3A_606 = tpu.vector_load %arg6[%swap3A_604, %swap3A_605] {strides = array<i32>} : memref<3x512xf32, #tpu.memory_space<vmem>>, vector<1x16xf32>,
    %swap3A_607 = vector.shape_cast %swap3A_606 : vector<1x16xf32> to vector<16xf32>
    %swap3A_608 = vector.shape_cast %broadcast_in_dim3A_33 : vector<16xf32> to vector<1x16xf32>
    tpu.vector_store %arg6[%swap3A_604, %swap3A_605], %swap3A_608 {strides = array<i32>} : memref<3x512xf32, #tpu.memory_space<vmem>>, vector<1x16xf32>,
    %dma_start3A = arith.constant 0 : i32
    %dma_start3A_609 = tpu.memref_slice %arg2[%select_n3A, %dma_start3A, %mul3A_32] : memref<4x2048x4096xf32, #tpu.memory_space<hbm>> -> memref<1x64x512xf32, #tpu.memory_space<hbm>>
    %dma_start3A_610 = tpu.memref_squeeze %dma_start3A_609 : memref<1x64x512xf32, #tpu.memory_space<hbm>> -> memref<64x512xf32, #tpu.memory_space<hbm>>
    %dma_start3A_611 = arith.constant 0 : i32
    %dma_start3A_612 = tpu.memref_slice %arg2[%select_n3A, %dma_start3A_611, %mul3A_32] : memref<4x2048x4096xf32, #tpu.memory_space<hbm>> -> memref<1x64x512xf32, #tpu.memory_space<hbm>>
    %dma_start3A_613 = tpu.memref_squeeze %dma_start3A_612 : memref<1x64x512xf32, #tpu.memory_space<hbm>> -> memref<64x512xf32, #tpu.memory_space<hbm>>
    tpu.enqueue_dma source(%dma_start3A_613 : memref<64x512xf32, #tpu.memory_space<hbm>>) target(%arg4 : memref<64x512xf32, #tpu.memory_space<vmem>>) target_semaphore(%arg7 : memref<!tpu.dma_semaphore, #tpu.memory_space<semaphore_mem>>)
    %dma_start3A_614 = arith.constant 64 : i32
    %dma_start3A_615 = tpu.memref_slice %arg2[%select_n3A, %dma_start3A_614, %mul3A_32] : memref<4x2048x4096xf32, #tpu.memory_space<hbm>> -> memref<1x64x512xf32, #tpu.memory_space<hbm>>
    %dma_start3A_616 = tpu.memref_squeeze %dma_start3A_615 : memref<1x64x512xf32, #tpu.memory_space<hbm>> -> memref<64x512xf32, #tpu.memory_space<hbm>>
    %dma_start3A_617 = arith.constant 64 : i32
    %dma_start3A_618 = tpu.memref_slice %arg2[%select_n3A, %dma_start3A_617, %mul3A_32] : memref<4x2048x4096xf32, #tpu.memory_space<hbm>> -> memref<1x64x512xf32, #tpu.memory_space<hbm>>
    %dma_start3A_619 = tpu.memref_squeeze %dma_start3A_618 : memref<1x64x512xf32, #tpu.memory_space<hbm>> -> memref<64x512xf32, #tpu.memory_space<hbm>>
    tpu.enqueue_dma source(%dma_start3A_619 : memref<64x512xf32, #tpu.memory_space<hbm>>) target(%arg5 : memref<64x512xf32, #tpu.memory_space<vmem>>) target_semaphore(%arg8 : memref<!tpu.dma_semaphore, #tpu.memory_space<semaphore_mem>>)
    %scan3A = arith.constant 0 : i32
    %scan3A_620 = arith.constant 16 : i32
    %scan3A_621 = arith.addi %scan3A, %scan3A_620 : i32
    %scan3A_622 = arith.constant 1 : i32
    scf.for %scan3A_624 = %scan3A to %scan3A_621 step %scan3A_622  : i32 {
      %mul3A_625 = arith.constant 1 : i32
      %mul3A_626 = arith.muli %scan3A_624, %mul3A_625 : i32
      %add3A_627 = arith.constant 0 : i32
      %add3A_628 = arith.addi %add3A_627, %mul3A_626 : i32
      %mul3A_629 = arith.constant 2 : i32
      %mul3A_630 = arith.muli %add3A_628, %mul3A_629 : i32
      %dma_wait3A = arith.constant 0 : i32
      %dma_wait3A_631 = tpu.memref_slice %arg2[%select_n3A, %dma_wait3A, %mul3A_32] : memref<4x2048x4096xf32, #tpu.memory_space<hbm>> -> memref<1x64x512xf32, #tpu.memory_space<hbm>>
      %dma_wait3A_632 = tpu.memref_squeeze %dma_wait3A_631 : memref<1x64x512xf32, #tpu.memory_space<hbm>> -> memref<64x512xf32, #tpu.memory_space<hbm>>
      %dma_wait3A_633 = arith.constant 0 : i32
      %dma_wait3A_634 = tpu.memref_slice %arg2[%select_n3A, %dma_wait3A_633, %mul3A_32] : memref<4x2048x4096xf32, #tpu.memory_space<hbm>> -> memref<1x64x512xf32, #tpu.memory_space<hbm>>
      %dma_wait3A_635 = tpu.memref_squeeze %dma_wait3A_634 : memref<1x64x512xf32, #tpu.memory_space<hbm>> -> memref<64x512xf32, #tpu.memory_space<hbm>>
      tpu.wait_dma2 semaphore(%arg7 : memref<!tpu.dma_semaphore, #tpu.memory_space<semaphore_mem>>) src(%dma_wait3A_635 : memref<64x512xf32, #tpu.memory_space<hbm>>) dst(%arg4 : memref<64x512xf32, #tpu.memory_space<vmem>>)
      %scan3A_636 = arith.constant 0 : i32
      %scan3A_637 = arith.constant 32 : i32
      %scan3A_638 = arith.addi %scan3A_636, %scan3A_637 : i32
      %scan3A_639 = arith.constant 1 : i32
      scf.for %scan3A_664 = %scan3A_636 to %scan3A_638 step %scan3A_639  : i32 {
        %mul3A_665 = arith.constant 1 : i32
        %mul3A_666 = arith.muli %scan3A_664, %mul3A_665 : i32
        %add3A_667 = arith.constant 0 : i32
        %add3A_668 = arith.addi %add3A_667, %mul3A_666 : i32
        %mul3A_669 = arith.constant 16 : i32
        %mul3A_670 = arith.muli %add3A_668, %mul3A_669 : i32
        %get3A = arith.constant 0 : i32
        %get3A_671 = arith.index_cast %get3A : i32 to index
        %get3A_672 = arith.index_cast %mul3A_670 : i32 to index
        %get3A_673 = tpu.vector_load %arg6[%get3A_671, %get3A_672] {strides = array<i32>} : memref<3x512xf32, #tpu.memory_space<vmem>>, vector<1x16xf32>,
        %get3A_674 = vector.shape_cast %get3A_673 : vector<1x16xf32> to vector<16xf32>
        %get3A_675 = arith.constant 1 : i32
        %get3A_676 = arith.index_cast %get3A_675 : i32 to index
        %get3A_677 = arith.index_cast %mul3A_670 : i32 to index
        %get3A_678 = tpu.vector_load %arg6[%get3A_676, %get3A_677] {strides = array<i32>} : memref<3x512xf32, #tpu.memory_space<vmem>>, vector<1x16xf32>,
        %get3A_679 = vector.shape_cast %get3A_678 : vector<1x16xf32> to vector<16xf32>
        %get3A_680 = arith.constant 2 : i32
        %get3A_681 = arith.index_cast %get3A_680 : i32 to index
        %get3A_682 = arith.index_cast %mul3A_670 : i32 to index
        %get3A_683 = tpu.vector_load %arg6[%get3A_681, %get3A_682] {strides = array<i32>} : memref<3x512xf32, #tpu.memory_space<vmem>>, vector<1x16xf32>,
        %get3A_684 = vector.shape_cast %get3A_683 : vector<1x16xf32> to vector<16xf32>
        %get3A_685 = arith.constant 0 : i32
        %get3A_686 = arith.index_cast %get3A_685 : i32 to index
        %get3A_687 = arith.index_cast %mul3A_670 : i32 to index
        %get3A_688 = tpu.vector_load %arg4[%get3A_686, %get3A_687] {strides = array<i32>} : memref<64x512xf32, #tpu.memory_space<vmem>>, vector<1x16xf32>,
        %get3A_689 = vector.shape_cast %get3A_688 : vector<1x16xf32> to vector<16xf32>
        %get3A_690 = arith.constant 1 : i32
        %get3A_691 = arith.index_cast %get3A_690 : i32 to index
        %get3A_692 = arith.index_cast %mul3A_670 : i32 to index
        %get3A_693 = tpu.vector_load %arg4[%get3A_691, %get3A_692] {strides = array<i32>} : memref<64x512xf32, #tpu.memory_space<vmem>>, vector<1x16xf32>,
        %get3A_694 = vector.shape_cast %get3A_693 : vector<1x16xf32> to vector<16xf32>
        %max3A = arith.maximumf %get3A_689, %get3A_694 : vector<16xf32>
        %min3A = arith.minimumf %get3A_689, %get3A_694 : vector<16xf32>
        %min3A_695 = arith.minimumf %get3A_674, %max3A : vector<16xf32>
        %max3A_696 = arith.maximumf %get3A_674, %max3A : vector<16xf32>
        %max3A_697 = arith.maximumf %get3A_679, %min3A : vector<16xf32>
        %max3A_698 = arith.maximumf %min3A_695, %max3A_697 : vector<16xf32>
        %min3A_699 = arith.minimumf %min3A_695, %max3A_697 : vector<16xf32>
        %max3A_700 = arith.maximumf %get3A_684, %min3A_699 : vector<16xf32>
        %get3A_701 = arith.constant 2 : i32
        %get3A_702 = arith.index_cast %get3A_701 : i32 to index
        %get3A_703 = arith.index_cast %mul3A_670 : i32 to index
        %get3A_704 = tpu.vector_load %arg4[%get3A_702, %get3A_703] {strides = array<i32>} : memref<64x512xf32, #tpu.memory_space<vmem>>, vector<1x16xf32>,
        %get3A_705 = vector.shape_cast %get3A_704 : vector<1x16xf32> to vector<16xf32>
        %get3A_706 = arith.constant 3 : i32
        %get3A_707 = arith.index_cast %get3A_706 : i32 to index
        %get3A_708 = arith.index_cast %mul3A_670 : i32 to index
        %get3A_709 = tpu.vector_load %arg4[%get3A_707, %get3A_708] {strides = array<i32>} : memref<64x512xf32, #tpu.memory_space<vmem>>, vector<1x16xf32>,
        %get3A_710 = vector.shape_cast %get3A_709 : vector<1x16xf32> to vector<16xf32>
        %max3A_711 = arith.maximumf %get3A_705, %get3A_710 : vector<16xf32>
        %min3A_712 = arith.minimumf %get3A_705, %get3A_710 : vector<16xf32>
        %min3A_713 = arith.minimumf %max3A_696, %max3A_711 : vector<16xf32>
        %max3A_714 = arith.maximumf %max3A_696, %max3A_711 : vector<16xf32>
        %max3A_715 = arith.maximumf %max3A_698, %min3A_712 : vector<16xf32>
        %max3A_716 = arith.maximumf %min3A_713, %max3A_715 : vector<16xf32>
        %min3A_717 = arith.minimumf %min3A_713, %max3A_715 : vector<16xf32>
        %max3A_718 = arith.maximumf %max3A_700, %min3A_717 : vector<16xf32>
        %get3A_719 = arith.constant 4 : i32
        %get3A_720 = arith.index_cast %get3A_719 : i32 to index
        %get3A_721 = arith.index_cast %mul3A_670 : i32 to index
        %get3A_722 = tpu.vector_load %arg4[%get3A_720, %get3A_721] {strides = array<i32>} : memref<64x512xf32, #tpu.memory_space<vmem>>, vector<1x16xf32>,
        %get3A_723 = vector.shape_cast %get3A_722 : vector<1x16xf32> to vector<16xf32>
        %get3A_724 = arith.constant 5 : i32
        %get3A_725 = arith.index_cast %get3A_724 : i32 to index
        %get3A_726 = arith.index_cast %mul3A_670 : i32 to index
        %get3A_727 = tpu.vector_load %arg4[%get3A_725, %get3A_726] {strides = array<i32>} : memref<64x512xf32, #tpu.memory_space<vmem>>, vector<1x16xf32>,
        %get3A_728 = vector.shape_cast %get3A_727 : vector<1x16xf32> to vector<16xf32>
        %max3A_729 = arith.maximumf %get3A_723, %get3A_728 : vector<16xf32>
        %min3A_730 = arith.minimumf %get3A_723, %get3A_728 : vector<16xf32>
        %min3A_731 = arith.minimumf %max3A_714, %max3A_729 : vector<16xf32>
        %max3A_732 = arith.maximumf %max3A_714, %max3A_729 : vector<16xf32>
        %max3A_733 = arith.maximumf %max3A_716, %min3A_730 : vector<16xf32>
        %max3A_734 = arith.maximumf %min3A_731, %max3A_733 : vector<16xf32>
        %min3A_735 = arith.minimumf %min3A_731, %max3A_733 : vector<16xf32>
        %max3A_736 = arith.maximumf %max3A_718, %min3A_735 : vector<16xf32>
        %get3A_737 = arith.constant 6 : i32
        %get3A_738 = arith.index_cast %get3A_737 : i32 to index
        %get3A_739 = arith.index_cast %mul3A_670 : i32 to index
        %get3A_740 = tpu.vector_load %arg4[%get3A_738, %get3A_739] {strides = array<i32>} : memref<64x512xf32, #tpu.memory_space<vmem>>, vector<1x16xf32>,
        %get3A_741 = vector.shape_cast %get3A_740 : vector<1x16xf32> to vector<16xf32>
        %get3A_742 = arith.constant 7 : i32
        %get3A_743 = arith.index_cast %get3A_742 : i32 to index
        %get3A_744 = arith.index_cast %mul3A_670 : i32 to index
        %get3A_745 = tpu.vector_load %arg4[%get3A_743, %get3A_744] {strides = array<i32>} : memref<64x512xf32, #tpu.memory_space<vmem>>, vector<1x16xf32>,
        %get3A_746 = vector.shape_cast %get3A_745 : vector<1x16xf32> to vector<16xf32>
        %max3A_747 = arith.maximumf %get3A_741, %get3A_746 : vector<16xf32>
        %min3A_748 = arith.minimumf %get3A_741, %get3A_746 : vector<16xf32>
        %min3A_749 = arith.minimumf %max3A_732, %max3A_747 : vector<16xf32>
        %max3A_750 = arith.maximumf %max3A_732, %max3A_747 : vector<16xf32>
        %max3A_751 = arith.maximumf %max3A_734, %min3A_748 : vector<16xf32>
        %max3A_752 = arith.maximumf %min3A_749, %max3A_751 : vector<16xf32>
        %min3A_753 = arith.minimumf %min3A_749, %max3A_751 : vector<16xf32>
        %max3A_754 = arith.maximumf %max3A_736, %min3A_753 : vector<16xf32>
        %get3A_755 = arith.constant 8 : i32
        %get3A_756 = arith.index_cast %get3A_755 : i32 to index
        %get3A_757 = arith.index_cast %mul3A_670 : i32 to index
        %get3A_758 = tpu.vector_load %arg4[%get3A_756, %get3A_757] {strides = array<i32>} : memref<64x512xf32, #tpu.memory_space<vmem>>, vector<1x16xf32>,
        %get3A_759 = vector.shape_cast %get3A_758 : vector<1x16xf32> to vector<16xf32>
        %get3A_760 = arith.constant 9 : i32
        %get3A_761 = arith.index_cast %get3A_760 : i32 to index
        %get3A_762 = arith.index_cast %mul3A_670 : i32 to index
        %get3A_763 = tpu.vector_load %arg4[%get3A_761, %get3A_762] {strides = array<i32>} : memref<64x512xf32, #tpu.memory_space<vmem>>, vector<1x16xf32>,
        %get3A_764 = vector.shape_cast %get3A_763 : vector<1x16xf32> to vector<16xf32>
        %max3A_765 = arith.maximumf %get3A_759, %get3A_764 : vector<16xf32>
        %min3A_766 = arith.minimumf %get3A_759, %get3A_764 : vector<16xf32>
        %min3A_767 = arith.minimumf %max3A_750, %max3A_765 : vector<16xf32>
        %max3A_768 = arith.maximumf %max3A_750, %max3A_765 : vector<16xf32>
        %max3A_769 = arith.maximumf %max3A_752, %min3A_766 : vector<16xf32>
        %max3A_770 = arith.maximumf %min3A_767, %max3A_769 : vector<16xf32>
        %min3A_771 = arith.minimumf %min3A_767, %max3A_769 : vector<16xf32>
        %max3A_772 = arith.maximumf %max3A_754, %min3A_771 : vector<16xf32>
        %get3A_773 = arith.constant 10 : i32
        %get3A_774 = arith.index_cast %get3A_773 : i32 to index
        %get3A_775 = arith.index_cast %mul3A_670 : i32 to index
        %get3A_776 = tpu.vector_load %arg4[%get3A_774, %get3A_775] {strides = array<i32>} : memref<64x512xf32, #tpu.memory_space<vmem>>, vector<1x16xf32>,
        %get3A_777 = vector.shape_cast %get3A_776 : vector<1x16xf32> to vector<16xf32>
        %get3A_778 = arith.constant 11 : i32
        %get3A_779 = arith.index_cast %get3A_778 : i32 to index
        %get3A_780 = arith.index_cast %mul3A_670 : i32 to index
        %get3A_781 = tpu.vector_load %arg4[%get3A_779, %get3A_780] {strides = array<i32>} : memref<64x512xf32, #tpu.memory_space<vmem>>, vector<1x16xf32>,
        %get3A_782 = vector.shape_cast %get3A_781 : vector<1x16xf32> to vector<16xf32>
        %max3A_783 = arith.maximumf %get3A_777, %get3A_782 : vector<16xf32>
        %min3A_784 = arith.minimumf %get3A_777, %get3A_782 : vector<16xf32>
        %min3A_785 = arith.minimumf %max3A_768, %max3A_783 : vector<16xf32>
        %max3A_786 = arith.maximumf %max3A_768, %max3A_783 : vector<16xf32>
        %max3A_787 = arith.maximumf %max3A_770, %min3A_784 : vector<16xf32>
        %max3A_788 = arith.maximumf %min3A_785, %max3A_787 : vector<16xf32>
        %min3A_789 = arith.minimumf %min3A_785, %max3A_787 : vector<16xf32>
        %max3A_790 = arith.maximumf %max3A_772, %min3A_789 : vector<16xf32>
        %get3A_791 = arith.constant 12 : i32
        %get3A_792 = arith.index_cast %get3A_791 : i32 to index
        %get3A_793 = arith.index_cast %mul3A_670 : i32 to index
        %get3A_794 = tpu.vector_load %arg4[%get3A_792, %get3A_793] {strides = array<i32>} : memref<64x512xf32, #tpu.memory_space<vmem>>, vector<1x16xf32>,
        %get3A_795 = vector.shape_cast %get3A_794 : vector<1x16xf32> to vector<16xf32>
        %get3A_796 = arith.constant 13 : i32
        %get3A_797 = arith.index_cast %get3A_796 : i32 to index
        %get3A_798 = arith.index_cast %mul3A_670 : i32 to index
        %get3A_799 = tpu.vector_load %arg4[%get3A_797, %get3A_798] {strides = array<i32>} : memref<64x512xf32, #tpu.memory_space<vmem>>, vector<1x16xf32>,
        %get3A_800 = vector.shape_cast %get3A_799 : vector<1x16xf32> to vector<16xf32>
        %max3A_801 = arith.maximumf %get3A_795, %get3A_800 : vector<16xf32>
        %min3A_802 = arith.minimumf %get3A_795, %get3A_800 : vector<16xf32>
        %min3A_803 = arith.minimumf %max3A_786, %max3A_801 : vector<16xf32>
        %max3A_804 = arith.maximumf %max3A_786, %max3A_801 : vector<16xf32>
        %max3A_805 = arith.maximumf %max3A_788, %min3A_802 : vector<16xf32>
        %max3A_806 = arith.maximumf %min3A_803, %max3A_805 : vector<16xf32>
        %min3A_807 = arith.minimumf %min3A_803, %max3A_805 : vector<16xf32>
        %max3A_808 = arith.maximumf %max3A_790, %min3A_807 : vector<16xf32>
        %get3A_809 = arith.constant 14 : i32
        %get3A_810 = arith.index_cast %get3A_809 : i32 to index
        %get3A_811 = arith.index_cast %mul3A_670 : i32 to index
        %get3A_812 = tpu.vector_load %arg4[%get3A_810, %get3A_811] {strides = array<i32>} : memref<64x512xf32, #tpu.memory_space<vmem>>, vector<1x16xf32>,
        %get3A_813 = vector.shape_cast %get3A_812 : vector<1x16xf32> to vector<16xf32>
        %get3A_814 = arith.constant 15 : i32
        %get3A_815 = arith.index_cast %get3A_814 : i32 to index
        %get3A_816 = arith.index_cast %mul3A_670 : i32 to index
        %get3A_817 = tpu.vector_load %arg4[%get3A_815, %get3A_816] {strides = array<i32>} : memref<64x512xf32, #tpu.memory_space<vmem>>, vector<1x16xf32>,
        %get3A_818 = vector.shape_cast %get3A_817 : vector<1x16xf32> to vector<16xf32>
        %max3A_819 = arith.maximumf %get3A_813, %get3A_818 : vector<16xf32>
        %min3A_820 = arith.minimumf %get3A_813, %get3A_818 : vector<16xf32>
        %min3A_821 = arith.minimumf %max3A_804, %max3A_819 : vector<16xf32>
        %max3A_822 = arith.maximumf %max3A_804, %max3A_819 : vector<16xf32>
        %max3A_823 = arith.maximumf %max3A_806, %min3A_820 : vector<16xf32>
        %max3A_824 = arith.maximumf %min3A_821, %max3A_823 : vector<16xf32>
        %min3A_825 = arith.minimumf %min3A_821, %max3A_823 : vector<16xf32>
        %max3A_826 = arith.maximumf %max3A_808, %min3A_825 : vector<16xf32>
        %get3A_827 = arith.constant 16 : i32
        %get3A_828 = arith.index_cast %get3A_827 : i32 to index
        %get3A_829 = arith.index_cast %mul3A_670 : i32 to index
        %get3A_830 = tpu.vector_load %arg4[%get3A_828, %get3A_829] {strides = array<i32>} : memref<64x512xf32, #tpu.memory_space<vmem>>, vector<1x16xf32>,
        %get3A_831 = vector.shape_cast %get3A_830 : vector<1x16xf32> to vector<16xf32>
        %get3A_832 = arith.constant 17 : i32
        %get3A_833 = arith.index_cast %get3A_832 : i32 to index
        %get3A_834 = arith.index_cast %mul3A_670 : i32 to index
        %get3A_835 = tpu.vector_load %arg4[%get3A_833, %get3A_834] {strides = array<i32>} : memref<64x512xf32, #tpu.memory_space<vmem>>, vector<1x16xf32>,
        %get3A_836 = vector.shape_cast %get3A_835 : vector<1x16xf32> to vector<16xf32>
        %max3A_837 = arith.maximumf %get3A_831, %get3A_836 : vector<16xf32>
        %min3A_838 = arith.minimumf %get3A_831, %get3A_836 : vector<16xf32>
        %min3A_839 = arith.minimumf %max3A_822, %max3A_837 : vector<16xf32>
        %max3A_840 = arith.maximumf %max3A_822, %max3A_837 : vector<16xf32>
        %max3A_841 = arith.maximumf %max3A_824, %min3A_838 : vector<16xf32>
        %max3A_842 = arith.maximumf %min3A_839, %max3A_841 : vector<16xf32>
        %min3A_843 = arith.minimumf %min3A_839, %max3A_841 : vector<16xf32>
        %max3A_844 = arith.maximumf %max3A_826, %min3A_843 : vector<16xf32>
        %get3A_845 = arith.constant 18 : i32
        %get3A_846 = arith.index_cast %get3A_845 : i32 to index
        %get3A_847 = arith.index_cast %mul3A_670 : i32 to index
        %get3A_848 = tpu.vector_load %arg4[%get3A_846, %get3A_847] {strides = array<i32>} : memref<64x512xf32, #tpu.memory_space<vmem>>, vector<1x16xf32>,
        %get3A_849 = vector.shape_cast %get3A_848 : vector<1x16xf32> to vector<16xf32>
        %get3A_850 = arith.constant 19 : i32
        %get3A_851 = arith.index_cast %get3A_850 : i32 to index
        %get3A_852 = arith.index_cast %mul3A_670 : i32 to index
        %get3A_853 = tpu.vector_load %arg4[%get3A_851, %get3A_852] {strides = array<i32>} : memref<64x512xf32, #tpu.memory_space<vmem>>, vector<1x16xf32>,
        %get3A_854 = vector.shape_cast %get3A_853 : vector<1x16xf32> to vector<16xf32>
        %max3A_855 = arith.maximumf %get3A_849, %get3A_854 : vector<16xf32>
        %min3A_856 = arith.minimumf %get3A_849, %get3A_854 : vector<16xf32>
        %min3A_857 = arith.minimumf %max3A_840, %max3A_855 : vector<16xf32>
        %max3A_858 = arith.maximumf %max3A_840, %max3A_855 : vector<16xf32>
        %max3A_859 = arith.maximumf %max3A_842, %min3A_856 : vector<16xf32>
        %max3A_860 = arith.maximumf %min3A_857, %max3A_859 : vector<16xf32>
        %min3A_861 = arith.minimumf %min3A_857, %max3A_859 : vector<16xf32>
        %max3A_862 = arith.maximumf %max3A_844, %min3A_861 : vector<16xf32>
        %get3A_863 = arith.constant 20 : i32
        %get3A_864 = arith.index_cast %get3A_863 : i32 to index
        %get3A_865 = arith.index_cast %mul3A_670 : i32 to index
        %get3A_866 = tpu.vector_load %arg4[%get3A_864, %get3A_865] {strides = array<i32>} : memref<64x512xf32, #tpu.memory_space<vmem>>, vector<1x16xf32>,
        %get3A_867 = vector.shape_cast %get3A_866 : vector<1x16xf32> to vector<16xf32>
        %get3A_868 = arith.constant 21 : i32
        %get3A_869 = arith.index_cast %get3A_868 : i32 to index
        %get3A_870 = arith.index_cast %mul3A_670 : i32 to index
        %get3A_871 = tpu.vector_load %arg4[%get3A_869, %get3A_870] {strides = array<i32>} : memref<64x512xf32, #tpu.memory_space<vmem>>, vector<1x16xf32>,
        %get3A_872 = vector.shape_cast %get3A_871 : vector<1x16xf32> to vector<16xf32>
        %max3A_873 = arith.maximumf %get3A_867, %get3A_872 : vector<16xf32>
        %min3A_874 = arith.minimumf %get3A_867, %get3A_872 : vector<16xf32>
        %min3A_875 = arith.minimumf %max3A_858, %max3A_873 : vector<16xf32>
        %max3A_876 = arith.maximumf %max3A_858, %max3A_873 : vector<16xf32>
        %max3A_877 = arith.maximumf %max3A_860, %min3A_874 : vector<16xf32>
        %max3A_878 = arith.maximumf %min3A_875, %max3A_877 : vector<16xf32>
        %min3A_879 = arith.minimumf %min3A_875, %max3A_877 : vector<16xf32>
        %max3A_880 = arith.maximumf %max3A_862, %min3A_879 : vector<16xf32>
        %get3A_881 = arith.constant 22 : i32
        %get3A_882 = arith.index_cast %get3A_881 : i32 to index
        %get3A_883 = arith.index_cast %mul3A_670 : i32 to index
        %get3A_884 = tpu.vector_load %arg4[%get3A_882, %get3A_883] {strides = array<i32>} : memref<64x512xf32, #tpu.memory_space<vmem>>, vector<1x16xf32>,
        %get3A_885 = vector.shape_cast %get3A_884 : vector<1x16xf32> to vector<16xf32>
        %get3A_886 = arith.constant 23 : i32
        %get3A_887 = arith.index_cast %get3A_886 : i32 to index
        %get3A_888 = arith.index_cast %mul3A_670 : i32 to index
        %get3A_889 = tpu.vector_load %arg4[%get3A_887, %get3A_888] {strides = array<i32>} : memref<64x512xf32, #tpu.memory_space<vmem>>, vector<1x16xf32>,
        %get3A_890 = vector.shape_cast %get3A_889 : vector<1x16xf32> to vector<16xf32>
        %max3A_891 = arith.maximumf %get3A_885, %get3A_890 : vector<16xf32>
        %min3A_892 = arith.minimumf %get3A_885, %get3A_890 : vector<16xf32>
        %min3A_893 = arith.minimumf %max3A_876, %max3A_891 : vector<16xf32>
        %max3A_894 = arith.maximumf %max3A_876, %max3A_891 : vector<16xf32>
        %max3A_895 = arith.maximumf %max3A_878, %min3A_892 : vector<16xf32>
        %max3A_896 = arith.maximumf %min3A_893, %max3A_895 : vector<16xf32>
        %min3A_897 = arith.minimumf %min3A_893, %max3A_895 : vector<16xf32>
        %max3A_898 = arith.maximumf %max3A_880, %min3A_897 : vector<16xf32>
        %get3A_899 = arith.constant 24 : i32
        %get3A_900 = arith.index_cast %get3A_899 : i32 to index
        %get3A_901 = arith.index_cast %mul3A_670 : i32 to index
        %get3A_902 = tpu.vector_load %arg4[%get3A_900, %get3A_901] {strides = array<i32>} : memref<64x512xf32, #tpu.memory_space<vmem>>, vector<1x16xf32>,
        %get3A_903 = vector.shape_cast %get3A_902 : vector<1x16xf32> to vector<16xf32>
        %get3A_904 = arith.constant 25 : i32
        %get3A_905 = arith.index_cast %get3A_904 : i32 to index
        %get3A_906 = arith.index_cast %mul3A_670 : i32 to index
        %get3A_907 = tpu.vector_load %arg4[%get3A_905, %get3A_906] {strides = array<i32>} : memref<64x512xf32, #tpu.memory_space<vmem>>, vector<1x16xf32>,
        %get3A_908 = vector.shape_cast %get3A_907 : vector<1x16xf32> to vector<16xf32>
        %max3A_909 = arith.maximumf %get3A_903, %get3A_908 : vector<16xf32>
        %min3A_910 = arith.minimumf %get3A_903, %get3A_908 : vector<16xf32>
        %min3A_911 = arith.minimumf %max3A_894, %max3A_909 : vector<16xf32>
        %max3A_912 = arith.maximumf %max3A_894, %max3A_909 : vector<16xf32>
        %max3A_913 = arith.maximumf %max3A_896, %min3A_910 : vector<16xf32>
        %max3A_914 = arith.maximumf %min3A_911, %max3A_913 : vector<16xf32>
        %min3A_915 = arith.minimumf %min3A_911, %max3A_913 : vector<16xf32>
        %max3A_916 = arith.maximumf %max3A_898, %min3A_915 : vector<16xf32>
        %get3A_917 = arith.constant 26 : i32
        %get3A_918 = arith.index_cast %get3A_917 : i32 to index
        %get3A_919 = arith.index_cast %mul3A_670 : i32 to index
        %get3A_920 = tpu.vector_load %arg4[%get3A_918, %get3A_919] {strides = array<i32>} : memref<64x512xf32, #tpu.memory_space<vmem>>, vector<1x16xf32>,
        %get3A_921 = vector.shape_cast %get3A_920 : vector<1x16xf32> to vector<16xf32>
        %get3A_922 = arith.constant 27 : i32
        %get3A_923 = arith.index_cast %get3A_922 : i32 to index
        %get3A_924 = arith.index_cast %mul3A_670 : i32 to index
        %get3A_925 = tpu.vector_load %arg4[%get3A_923, %get3A_924] {strides = array<i32>} : memref<64x512xf32, #tpu.memory_space<vmem>>, vector<1x16xf32>,
        %get3A_926 = vector.shape_cast %get3A_925 : vector<1x16xf32> to vector<16xf32>
        %max3A_927 = arith.maximumf %get3A_921, %get3A_926 : vector<16xf32>
        %min3A_928 = arith.minimumf %get3A_921, %get3A_926 : vector<16xf32>
        %min3A_929 = arith.minimumf %max3A_912, %max3A_927 : vector<16xf32>
        %max3A_930 = arith.maximumf %max3A_912, %max3A_927 : vector<16xf32>
        %max3A_931 = arith.maximumf %max3A_914, %min3A_928 : vector<16xf32>
        %max3A_932 = arith.maximumf %min3A_929, %max3A_931 : vector<16xf32>
        %min3A_933 = arith.minimumf %min3A_929, %max3A_931 : vector<16xf32>
        %max3A_934 = arith.maximumf %max3A_916, %min3A_933 : vector<16xf32>
        %get3A_935 = arith.constant 28 : i32
        %get3A_936 = arith.index_cast %get3A_935 : i32 to index
        %get3A_937 = arith.index_cast %mul3A_670 : i32 to index
        %get3A_938 = tpu.vector_load %arg4[%get3A_936, %get3A_937] {strides = array<i32>} : memref<64x512xf32, #tpu.memory_space<vmem>>, vector<1x16xf32>,
        %get3A_939 = vector.shape_cast %get3A_938 : vector<1x16xf32> to vector<16xf32>
        %get3A_940 = arith.constant 29 : i32
        %get3A_941 = arith.index_cast %get3A_940 : i32 to index
        %get3A_942 = arith.index_cast %mul3A_670 : i32 to index
        %get3A_943 = tpu.vector_load %arg4[%get3A_941, %get3A_942] {strides = array<i32>} : memref<64x512xf32, #tpu.memory_space<vmem>>, vector<1x16xf32>,
        %get3A_944 = vector.shape_cast %get3A_943 : vector<1x16xf32> to vector<16xf32>
        %max3A_945 = arith.maximumf %get3A_939, %get3A_944 : vector<16xf32>
        %min3A_946 = arith.minimumf %get3A_939, %get3A_944 : vector<16xf32>
        %min3A_947 = arith.minimumf %max3A_930, %max3A_945 : vector<16xf32>
        %max3A_948 = arith.maximumf %max3A_930, %max3A_945 : vector<16xf32>
        %max3A_949 = arith.maximumf %max3A_932, %min3A_946 : vector<16xf32>
        %max3A_950 = arith.maximumf %min3A_947, %max3A_949 : vector<16xf32>
        %min3A_951 = arith.minimumf %min3A_947, %max3A_949 : vector<16xf32>
        %max3A_952 = arith.maximumf %max3A_934, %min3A_951 : vector<16xf32>
        %get3A_953 = arith.constant 30 : i32
        %get3A_954 = arith.index_cast %get3A_953 : i32 to index
        %get3A_955 = arith.index_cast %mul3A_670 : i32 to index
        %get3A_956 = tpu.vector_load %arg4[%get3A_954, %get3A_955] {strides = array<i32>} : memref<64x512xf32, #tpu.memory_space<vmem>>, vector<1x16xf32>,
        %get3A_957 = vector.shape_cast %get3A_956 : vector<1x16xf32> to vector<16xf32>
        %get3A_958 = arith.constant 31 : i32
        %get3A_959 = arith.index_cast %get3A_958 : i32 to index
        %get3A_960 = arith.index_cast %mul3A_670 : i32 to index
        %get3A_961 = tpu.vector_load %arg4[%get3A_959, %get3A_960] {strides = array<i32>} : memref<64x512xf32, #tpu.memory_space<vmem>>, vector<1x16xf32>,
        %get3A_962 = vector.shape_cast %get3A_961 : vector<1x16xf32> to vector<16xf32>
        %max3A_963 = arith.maximumf %get3A_957, %get3A_962 : vector<16xf32>
        %min3A_964 = arith.minimumf %get3A_957, %get3A_962 : vector<16xf32>
        %min3A_965 = arith.minimumf %max3A_948, %max3A_963 : vector<16xf32>
        %max3A_966 = arith.maximumf %max3A_948, %max3A_963 : vector<16xf32>
        %max3A_967 = arith.maximumf %max3A_950, %min3A_964 : vector<16xf32>
        %max3A_968 = arith.maximumf %min3A_965, %max3A_967 : vector<16xf32>
        %min3A_969 = arith.minimumf %min3A_965, %max3A_967 : vector<16xf32>
        %max3A_970 = arith.maximumf %max3A_952, %min3A_969 : vector<16xf32>
        %get3A_971 = arith.constant 32 : i32
        %get3A_972 = arith.index_cast %get3A_971 : i32 to index
        %get3A_973 = arith.index_cast %mul3A_670 : i32 to index
        %get3A_974 = tpu.vector_load %arg4[%get3A_972, %get3A_973] {strides = array<i32>} : memref<64x512xf32, #tpu.memory_space<vmem>>, vector<1x16xf32>,
        %get3A_975 = vector.shape_cast %get3A_974 : vector<1x16xf32> to vector<16xf32>
        %get3A_976 = arith.constant 33 : i32
        %get3A_977 = arith.index_cast %get3A_976 : i32 to index
        %get3A_978 = arith.index_cast %mul3A_670 : i32 to index
        %get3A_979 = tpu.vector_load %arg4[%get3A_977, %get3A_978] {strides = array<i32>} : memref<64x512xf32, #tpu.memory_space<vmem>>, vector<1x16xf32>,
        %get3A_980 = vector.shape_cast %get3A_979 : vector<1x16xf32> to vector<16xf32>
        %max3A_981 = arith.maximumf %get3A_975, %get3A_980 : vector<16xf32>
        %min3A_982 = arith.minimumf %get3A_975, %get3A_980 : vector<16xf32>
        %min3A_983 = arith.minimumf %max3A_966, %max3A_981 : vector<16xf32>
        %max3A_984 = arith.maximumf %max3A_966, %max3A_981 : vector<16xf32>
        %max3A_985 = arith.maximumf %max3A_968, %min3A_982 : vector<16xf32>
        %max3A_986 = arith.maximumf %min3A_983, %max3A_985 : vector<16xf32>
        %min3A_987 = arith.minimumf %min3A_983, %max3A_985 : vector<16xf32>
        %max3A_988 = arith.maximumf %max3A_970, %min3A_987 : vector<16xf32>
        %get3A_989 = arith.constant 34 : i32
        %get3A_990 = arith.index_cast %get3A_989 : i32 to index
        %get3A_991 = arith.index_cast %mul3A_670 : i32 to index
        %get3A_992 = tpu.vector_load %arg4[%get3A_990, %get3A_991] {strides = array<i32>} : memref<64x512xf32, #tpu.memory_space<vmem>>, vector<1x16xf32>,
        %get3A_993 = vector.shape_cast %get3A_992 : vector<1x16xf32> to vector<16xf32>
        %get3A_994 = arith.constant 35 : i32
        %get3A_995 = arith.index_cast %get3A_994 : i32 to index
        %get3A_996 = arith.index_cast %mul3A_670 : i32 to index
        %get3A_997 = tpu.vector_load %arg4[%get3A_995, %get3A_996] {strides = array<i32>} : memref<64x512xf32, #tpu.memory_space<vmem>>, vector<1x16xf32>,
        %get3A_998 = vector.shape_cast %get3A_997 : vector<1x16xf32> to vector<16xf32>
        %max3A_999 = arith.maximumf %get3A_993, %get3A_998 : vector<16xf32>
        %min3A_1000 = arith.minimumf %get3A_993, %get3A_998 : vector<16xf32>
        %min3A_1001 = arith.minimumf %max3A_984, %max3A_999 : vector<16xf32>
        %max3A_1002 = arith.maximumf %max3A_984, %max3A_999 : vector<16xf32>
        %max3A_1003 = arith.maximumf %max3A_986, %min3A_1000 : vector<16xf32>
        %max3A_1004 = arith.maximumf %min3A_1001, %max3A_1003 : vector<16xf32>
        %min3A_1005 = arith.minimumf %min3A_1001, %max3A_1003 : vector<16xf32>
        %max3A_1006 = arith.maximumf %max3A_988, %min3A_1005 : vector<16xf32>
        %get3A_1007 = arith.constant 36 : i32
        %get3A_1008 = arith.index_cast %get3A_1007 : i32 to index
        %get3A_1009 = arith.index_cast %mul3A_670 : i32 to index
        %get3A_1010 = tpu.vector_load %arg4[%get3A_1008, %get3A_1009] {strides = array<i32>} : memref<64x512xf32, #tpu.memory_space<vmem>>, vector<1x16xf32>,
        %get3A_1011 = vector.shape_cast %get3A_1010 : vector<1x16xf32> to vector<16xf32>
        %get3A_1012 = arith.constant 37 : i32
        %get3A_1013 = arith.index_cast %get3A_1012 : i32 to index
        %get3A_1014 = arith.index_cast %mul3A_670 : i32 to index
        %get3A_1015 = tpu.vector_load %arg4[%get3A_1013, %get3A_1014] {strides = array<i32>} : memref<64x512xf32, #tpu.memory_space<vmem>>, vector<1x16xf32>,
        %get3A_1016 = vector.shape_cast %get3A_1015 : vector<1x16xf32> to vector<16xf32>
        %max3A_1017 = arith.maximumf %get3A_1011, %get3A_1016 : vector<16xf32>
        %min3A_1018 = arith.minimumf %get3A_1011, %get3A_1016 : vector<16xf32>
        %min3A_1019 = arith.minimumf %max3A_1002, %max3A_1017 : vector<16xf32>
        %max3A_1020 = arith.maximumf %max3A_1002, %max3A_1017 : vector<16xf32>
        %max3A_1021 = arith.maximumf %max3A_1004, %min3A_1018 : vector<16xf32>
        %max3A_1022 = arith.maximumf %min3A_1019, %max3A_1021 : vector<16xf32>
        %min3A_1023 = arith.minimumf %min3A_1019, %max3A_1021 : vector<16xf32>
        %max3A_1024 = arith.maximumf %max3A_1006, %min3A_1023 : vector<16xf32>
        %get3A_1025 = arith.constant 38 : i32
        %get3A_1026 = arith.index_cast %get3A_1025 : i32 to index
        %get3A_1027 = arith.index_cast %mul3A_670 : i32 to index
        %get3A_1028 = tpu.vector_load %arg4[%get3A_1026, %get3A_1027] {strides = array<i32>} : memref<64x512xf32, #tpu.memory_space<vmem>>, vector<1x16xf32>,
        %get3A_1029 = vector.shape_cast %get3A_1028 : vector<1x16xf32> to vector<16xf32>
        %get3A_1030 = arith.constant 39 : i32
        %get3A_1031 = arith.index_cast %get3A_1030 : i32 to index
        %get3A_1032 = arith.index_cast %mul3A_670 : i32 to index
        %get3A_1033 = tpu.vector_load %arg4[%get3A_1031, %get3A_1032] {strides = array<i32>} : memref<64x512xf32, #tpu.memory_space<vmem>>, vector<1x16xf32>,
        %get3A_1034 = vector.shape_cast %get3A_1033 : vector<1x16xf32> to vector<16xf32>
        %max3A_1035 = arith.maximumf %get3A_1029, %get3A_1034 : vector<16xf32>
        %min3A_1036 = arith.minimumf %get3A_1029, %get3A_1034 : vector<16xf32>
        %min3A_1037 = arith.minimumf %max3A_1020, %max3A_1035 : vector<16xf32>
        %max3A_1038 = arith.maximumf %max3A_1020, %max3A_1035 : vector<16xf32>
        %max3A_1039 = arith.maximumf %max3A_1022, %min3A_1036 : vector<16xf32>
        %max3A_1040 = arith.maximumf %min3A_1037, %max3A_1039 : vector<16xf32>
        %min3A_1041 = arith.minimumf %min3A_1037, %max3A_1039 : vector<16xf32>
        %max3A_1042 = arith.maximumf %max3A_1024, %min3A_1041 : vector<16xf32>
        %get3A_1043 = arith.constant 40 : i32
        %get3A_1044 = arith.index_cast %get3A_1043 : i32 to index
        %get3A_1045 = arith.index_cast %mul3A_670 : i32 to index
        %get3A_1046 = tpu.vector_load %arg4[%get3A_1044, %get3A_1045] {strides = array<i32>} : memref<64x512xf32, #tpu.memory_space<vmem>>, vector<1x16xf32>,
        %get3A_1047 = vector.shape_cast %get3A_1046 : vector<1x16xf32> to vector<16xf32>
        %get3A_1048 = arith.constant 41 : i32
        %get3A_1049 = arith.index_cast %get3A_1048 : i32 to index
        %get3A_1050 = arith.index_cast %mul3A_670 : i32 to index
        %get3A_1051 = tpu.vector_load %arg4[%get3A_1049, %get3A_1050] {strides = array<i32>} : memref<64x512xf32, #tpu.memory_space<vmem>>, vector<1x16xf32>,
        %get3A_1052 = vector.shape_cast %get3A_1051 : vector<1x16xf32> to vector<16xf32>
        %max3A_1053 = arith.maximumf %get3A_1047, %get3A_1052 : vector<16xf32>
        %min3A_1054 = arith.minimumf %get3A_1047, %get3A_1052 : vector<16xf32>
        %min3A_1055 = arith.minimumf %max3A_1038, %max3A_1053 : vector<16xf32>
        %max3A_1056 = arith.maximumf %max3A_1038, %max3A_1053 : vector<16xf32>
        %max3A_1057 = arith.maximumf %max3A_1040, %min3A_1054 : vector<16xf32>
        %max3A_1058 = arith.maximumf %min3A_1055, %max3A_1057 : vector<16xf32>
        %min3A_1059 = arith.minimumf %min3A_1055, %max3A_1057 : vector<16xf32>
        %max3A_1060 = arith.maximumf %max3A_1042, %min3A_1059 : vector<16xf32>
        %get3A_1061 = arith.constant 42 : i32
        %get3A_1062 = arith.index_cast %get3A_1061 : i32 to index
        %get3A_1063 = arith.index_cast %mul3A_670 : i32 to index
        %get3A_1064 = tpu.vector_load %arg4[%get3A_1062, %get3A_1063] {strides = array<i32>} : memref<64x512xf32, #tpu.memory_space<vmem>>, vector<1x16xf32>,
        %get3A_1065 = vector.shape_cast %get3A_1064 : vector<1x16xf32> to vector<16xf32>
        %get3A_1066 = arith.constant 43 : i32
        %get3A_1067 = arith.index_cast %get3A_1066 : i32 to index
        %get3A_1068 = arith.index_cast %mul3A_670 : i32 to index
        %get3A_1069 = tpu.vector_load %arg4[%get3A_1067, %get3A_1068] {strides = array<i32>} : memref<64x512xf32, #tpu.memory_space<vmem>>, vector<1x16xf32>,
        %get3A_1070 = vector.shape_cast %get3A_1069 : vector<1x16xf32> to vector<16xf32>
        %max3A_1071 = arith.maximumf %get3A_1065, %get3A_1070 : vector<16xf32>
        %min3A_1072 = arith.minimumf %get3A_1065, %get3A_1070 : vector<16xf32>
        %min3A_1073 = arith.minimumf %max3A_1056, %max3A_1071 : vector<16xf32>
        %max3A_1074 = arith.maximumf %max3A_1056, %max3A_1071 : vector<16xf32>
        %max3A_1075 = arith.maximumf %max3A_1058, %min3A_1072 : vector<16xf32>
        %max3A_1076 = arith.maximumf %min3A_1073, %max3A_1075 : vector<16xf32>
        %min3A_1077 = arith.minimumf %min3A_1073, %max3A_1075 : vector<16xf32>
        %max3A_1078 = arith.maximumf %max3A_1060, %min3A_1077 : vector<16xf32>
        %get3A_1079 = arith.constant 44 : i32
        %get3A_1080 = arith.index_cast %get3A_1079 : i32 to index
        %get3A_1081 = arith.index_cast %mul3A_670 : i32 to index
        %get3A_1082 = tpu.vector_load %arg4[%get3A_1080, %get3A_1081] {strides = array<i32>} : memref<64x512xf32, #tpu.memory_space<vmem>>, vector<1x16xf32>,
        %get3A_1083 = vector.shape_cast %get3A_1082 : vector<1x16xf32> to vector<16xf32>
        %get3A_1084 = arith.constant 45 : i32
        %get3A_1085 = arith.index_cast %get3A_1084 : i32 to index
        %get3A_1086 = arith.index_cast %mul3A_670 : i32 to index
        %get3A_1087 = tpu.vector_load %arg4[%get3A_1085, %get3A_1086] {strides = array<i32>} : memref<64x512xf32, #tpu.memory_space<vmem>>, vector<1x16xf32>,
        %get3A_1088 = vector.shape_cast %get3A_1087 : vector<1x16xf32> to vector<16xf32>
        %max3A_1089 = arith.maximumf %get3A_1083, %get3A_1088 : vector<16xf32>
        %min3A_1090 = arith.minimumf %get3A_1083, %get3A_1088 : vector<16xf32>
        %min3A_1091 = arith.minimumf %max3A_1074, %max3A_1089 : vector<16xf32>
        %max3A_1092 = arith.maximumf %max3A_1074, %max3A_1089 : vector<16xf32>
        %max3A_1093 = arith.maximumf %max3A_1076, %min3A_1090 : vector<16xf32>
        %max3A_1094 = arith.maximumf %min3A_1091, %max3A_1093 : vector<16xf32>
        %min3A_1095 = arith.minimumf %min3A_1091, %max3A_1093 : vector<16xf32>
        %max3A_1096 = arith.maximumf %max3A_1078, %min3A_1095 : vector<16xf32>
        %get3A_1097 = arith.constant 46 : i32
        %get3A_1098 = arith.index_cast %get3A_1097 : i32 to index
        %get3A_1099 = arith.index_cast %mul3A_670 : i32 to index
        %get3A_1100 = tpu.vector_load %arg4[%get3A_1098, %get3A_1099] {strides = array<i32>} : memref<64x512xf32, #tpu.memory_space<vmem>>, vector<1x16xf32>,
        %get3A_1101 = vector.shape_cast %get3A_1100 : vector<1x16xf32> to vector<16xf32>
        %get3A_1102 = arith.constant 47 : i32
        %get3A_1103 = arith.index_cast %get3A_1102 : i32 to index
        %get3A_1104 = arith.index_cast %mul3A_670 : i32 to index
        %get3A_1105 = tpu.vector_load %arg4[%get3A_1103, %get3A_1104] {strides = array<i32>} : memref<64x512xf32, #tpu.memory_space<vmem>>, vector<1x16xf32>,
        %get3A_1106 = vector.shape_cast %get3A_1105 : vector<1x16xf32> to vector<16xf32>
        %max3A_1107 = arith.maximumf %get3A_1101, %get3A_1106 : vector<16xf32>
        %min3A_1108 = arith.minimumf %get3A_1101, %get3A_1106 : vector<16xf32>
        %min3A_1109 = arith.minimumf %max3A_1092, %max3A_1107 : vector<16xf32>
        %max3A_1110 = arith.maximumf %max3A_1092, %max3A_1107 : vector<16xf32>
        %max3A_1111 = arith.maximumf %max3A_1094, %min3A_1108 : vector<16xf32>
        %max3A_1112 = arith.maximumf %min3A_1109, %max3A_1111 : vector<16xf32>
        %min3A_1113 = arith.minimumf %min3A_1109, %max3A_1111 : vector<16xf32>
        %max3A_1114 = arith.maximumf %max3A_1096, %min3A_1113 : vector<16xf32>
        %get3A_1115 = arith.constant 48 : i32
        %get3A_1116 = arith.index_cast %get3A_1115 : i32 to index
        %get3A_1117 = arith.index_cast %mul3A_670 : i32 to index
        %get3A_1118 = tpu.vector_load %arg4[%get3A_1116, %get3A_1117] {strides = array<i32>} : memref<64x512xf32, #tpu.memory_space<vmem>>, vector<1x16xf32>,
        %get3A_1119 = vector.shape_cast %get3A_1118 : vector<1x16xf32> to vector<16xf32>
        %get3A_1120 = arith.constant 49 : i32
        %get3A_1121 = arith.index_cast %get3A_1120 : i32 to index
        %get3A_1122 = arith.index_cast %mul3A_670 : i32 to index
        %get3A_1123 = tpu.vector_load %arg4[%get3A_1121, %get3A_1122] {strides = array<i32>} : memref<64x512xf32, #tpu.memory_space<vmem>>, vector<1x16xf32>,
        %get3A_1124 = vector.shape_cast %get3A_1123 : vector<1x16xf32> to vector<16xf32>
        %max3A_1125 = arith.maximumf %get3A_1119, %get3A_1124 : vector<16xf32>
        %min3A_1126 = arith.minimumf %get3A_1119, %get3A_1124 : vector<16xf32>
        %min3A_1127 = arith.minimumf %max3A_1110, %max3A_1125 : vector<16xf32>
        %max3A_1128 = arith.maximumf %max3A_1110, %max3A_1125 : vector<16xf32>
        %max3A_1129 = arith.maximumf %max3A_1112, %min3A_1126 : vector<16xf32>
        %max3A_1130 = arith.maximumf %min3A_1127, %max3A_1129 : vector<16xf32>
        %min3A_1131 = arith.minimumf %min3A_1127, %max3A_1129 : vector<16xf32>
        %max3A_1132 = arith.maximumf %max3A_1114, %min3A_1131 : vector<16xf32>
        %get3A_1133 = arith.constant 50 : i32
        %get3A_1134 = arith.index_cast %get3A_1133 : i32 to index
        %get3A_1135 = arith.index_cast %mul3A_670 : i32 to index
        %get3A_1136 = tpu.vector_load %arg4[%get3A_1134, %get3A_1135] {strides = array<i32>} : memref<64x512xf32, #tpu.memory_space<vmem>>, vector<1x16xf32>,
        %get3A_1137 = vector.shape_cast %get3A_1136 : vector<1x16xf32> to vector<16xf32>
        %get3A_1138 = arith.constant 51 : i32
        %get3A_1139 = arith.index_cast %get3A_1138 : i32 to index
        %get3A_1140 = arith.index_cast %mul3A_670 : i32 to index
        %get3A_1141 = tpu.vector_load %arg4[%get3A_1139, %get3A_1140] {strides = array<i32>} : memref<64x512xf32, #tpu.memory_space<vmem>>, vector<1x16xf32>,
        %get3A_1142 = vector.shape_cast %get3A_1141 : vector<1x16xf32> to vector<16xf32>
        %max3A_1143 = arith.maximumf %get3A_1137, %get3A_1142 : vector<16xf32>
        %min3A_1144 = arith.minimumf %get3A_1137, %get3A_1142 : vector<16xf32>
        %min3A_1145 = arith.minimumf %max3A_1128, %max3A_1143 : vector<16xf32>
        %max3A_1146 = arith.maximumf %max3A_1128, %max3A_1143 : vector<16xf32>
        %max3A_1147 = arith.maximumf %max3A_1130, %min3A_1144 : vector<16xf32>
        %max3A_1148 = arith.maximumf %min3A_1145, %max3A_1147 : vector<16xf32>
        %min3A_1149 = arith.minimumf %min3A_1145, %max3A_1147 : vector<16xf32>
        %max3A_1150 = arith.maximumf %max3A_1132, %min3A_1149 : vector<16xf32>
        %get3A_1151 = arith.constant 52 : i32
        %get3A_1152 = arith.index_cast %get3A_1151 : i32 to index
        %get3A_1153 = arith.index_cast %mul3A_670 : i32 to index
        %get3A_1154 = tpu.vector_load %arg4[%get3A_1152, %get3A_1153] {strides = array<i32>} : memref<64x512xf32, #tpu.memory_space<vmem>>, vector<1x16xf32>,
        %get3A_1155 = vector.shape_cast %get3A_1154 : vector<1x16xf32> to vector<16xf32>
        %get3A_1156 = arith.constant 53 : i32
        %get3A_1157 = arith.index_cast %get3A_1156 : i32 to index
        %get3A_1158 = arith.index_cast %mul3A_670 : i32 to index
        %get3A_1159 = tpu.vector_load %arg4[%get3A_1157, %get3A_1158] {strides = array<i32>} : memref<64x512xf32, #tpu.memory_space<vmem>>, vector<1x16xf32>,
        %get3A_1160 = vector.shape_cast %get3A_1159 : vector<1x16xf32> to vector<16xf32>
        %max3A_1161 = arith.maximumf %get3A_1155, %get3A_1160 : vector<16xf32>
        %min3A_1162 = arith.minimumf %get3A_1155, %get3A_1160 : vector<16xf32>
        %min3A_1163 = arith.minimumf %max3A_1146, %max3A_1161 : vector<16xf32>
        %max3A_1164 = arith.maximumf %max3A_1146, %max3A_1161 : vector<16xf32>
        %max3A_1165 = arith.maximumf %max3A_1148, %min3A_1162 : vector<16xf32>
        %max3A_1166 = arith.maximumf %min3A_1163, %max3A_1165 : vector<16xf32>
        %min3A_1167 = arith.minimumf %min3A_1163, %max3A_1165 : vector<16xf32>
        %max3A_1168 = arith.maximumf %max3A_1150, %min3A_1167 : vector<16xf32>
        %get3A_1169 = arith.constant 54 : i32
        %get3A_1170 = arith.index_cast %get3A_1169 : i32 to index
        %get3A_1171 = arith.index_cast %mul3A_670 : i32 to index
        %get3A_1172 = tpu.vector_load %arg4[%get3A_1170, %get3A_1171] {strides = array<i32>} : memref<64x512xf32, #tpu.memory_space<vmem>>, vector<1x16xf32>,
        %get3A_1173 = vector.shape_cast %get3A_1172 : vector<1x16xf32> to vector<16xf32>
        %get3A_1174 = arith.constant 55 : i32
        %get3A_1175 = arith.index_cast %get3A_1174 : i32 to index
        %get3A_1176 = arith.index_cast %mul3A_670 : i32 to index
        %get3A_1177 = tpu.vector_load %arg4[%get3A_1175, %get3A_1176] {strides = array<i32>} : memref<64x512xf32, #tpu.memory_space<vmem>>, vector<1x16xf32>,
        %get3A_1178 = vector.shape_cast %get3A_1177 : vector<1x16xf32> to vector<16xf32>
        %max3A_1179 = arith.maximumf %get3A_1173, %get3A_1178 : vector<16xf32>
        %min3A_1180 = arith.minimumf %get3A_1173, %get3A_1178 : vector<16xf32>
        %min3A_1181 = arith.minimumf %max3A_1164, %max3A_1179 : vector<16xf32>
        %max3A_1182 = arith.maximumf %max3A_1164, %max3A_1179 : vector<16xf32>
        %max3A_1183 = arith.maximumf %max3A_1166, %min3A_1180 : vector<16xf32>
        %max3A_1184 = arith.maximumf %min3A_1181, %max3A_1183 : vector<16xf32>
        %min3A_1185 = arith.minimumf %min3A_1181, %max3A_1183 : vector<16xf32>
        %max3A_1186 = arith.maximumf %max3A_1168, %min3A_1185 : vector<16xf32>
        %get3A_1187 = arith.constant 56 : i32
        %get3A_1188 = arith.index_cast %get3A_1187 : i32 to index
        %get3A_1189 = arith.index_cast %mul3A_670 : i32 to index
        %get3A_1190 = tpu.vector_load %arg4[%get3A_1188, %get3A_1189] {strides = array<i32>} : memref<64x512xf32, #tpu.memory_space<vmem>>, vector<1x16xf32>,
        %get3A_1191 = vector.shape_cast %get3A_1190 : vector<1x16xf32> to vector<16xf32>
        %get3A_1192 = arith.constant 57 : i32
        %get3A_1193 = arith.index_cast %get3A_1192 : i32 to index
        %get3A_1194 = arith.index_cast %mul3A_670 : i32 to index
        %get3A_1195 = tpu.vector_load %arg4[%get3A_1193, %get3A_1194] {strides = array<i32>} : memref<64x512xf32, #tpu.memory_space<vmem>>, vector<1x16xf32>,
        %get3A_1196 = vector.shape_cast %get3A_1195 : vector<1x16xf32> to vector<16xf32>
        %max3A_1197 = arith.maximumf %get3A_1191, %get3A_1196 : vector<16xf32>
        %min3A_1198 = arith.minimumf %get3A_1191, %get3A_1196 : vector<16xf32>
        %min3A_1199 = arith.minimumf %max3A_1182, %max3A_1197 : vector<16xf32>
        %max3A_1200 = arith.maximumf %max3A_1182, %max3A_1197 : vector<16xf32>
        %max3A_1201 = arith.maximumf %max3A_1184, %min3A_1198 : vector<16xf32>
        %max3A_1202 = arith.maximumf %min3A_1199, %max3A_1201 : vector<16xf32>
        %min3A_1203 = arith.minimumf %min3A_1199, %max3A_1201 : vector<16xf32>
        %max3A_1204 = arith.maximumf %max3A_1186, %min3A_1203 : vector<16xf32>
        %get3A_1205 = arith.constant 58 : i32
        %get3A_1206 = arith.index_cast %get3A_1205 : i32 to index
        %get3A_1207 = arith.index_cast %mul3A_670 : i32 to index
        %get3A_1208 = tpu.vector_load %arg4[%get3A_1206, %get3A_1207] {strides = array<i32>} : memref<64x512xf32, #tpu.memory_space<vmem>>, vector<1x16xf32>,
        %get3A_1209 = vector.shape_cast %get3A_1208 : vector<1x16xf32> to vector<16xf32>
        %get3A_1210 = arith.constant 59 : i32
        %get3A_1211 = arith.index_cast %get3A_1210 : i32 to index
        %get3A_1212 = arith.index_cast %mul3A_670 : i32 to index
        %get3A_1213 = tpu.vector_load %arg4[%get3A_1211, %get3A_1212] {strides = array<i32>} : memref<64x512xf32, #tpu.memory_space<vmem>>, vector<1x16xf32>,
        %get3A_1214 = vector.shape_cast %get3A_1213 : vector<1x16xf32> to vector<16xf32>
        %max3A_1215 = arith.maximumf %get3A_1209, %get3A_1214 : vector<16xf32>
        %min3A_1216 = arith.minimumf %get3A_1209, %get3A_1214 : vector<16xf32>
        %min3A_1217 = arith.minimumf %max3A_1200, %max3A_1215 : vector<16xf32>
        %max3A_1218 = arith.maximumf %max3A_1200, %max3A_1215 : vector<16xf32>
        %max3A_1219 = arith.maximumf %max3A_1202, %min3A_1216 : vector<16xf32>
        %max3A_1220 = arith.maximumf %min3A_1217, %max3A_1219 : vector<16xf32>
        %min3A_1221 = arith.minimumf %min3A_1217, %max3A_1219 : vector<16xf32>
        %max3A_1222 = arith.maximumf %max3A_1204, %min3A_1221 : vector<16xf32>
        %get3A_1223 = arith.constant 60 : i32
        %get3A_1224 = arith.index_cast %get3A_1223 : i32 to index
        %get3A_1225 = arith.index_cast %mul3A_670 : i32 to index
        %get3A_1226 = tpu.vector_load %arg4[%get3A_1224, %get3A_1225] {strides = array<i32>} : memref<64x512xf32, #tpu.memory_space<vmem>>, vector<1x16xf32>,
        %get3A_1227 = vector.shape_cast %get3A_1226 : vector<1x16xf32> to vector<16xf32>
        %get3A_1228 = arith.constant 61 : i32
        %get3A_1229 = arith.index_cast %get3A_1228 : i32 to index
        %get3A_1230 = arith.index_cast %mul3A_670 : i32 to index
        %get3A_1231 = tpu.vector_load %arg4[%get3A_1229, %get3A_1230] {strides = array<i32>} : memref<64x512xf32, #tpu.memory_space<vmem>>, vector<1x16xf32>,
        %get3A_1232 = vector.shape_cast %get3A_1231 : vector<1x16xf32> to vector<16xf32>
        %max3A_1233 = arith.maximumf %get3A_1227, %get3A_1232 : vector<16xf32>
        %min3A_1234 = arith.minimumf %get3A_1227, %get3A_1232 : vector<16xf32>
        %min3A_1235 = arith.minimumf %max3A_1218, %max3A_1233 : vector<16xf32>
        %max3A_1236 = arith.maximumf %max3A_1218, %max3A_1233 : vector<16xf32>
        %max3A_1237 = arith.maximumf %max3A_1220, %min3A_1234 : vector<16xf32>
        %max3A_1238 = arith.maximumf %min3A_1235, %max3A_1237 : vector<16xf32>
        %min3A_1239 = arith.minimumf %min3A_1235, %max3A_1237 : vector<16xf32>
        %max3A_1240 = arith.maximumf %max3A_1222, %min3A_1239 : vector<16xf32>
        %get3A_1241 = arith.constant 62 : i32
        %get3A_1242 = arith.index_cast %get3A_1241 : i32 to index
        %get3A_1243 = arith.index_cast %mul3A_670 : i32 to index
        %get3A_1244 = tpu.vector_load %arg4[%get3A_1242, %get3A_1243] {strides = array<i32>} : memref<64x512xf32, #tpu.memory_space<vmem>>, vector<1x16xf32>,
        %get3A_1245 = vector.shape_cast %get3A_1244 : vector<1x16xf32> to vector<16xf32>
        %get3A_1246 = arith.constant 63 : i32
        %get3A_1247 = arith.index_cast %get3A_1246 : i32 to index
        %get3A_1248 = arith.index_cast %mul3A_670 : i32 to index
        %get3A_1249 = tpu.vector_load %arg4[%get3A_1247, %get3A_1248] {strides = array<i32>} : memref<64x512xf32, #tpu.memory_space<vmem>>, vector<1x16xf32>,
        %get3A_1250 = vector.shape_cast %get3A_1249 : vector<1x16xf32> to vector<16xf32>
        %max3A_1251 = arith.maximumf %get3A_1245, %get3A_1250 : vector<16xf32>
        %min3A_1252 = arith.minimumf %get3A_1245, %get3A_1250 : vector<16xf32>
        %min3A_1253 = arith.minimumf %max3A_1236, %max3A_1251 : vector<16xf32>
        %max3A_1254 = arith.maximumf %max3A_1236, %max3A_1251 : vector<16xf32>
        %max3A_1255 = arith.maximumf %max3A_1238, %min3A_1252 : vector<16xf32>
        %max3A_1256 = arith.maximumf %min3A_1253, %max3A_1255 : vector<16xf32>
        %min3A_1257 = arith.minimumf %min3A_1253, %max3A_1255 : vector<16xf32>
        %max3A_1258 = arith.maximumf %max3A_1240, %min3A_1257 : vector<16xf32>
        %swap3A_1259 = arith.constant 0 : i32
        %swap3A_1260 = arith.index_cast %swap3A_1259 : i32 to index
        %swap3A_1261 = arith.index_cast %mul3A_670 : i32 to index
        %swap3A_1262 = tpu.vector_load %arg6[%swap3A_1260, %swap3A_1261] {strides = array<i32>} : memref<3x512xf32, #tpu.memory_space<vmem>>, vector<1x16xf32>,
        %swap3A_1263 = vector.shape_cast %swap3A_1262 : vector<1x16xf32> to vector<16xf32>
        %swap3A_1264 = vector.shape_cast %max3A_1254 : vector<16xf32> to vector<1x16xf32>
        tpu.vector_store %arg6[%swap3A_1260, %swap3A_1261], %swap3A_1264 {strides = array<i32>} : memref<3x512xf32, #tpu.memory_space<vmem>>, vector<1x16xf32>,
        %swap3A_1265 = arith.constant 1 : i32
        %swap3A_1266 = arith.index_cast %swap3A_1265 : i32 to index
        %swap3A_1267 = arith.index_cast %mul3A_670 : i32 to index
        %swap3A_1268 = tpu.vector_load %arg6[%swap3A_1266, %swap3A_1267] {strides = array<i32>} : memref<3x512xf32, #tpu.memory_space<vmem>>, vector<1x16xf32>,
        %swap3A_1269 = vector.shape_cast %swap3A_1268 : vector<1x16xf32> to vector<16xf32>
        %swap3A_1270 = vector.shape_cast %max3A_1256 : vector<16xf32> to vector<1x16xf32>
        tpu.vector_store %arg6[%swap3A_1266, %swap3A_1267], %swap3A_1270 {strides = array<i32>} : memref<3x512xf32, #tpu.memory_space<vmem>>, vector<1x16xf32>,
        %swap3A_1271 = arith.constant 2 : i32
        %swap3A_1272 = arith.index_cast %swap3A_1271 : i32 to index
        %swap3A_1273 = arith.index_cast %mul3A_670 : i32 to index
        %swap3A_1274 = tpu.vector_load %arg6[%swap3A_1272, %swap3A_1273] {strides = array<i32>} : memref<3x512xf32, #tpu.memory_space<vmem>>, vector<1x16xf32>,
        %swap3A_1275 = vector.shape_cast %swap3A_1274 : vector<1x16xf32> to vector<16xf32>
        %swap3A_1276 = vector.shape_cast %max3A_1258 : vector<16xf32> to vector<1x16xf32>
        tpu.vector_store %arg6[%swap3A_1272, %swap3A_1273], %swap3A_1276 {strides = array<i32>} : memref<3x512xf32, #tpu.memory_space<vmem>>, vector<1x16xf32>,
      }
      %scan3A_640 = arith.constant 32 : i32
      %add3A_641 = arith.constant 2 : i32
      %add3A_642 = arith.addi %mul3A_630, %add3A_641 : i32
      %lt3A_643 = arith.constant 32 : i32
      %lt3A_644 = arith.cmpi slt, %add3A_642, %lt3A_643 : i32
      %convert_element_type3A = arith.extui %lt3A_644 : i1 to i32
      %cond3A = arith.constant 0 : i32
      %cond3A_645 = arith.cmpi ne, %convert_element_type3A, %cond3A : i32
      scf.if %cond3A_645 {
        %add3A_664 = arith.constant 2 : i32
        %add3A_665 = arith.addi %mul3A_630, %add3A_664 : i32
        %mul3A_666 = arith.constant 64 : i32
        %mul3A_667 = arith.muli %add3A_665, %mul3A_666 : i32
        %dma_start3A_668 = tpu.memref_slice %arg2[%select_n3A, %mul3A_667, %mul3A_32] : memref<4x2048x4096xf32, #tpu.memory_space<hbm>> -> memref<1x64x512xf32, #tpu.memory_space<hbm>>
        %dma_start3A_669 = tpu.memref_squeeze %dma_start3A_668 : memref<1x64x512xf32, #tpu.memory_space<hbm>> -> memref<64x512xf32, #tpu.memory_space<hbm>>
        %dma_start3A_670 = tpu.memref_slice %arg2[%select_n3A, %mul3A_667, %mul3A_32] : memref<4x2048x4096xf32, #tpu.memory_space<hbm>> -> memref<1x64x512xf32, #tpu.memory_space<hbm>>
        %dma_start3A_671 = tpu.memref_squeeze %dma_start3A_670 : memref<1x64x512xf32, #tpu.memory_space<hbm>> -> memref<64x512xf32, #tpu.memory_space<hbm>>
        tpu.enqueue_dma source(%dma_start3A_671 : memref<64x512xf32, #tpu.memory_space<hbm>>) target(%arg4 : memref<64x512xf32, #tpu.memory_space<vmem>>) target_semaphore(%arg7 : memref<!tpu.dma_semaphore, #tpu.memory_space<semaphore_mem>>)
      } else {
      }
      %dma_wait3A_646 = arith.constant 0 : i32
      %dma_wait3A_647 = tpu.memref_slice %arg2[%select_n3A, %dma_wait3A_646, %mul3A_32] : memref<4x2048x4096xf32, #tpu.memory_space<hbm>> -> memref<1x64x512xf32, #tpu.memory_space<hbm>>
      %dma_wait3A_648 = tpu.memref_squeeze %dma_wait3A_647 : memref<1x64x512xf32, #tpu.memory_space<hbm>> -> memref<64x512xf32, #tpu.memory_space<hbm>>
      %dma_wait3A_649 = arith.constant 0 : i32
      %dma_wait3A_650 = tpu.memref_slice %arg2[%select_n3A, %dma_wait3A_649, %mul3A_32] : memref<4x2048x4096xf32, #tpu.memory_space<hbm>> -> memref<1x64x512xf32, #tpu.memory_space<hbm>>
      %dma_wait3A_651 = tpu.memref_squeeze %dma_wait3A_650 : memref<1x64x512xf32, #tpu.memory_space<hbm>> -> memref<64x512xf32, #tpu.memory_space<hbm>>
      tpu.wait_dma2 semaphore(%arg8 : memref<!tpu.dma_semaphore, #tpu.memory_space<semaphore_mem>>) src(%dma_wait3A_651 : memref<64x512xf32, #tpu.memory_space<hbm>>) dst(%arg5 : memref<64x512xf32, #tpu.memory_space<vmem>>)
      %scan3A_652 = arith.constant 0 : i32
      %scan3A_653 = arith.constant 32 : i32
      %scan3A_654 = arith.addi %scan3A_652, %scan3A_653 : i32
      %scan3A_655 = arith.constant 1 : i32
      scf.for %scan3A_664 = %scan3A_652 to %scan3A_654 step %scan3A_655  : i32 {
        %mul3A_665 = arith.constant 1 : i32
        %mul3A_666 = arith.muli %scan3A_664, %mul3A_665 : i32
        %add3A_667 = arith.constant 0 : i32
        %add3A_668 = arith.addi %add3A_667, %mul3A_666 : i32
        %mul3A_669 = arith.constant 16 : i32
        %mul3A_670 = arith.muli %add3A_668, %mul3A_669 : i32
        %get3A = arith.constant 0 : i32
        %get3A_671 = arith.index_cast %get3A : i32 to index
        %get3A_672 = arith.index_cast %mul3A_670 : i32 to index
        %get3A_673 = tpu.vector_load %arg6[%get3A_671, %get3A_672] {strides = array<i32>} : memref<3x512xf32, #tpu.memory_space<vmem>>, vector<1x16xf32>,
        %get3A_674 = vector.shape_cast %get3A_673 : vector<1x16xf32> to vector<16xf32>
        %get3A_675 = arith.constant 1 : i32
        %get3A_676 = arith.index_cast %get3A_675 : i32 to index
        %get3A_677 = arith.index_cast %mul3A_670 : i32 to index
        %get3A_678 = tpu.vector_load %arg6[%get3A_676, %get3A_677] {strides = array<i32>} : memref<3x512xf32, #tpu.memory_space<vmem>>, vector<1x16xf32>,
        %get3A_679 = vector.shape_cast %get3A_678 : vector<1x16xf32> to vector<16xf32>
        %get3A_680 = arith.constant 2 : i32
        %get3A_681 = arith.index_cast %get3A_680 : i32 to index
        %get3A_682 = arith.index_cast %mul3A_670 : i32 to index
        %get3A_683 = tpu.vector_load %arg6[%get3A_681, %get3A_682] {strides = array<i32>} : memref<3x512xf32, #tpu.memory_space<vmem>>, vector<1x16xf32>,
        %get3A_684 = vector.shape_cast %get3A_683 : vector<1x16xf32> to vector<16xf32>
        %get3A_685 = arith.constant 0 : i32
        %get3A_686 = arith.index_cast %get3A_685 : i32 to index
        %get3A_687 = arith.index_cast %mul3A_670 : i32 to index
        %get3A_688 = tpu.vector_load %arg5[%get3A_686, %get3A_687] {strides = array<i32>} : memref<64x512xf32, #tpu.memory_space<vmem>>, vector<1x16xf32>,
        %get3A_689 = vector.shape_cast %get3A_688 : vector<1x16xf32> to vector<16xf32>
        %get3A_690 = arith.constant 1 : i32
        %get3A_691 = arith.index_cast %get3A_690 : i32 to index
        %get3A_692 = arith.index_cast %mul3A_670 : i32 to index
        %get3A_693 = tpu.vector_load %arg5[%get3A_691, %get3A_692] {strides = array<i32>} : memref<64x512xf32, #tpu.memory_space<vmem>>, vector<1x16xf32>,
        %get3A_694 = vector.shape_cast %get3A_693 : vector<1x16xf32> to vector<16xf32>
        %max3A = arith.maximumf %get3A_689, %get3A_694 : vector<16xf32>
        %min3A = arith.minimumf %get3A_689, %get3A_694 : vector<16xf32>
        %min3A_695 = arith.minimumf %get3A_674, %max3A : vector<16xf32>
        %max3A_696 = arith.maximumf %get3A_674, %max3A : vector<16xf32>
        %max3A_697 = arith.maximumf %get3A_679, %min3A : vector<16xf32>
        %max3A_698 = arith.maximumf %min3A_695, %max3A_697 : vector<16xf32>
        %min3A_699 = arith.minimumf %min3A_695, %max3A_697 : vector<16xf32>
        %max3A_700 = arith.maximumf %get3A_684, %min3A_699 : vector<16xf32>
        %get3A_701 = arith.constant 2 : i32
        %get3A_702 = arith.index_cast %get3A_701 : i32 to index
        %get3A_703 = arith.index_cast %mul3A_670 : i32 to index
        %get3A_704 = tpu.vector_load %arg5[%get3A_702, %get3A_703] {strides = array<i32>} : memref<64x512xf32, #tpu.memory_space<vmem>>, vector<1x16xf32>,
        %get3A_705 = vector.shape_cast %get3A_704 : vector<1x16xf32> to vector<16xf32>
        %get3A_706 = arith.constant 3 : i32
        %get3A_707 = arith.index_cast %get3A_706 : i32 to index
        %get3A_708 = arith.index_cast %mul3A_670 : i32 to index
        %get3A_709 = tpu.vector_load %arg5[%get3A_707, %get3A_708] {strides = array<i32>} : memref<64x512xf32, #tpu.memory_space<vmem>>, vector<1x16xf32>,
        %get3A_710 = vector.shape_cast %get3A_709 : vector<1x16xf32> to vector<16xf32>
        %max3A_711 = arith.maximumf %get3A_705, %get3A_710 : vector<16xf32>
        %min3A_712 = arith.minimumf %get3A_705, %get3A_710 : vector<16xf32>
        %min3A_713 = arith.minimumf %max3A_696, %max3A_711 : vector<16xf32>
        %max3A_714 = arith.maximumf %max3A_696, %max3A_711 : vector<16xf32>
        %max3A_715 = arith.maximumf %max3A_698, %min3A_712 : vector<16xf32>
        %max3A_716 = arith.maximumf %min3A_713, %max3A_715 : vector<16xf32>
        %min3A_717 = arith.minimumf %min3A_713, %max3A_715 : vector<16xf32>
        %max3A_718 = arith.maximumf %max3A_700, %min3A_717 : vector<16xf32>
        %get3A_719 = arith.constant 4 : i32
        %get3A_720 = arith.index_cast %get3A_719 : i32 to index
        %get3A_721 = arith.index_cast %mul3A_670 : i32 to index
        %get3A_722 = tpu.vector_load %arg5[%get3A_720, %get3A_721] {strides = array<i32>} : memref<64x512xf32, #tpu.memory_space<vmem>>, vector<1x16xf32>,
        %get3A_723 = vector.shape_cast %get3A_722 : vector<1x16xf32> to vector<16xf32>
        %get3A_724 = arith.constant 5 : i32
        %get3A_725 = arith.index_cast %get3A_724 : i32 to index
        %get3A_726 = arith.index_cast %mul3A_670 : i32 to index
        %get3A_727 = tpu.vector_load %arg5[%get3A_725, %get3A_726] {strides = array<i32>} : memref<64x512xf32, #tpu.memory_space<vmem>>, vector<1x16xf32>,
        %get3A_728 = vector.shape_cast %get3A_727 : vector<1x16xf32> to vector<16xf32>
        %max3A_729 = arith.maximumf %get3A_723, %get3A_728 : vector<16xf32>
        %min3A_730 = arith.minimumf %get3A_723, %get3A_728 : vector<16xf32>
        %min3A_731 = arith.minimumf %max3A_714, %max3A_729 : vector<16xf32>
        %max3A_732 = arith.maximumf %max3A_714, %max3A_729 : vector<16xf32>
        %max3A_733 = arith.maximumf %max3A_716, %min3A_730 : vector<16xf32>
        %max3A_734 = arith.maximumf %min3A_731, %max3A_733 : vector<16xf32>
        %min3A_735 = arith.minimumf %min3A_731, %max3A_733 : vector<16xf32>
        %max3A_736 = arith.maximumf %max3A_718, %min3A_735 : vector<16xf32>
        %get3A_737 = arith.constant 6 : i32
        %get3A_738 = arith.index_cast %get3A_737 : i32 to index
        %get3A_739 = arith.index_cast %mul3A_670 : i32 to index
        %get3A_740 = tpu.vector_load %arg5[%get3A_738, %get3A_739] {strides = array<i32>} : memref<64x512xf32, #tpu.memory_space<vmem>>, vector<1x16xf32>,
        %get3A_741 = vector.shape_cast %get3A_740 : vector<1x16xf32> to vector<16xf32>
        %get3A_742 = arith.constant 7 : i32
        %get3A_743 = arith.index_cast %get3A_742 : i32 to index
        %get3A_744 = arith.index_cast %mul3A_670 : i32 to index
        %get3A_745 = tpu.vector_load %arg5[%get3A_743, %get3A_744] {strides = array<i32>} : memref<64x512xf32, #tpu.memory_space<vmem>>, vector<1x16xf32>,
        %get3A_746 = vector.shape_cast %get3A_745 : vector<1x16xf32> to vector<16xf32>
        %max3A_747 = arith.maximumf %get3A_741, %get3A_746 : vector<16xf32>
        %min3A_748 = arith.minimumf %get3A_741, %get3A_746 : vector<16xf32>
        %min3A_749 = arith.minimumf %max3A_732, %max3A_747 : vector<16xf32>
        %max3A_750 = arith.maximumf %max3A_732, %max3A_747 : vector<16xf32>
        %max3A_751 = arith.maximumf %max3A_734, %min3A_748 : vector<16xf32>
        %max3A_752 = arith.maximumf %min3A_749, %max3A_751 : vector<16xf32>
        %min3A_753 = arith.minimumf %min3A_749, %max3A_751 : vector<16xf32>
        %max3A_754 = arith.maximumf %max3A_736, %min3A_753 : vector<16xf32>
        %get3A_755 = arith.constant 8 : i32
        %get3A_756 = arith.index_cast %get3A_755 : i32 to index
        %get3A_757 = arith.index_cast %mul3A_670 : i32 to index
        %get3A_758 = tpu.vector_load %arg5[%get3A_756, %get3A_757] {strides = array<i32>} : memref<64x512xf32, #tpu.memory_space<vmem>>, vector<1x16xf32>,
        %get3A_759 = vector.shape_cast %get3A_758 : vector<1x16xf32> to vector<16xf32>
        %get3A_760 = arith.constant 9 : i32
        %get3A_761 = arith.index_cast %get3A_760 : i32 to index
        %get3A_762 = arith.index_cast %mul3A_670 : i32 to index
        %get3A_763 = tpu.vector_load %arg5[%get3A_761, %get3A_762] {strides = array<i32>} : memref<64x512xf32, #tpu.memory_space<vmem>>, vector<1x16xf32>,
        %get3A_764 = vector.shape_cast %get3A_763 : vector<1x16xf32> to vector<16xf32>
        %max3A_765 = arith.maximumf %get3A_759, %get3A_764 : vector<16xf32>
        %min3A_766 = arith.minimumf %get3A_759, %get3A_764 : vector<16xf32>
        %min3A_767 = arith.minimumf %max3A_750, %max3A_765 : vector<16xf32>
        %max3A_768 = arith.maximumf %max3A_750, %max3A_765 : vector<16xf32>
        %max3A_769 = arith.maximumf %max3A_752, %min3A_766 : vector<16xf32>
        %max3A_770 = arith.maximumf %min3A_767, %max3A_769 : vector<16xf32>
        %min3A_771 = arith.minimumf %min3A_767, %max3A_769 : vector<16xf32>
        %max3A_772 = arith.maximumf %max3A_754, %min3A_771 : vector<16xf32>
        %get3A_773 = arith.constant 10 : i32
        %get3A_774 = arith.index_cast %get3A_773 : i32 to index
        %get3A_775 = arith.index_cast %mul3A_670 : i32 to index
        %get3A_776 = tpu.vector_load %arg5[%get3A_774, %get3A_775] {strides = array<i32>} : memref<64x512xf32, #tpu.memory_space<vmem>>, vector<1x16xf32>,
        %get3A_777 = vector.shape_cast %get3A_776 : vector<1x16xf32> to vector<16xf32>
        %get3A_778 = arith.constant 11 : i32
        %get3A_779 = arith.index_cast %get3A_778 : i32 to index
        %get3A_780 = arith.index_cast %mul3A_670 : i32 to index
        %get3A_781 = tpu.vector_load %arg5[%get3A_779, %get3A_780] {strides = array<i32>} : memref<64x512xf32, #tpu.memory_space<vmem>>, vector<1x16xf32>,
        %get3A_782 = vector.shape_cast %get3A_781 : vector<1x16xf32> to vector<16xf32>
        %max3A_783 = arith.maximumf %get3A_777, %get3A_782 : vector<16xf32>
        %min3A_784 = arith.minimumf %get3A_777, %get3A_782 : vector<16xf32>
        %min3A_785 = arith.minimumf %max3A_768, %max3A_783 : vector<16xf32>
        %max3A_786 = arith.maximumf %max3A_768, %max3A_783 : vector<16xf32>
        %max3A_787 = arith.maximumf %max3A_770, %min3A_784 : vector<16xf32>
        %max3A_788 = arith.maximumf %min3A_785, %max3A_787 : vector<16xf32>
        %min3A_789 = arith.minimumf %min3A_785, %max3A_787 : vector<16xf32>
        %max3A_790 = arith.maximumf %max3A_772, %min3A_789 : vector<16xf32>
        %get3A_791 = arith.constant 12 : i32
        %get3A_792 = arith.index_cast %get3A_791 : i32 to index
        %get3A_793 = arith.index_cast %mul3A_670 : i32 to index
        %get3A_794 = tpu.vector_load %arg5[%get3A_792, %get3A_793] {strides = array<i32>} : memref<64x512xf32, #tpu.memory_space<vmem>>, vector<1x16xf32>,
        %get3A_795 = vector.shape_cast %get3A_794 : vector<1x16xf32> to vector<16xf32>
        %get3A_796 = arith.constant 13 : i32
        %get3A_797 = arith.index_cast %get3A_796 : i32 to index
        %get3A_798 = arith.index_cast %mul3A_670 : i32 to index
        %get3A_799 = tpu.vector_load %arg5[%get3A_797, %get3A_798] {strides = array<i32>} : memref<64x512xf32, #tpu.memory_space<vmem>>, vector<1x16xf32>,
        %get3A_800 = vector.shape_cast %get3A_799 : vector<1x16xf32> to vector<16xf32>
        %max3A_801 = arith.maximumf %get3A_795, %get3A_800 : vector<16xf32>
        %min3A_802 = arith.minimumf %get3A_795, %get3A_800 : vector<16xf32>
        %min3A_803 = arith.minimumf %max3A_786, %max3A_801 : vector<16xf32>
        %max3A_804 = arith.maximumf %max3A_786, %max3A_801 : vector<16xf32>
        %max3A_805 = arith.maximumf %max3A_788, %min3A_802 : vector<16xf32>
        %max3A_806 = arith.maximumf %min3A_803, %max3A_805 : vector<16xf32>
        %min3A_807 = arith.minimumf %min3A_803, %max3A_805 : vector<16xf32>
        %max3A_808 = arith.maximumf %max3A_790, %min3A_807 : vector<16xf32>
        %get3A_809 = arith.constant 14 : i32
        %get3A_810 = arith.index_cast %get3A_809 : i32 to index
        %get3A_811 = arith.index_cast %mul3A_670 : i32 to index
        %get3A_812 = tpu.vector_load %arg5[%get3A_810, %get3A_811] {strides = array<i32>} : memref<64x512xf32, #tpu.memory_space<vmem>>, vector<1x16xf32>,
        %get3A_813 = vector.shape_cast %get3A_812 : vector<1x16xf32> to vector<16xf32>
        %get3A_814 = arith.constant 15 : i32
        %get3A_815 = arith.index_cast %get3A_814 : i32 to index
        %get3A_816 = arith.index_cast %mul3A_670 : i32 to index
        %get3A_817 = tpu.vector_load %arg5[%get3A_815, %get3A_816] {strides = array<i32>} : memref<64x512xf32, #tpu.memory_space<vmem>>, vector<1x16xf32>,
        %get3A_818 = vector.shape_cast %get3A_817 : vector<1x16xf32> to vector<16xf32>
        %max3A_819 = arith.maximumf %get3A_813, %get3A_818 : vector<16xf32>
        %min3A_820 = arith.minimumf %get3A_813, %get3A_818 : vector<16xf32>
        %min3A_821 = arith.minimumf %max3A_804, %max3A_819 : vector<16xf32>
        %max3A_822 = arith.maximumf %max3A_804, %max3A_819 : vector<16xf32>
        %max3A_823 = arith.maximumf %max3A_806, %min3A_820 : vector<16xf32>
        %max3A_824 = arith.maximumf %min3A_821, %max3A_823 : vector<16xf32>
        %min3A_825 = arith.minimumf %min3A_821, %max3A_823 : vector<16xf32>
        %max3A_826 = arith.maximumf %max3A_808, %min3A_825 : vector<16xf32>
        %get3A_827 = arith.constant 16 : i32
        %get3A_828 = arith.index_cast %get3A_827 : i32 to index
        %get3A_829 = arith.index_cast %mul3A_670 : i32 to index
        %get3A_830 = tpu.vector_load %arg5[%get3A_828, %get3A_829] {strides = array<i32>} : memref<64x512xf32, #tpu.memory_space<vmem>>, vector<1x16xf32>,
        %get3A_831 = vector.shape_cast %get3A_830 : vector<1x16xf32> to vector<16xf32>
        %get3A_832 = arith.constant 17 : i32
        %get3A_833 = arith.index_cast %get3A_832 : i32 to index
        %get3A_834 = arith.index_cast %mul3A_670 : i32 to index
        %get3A_835 = tpu.vector_load %arg5[%get3A_833, %get3A_834] {strides = array<i32>} : memref<64x512xf32, #tpu.memory_space<vmem>>, vector<1x16xf32>,
        %get3A_836 = vector.shape_cast %get3A_835 : vector<1x16xf32> to vector<16xf32>
        %max3A_837 = arith.maximumf %get3A_831, %get3A_836 : vector<16xf32>
        %min3A_838 = arith.minimumf %get3A_831, %get3A_836 : vector<16xf32>
        %min3A_839 = arith.minimumf %max3A_822, %max3A_837 : vector<16xf32>
        %max3A_840 = arith.maximumf %max3A_822, %max3A_837 : vector<16xf32>
        %max3A_841 = arith.maximumf %max3A_824, %min3A_838 : vector<16xf32>
        %max3A_842 = arith.maximumf %min3A_839, %max3A_841 : vector<16xf32>
        %min3A_843 = arith.minimumf %min3A_839, %max3A_841 : vector<16xf32>
        %max3A_844 = arith.maximumf %max3A_826, %min3A_843 : vector<16xf32>
        %get3A_845 = arith.constant 18 : i32
        %get3A_846 = arith.index_cast %get3A_845 : i32 to index
        %get3A_847 = arith.index_cast %mul3A_670 : i32 to index
        %get3A_848 = tpu.vector_load %arg5[%get3A_846, %get3A_847] {strides = array<i32>} : memref<64x512xf32, #tpu.memory_space<vmem>>, vector<1x16xf32>,
        %get3A_849 = vector.shape_cast %get3A_848 : vector<1x16xf32> to vector<16xf32>
        %get3A_850 = arith.constant 19 : i32
        %get3A_851 = arith.index_cast %get3A_850 : i32 to index
        %get3A_852 = arith.index_cast %mul3A_670 : i32 to index
        %get3A_853 = tpu.vector_load %arg5[%get3A_851, %get3A_852] {strides = array<i32>} : memref<64x512xf32, #tpu.memory_space<vmem>>, vector<1x16xf32>,
        %get3A_854 = vector.shape_cast %get3A_853 : vector<1x16xf32> to vector<16xf32>
        %max3A_855 = arith.maximumf %get3A_849, %get3A_854 : vector<16xf32>
        %min3A_856 = arith.minimumf %get3A_849, %get3A_854 : vector<16xf32>
        %min3A_857 = arith.minimumf %max3A_840, %max3A_855 : vector<16xf32>
        %max3A_858 = arith.maximumf %max3A_840, %max3A_855 : vector<16xf32>
        %max3A_859 = arith.maximumf %max3A_842, %min3A_856 : vector<16xf32>
        %max3A_860 = arith.maximumf %min3A_857, %max3A_859 : vector<16xf32>
        %min3A_861 = arith.minimumf %min3A_857, %max3A_859 : vector<16xf32>
        %max3A_862 = arith.maximumf %max3A_844, %min3A_861 : vector<16xf32>
        %get3A_863 = arith.constant 20 : i32
        %get3A_864 = arith.index_cast %get3A_863 : i32 to index
        %get3A_865 = arith.index_cast %mul3A_670 : i32 to index
        %get3A_866 = tpu.vector_load %arg5[%get3A_864, %get3A_865] {strides = array<i32>} : memref<64x512xf32, #tpu.memory_space<vmem>>, vector<1x16xf32>,
        %get3A_867 = vector.shape_cast %get3A_866 : vector<1x16xf32> to vector<16xf32>
        %get3A_868 = arith.constant 21 : i32
        %get3A_869 = arith.index_cast %get3A_868 : i32 to index
        %get3A_870 = arith.index_cast %mul3A_670 : i32 to index
        %get3A_871 = tpu.vector_load %arg5[%get3A_869, %get3A_870] {strides = array<i32>} : memref<64x512xf32, #tpu.memory_space<vmem>>, vector<1x16xf32>,
        %get3A_872 = vector.shape_cast %get3A_871 : vector<1x16xf32> to vector<16xf32>
        %max3A_873 = arith.maximumf %get3A_867, %get3A_872 : vector<16xf32>
        %min3A_874 = arith.minimumf %get3A_867, %get3A_872 : vector<16xf32>
        %min3A_875 = arith.minimumf %max3A_858, %max3A_873 : vector<16xf32>
        %max3A_876 = arith.maximumf %max3A_858, %max3A_873 : vector<16xf32>
        %max3A_877 = arith.maximumf %max3A_860, %min3A_874 : vector<16xf32>
        %max3A_878 = arith.maximumf %min3A_875, %max3A_877 : vector<16xf32>
        %min3A_879 = arith.minimumf %min3A_875, %max3A_877 : vector<16xf32>
        %max3A_880 = arith.maximumf %max3A_862, %min3A_879 : vector<16xf32>
        %get3A_881 = arith.constant 22 : i32
        %get3A_882 = arith.index_cast %get3A_881 : i32 to index
        %get3A_883 = arith.index_cast %mul3A_670 : i32 to index
        %get3A_884 = tpu.vector_load %arg5[%get3A_882, %get3A_883] {strides = array<i32>} : memref<64x512xf32, #tpu.memory_space<vmem>>, vector<1x16xf32>,
        %get3A_885 = vector.shape_cast %get3A_884 : vector<1x16xf32> to vector<16xf32>
        %get3A_886 = arith.constant 23 : i32
        %get3A_887 = arith.index_cast %get3A_886 : i32 to index
        %get3A_888 = arith.index_cast %mul3A_670 : i32 to index
        %get3A_889 = tpu.vector_load %arg5[%get3A_887, %get3A_888] {strides = array<i32>} : memref<64x512xf32, #tpu.memory_space<vmem>>, vector<1x16xf32>,
        %get3A_890 = vector.shape_cast %get3A_889 : vector<1x16xf32> to vector<16xf32>
        %max3A_891 = arith.maximumf %get3A_885, %get3A_890 : vector<16xf32>
        %min3A_892 = arith.minimumf %get3A_885, %get3A_890 : vector<16xf32>
        %min3A_893 = arith.minimumf %max3A_876, %max3A_891 : vector<16xf32>
        %max3A_894 = arith.maximumf %max3A_876, %max3A_891 : vector<16xf32>
        %max3A_895 = arith.maximumf %max3A_878, %min3A_892 : vector<16xf32>
        %max3A_896 = arith.maximumf %min3A_893, %max3A_895 : vector<16xf32>
        %min3A_897 = arith.minimumf %min3A_893, %max3A_895 : vector<16xf32>
        %max3A_898 = arith.maximumf %max3A_880, %min3A_897 : vector<16xf32>
        %get3A_899 = arith.constant 24 : i32
        %get3A_900 = arith.index_cast %get3A_899 : i32 to index
        %get3A_901 = arith.index_cast %mul3A_670 : i32 to index
        %get3A_902 = tpu.vector_load %arg5[%get3A_900, %get3A_901] {strides = array<i32>} : memref<64x512xf32, #tpu.memory_space<vmem>>, vector<1x16xf32>,
        %get3A_903 = vector.shape_cast %get3A_902 : vector<1x16xf32> to vector<16xf32>
        %get3A_904 = arith.constant 25 : i32
        %get3A_905 = arith.index_cast %get3A_904 : i32 to index
        %get3A_906 = arith.index_cast %mul3A_670 : i32 to index
        %get3A_907 = tpu.vector_load %arg5[%get3A_905, %get3A_906] {strides = array<i32>} : memref<64x512xf32, #tpu.memory_space<vmem>>, vector<1x16xf32>,
        %get3A_908 = vector.shape_cast %get3A_907 : vector<1x16xf32> to vector<16xf32>
        %max3A_909 = arith.maximumf %get3A_903, %get3A_908 : vector<16xf32>
        %min3A_910 = arith.minimumf %get3A_903, %get3A_908 : vector<16xf32>
        %min3A_911 = arith.minimumf %max3A_894, %max3A_909 : vector<16xf32>
        %max3A_912 = arith.maximumf %max3A_894, %max3A_909 : vector<16xf32>
        %max3A_913 = arith.maximumf %max3A_896, %min3A_910 : vector<16xf32>
        %max3A_914 = arith.maximumf %min3A_911, %max3A_913 : vector<16xf32>
        %min3A_915 = arith.minimumf %min3A_911, %max3A_913 : vector<16xf32>
        %max3A_916 = arith.maximumf %max3A_898, %min3A_915 : vector<16xf32>
        %get3A_917 = arith.constant 26 : i32
        %get3A_918 = arith.index_cast %get3A_917 : i32 to index
        %get3A_919 = arith.index_cast %mul3A_670 : i32 to index
        %get3A_920 = tpu.vector_load %arg5[%get3A_918, %get3A_919] {strides = array<i32>} : memref<64x512xf32, #tpu.memory_space<vmem>>, vector<1x16xf32>,
        %get3A_921 = vector.shape_cast %get3A_920 : vector<1x16xf32> to vector<16xf32>
        %get3A_922 = arith.constant 27 : i32
        %get3A_923 = arith.index_cast %get3A_922 : i32 to index
        %get3A_924 = arith.index_cast %mul3A_670 : i32 to index
        %get3A_925 = tpu.vector_load %arg5[%get3A_923, %get3A_924] {strides = array<i32>} : memref<64x512xf32, #tpu.memory_space<vmem>>, vector<1x16xf32>,
        %get3A_926 = vector.shape_cast %get3A_925 : vector<1x16xf32> to vector<16xf32>
        %max3A_927 = arith.maximumf %get3A_921, %get3A_926 : vector<16xf32>
        %min3A_928 = arith.minimumf %get3A_921, %get3A_926 : vector<16xf32>
        %min3A_929 = arith.minimumf %max3A_912, %max3A_927 : vector<16xf32>
        %max3A_930 = arith.maximumf %max3A_912, %max3A_927 : vector<16xf32>
        %max3A_931 = arith.maximumf %max3A_914, %min3A_928 : vector<16xf32>
        %max3A_932 = arith.maximumf %min3A_929, %max3A_931 : vector<16xf32>
        %min3A_933 = arith.minimumf %min3A_929, %max3A_931 : vector<16xf32>
        %max3A_934 = arith.maximumf %max3A_916, %min3A_933 : vector<16xf32>
        %get3A_935 = arith.constant 28 : i32
        %get3A_936 = arith.index_cast %get3A_935 : i32 to index
        %get3A_937 = arith.index_cast %mul3A_670 : i32 to index
        %get3A_938 = tpu.vector_load %arg5[%get3A_936, %get3A_937] {strides = array<i32>} : memref<64x512xf32, #tpu.memory_space<vmem>>, vector<1x16xf32>,
        %get3A_939 = vector.shape_cast %get3A_938 : vector<1x16xf32> to vector<16xf32>
        %get3A_940 = arith.constant 29 : i32
        %get3A_941 = arith.index_cast %get3A_940 : i32 to index
        %get3A_942 = arith.index_cast %mul3A_670 : i32 to index
        %get3A_943 = tpu.vector_load %arg5[%get3A_941, %get3A_942] {strides = array<i32>} : memref<64x512xf32, #tpu.memory_space<vmem>>, vector<1x16xf32>,
        %get3A_944 = vector.shape_cast %get3A_943 : vector<1x16xf32> to vector<16xf32>
        %max3A_945 = arith.maximumf %get3A_939, %get3A_944 : vector<16xf32>
        %min3A_946 = arith.minimumf %get3A_939, %get3A_944 : vector<16xf32>
        %min3A_947 = arith.minimumf %max3A_930, %max3A_945 : vector<16xf32>
        %max3A_948 = arith.maximumf %max3A_930, %max3A_945 : vector<16xf32>
        %max3A_949 = arith.maximumf %max3A_932, %min3A_946 : vector<16xf32>
        %max3A_950 = arith.maximumf %min3A_947, %max3A_949 : vector<16xf32>
        %min3A_951 = arith.minimumf %min3A_947, %max3A_949 : vector<16xf32>
        %max3A_952 = arith.maximumf %max3A_934, %min3A_951 : vector<16xf32>
        %get3A_953 = arith.constant 30 : i32
        %get3A_954 = arith.index_cast %get3A_953 : i32 to index
        %get3A_955 = arith.index_cast %mul3A_670 : i32 to index
        %get3A_956 = tpu.vector_load %arg5[%get3A_954, %get3A_955] {strides = array<i32>} : memref<64x512xf32, #tpu.memory_space<vmem>>, vector<1x16xf32>,
        %get3A_957 = vector.shape_cast %get3A_956 : vector<1x16xf32> to vector<16xf32>
        %get3A_958 = arith.constant 31 : i32
        %get3A_959 = arith.index_cast %get3A_958 : i32 to index
        %get3A_960 = arith.index_cast %mul3A_670 : i32 to index
        %get3A_961 = tpu.vector_load %arg5[%get3A_959, %get3A_960] {strides = array<i32>} : memref<64x512xf32, #tpu.memory_space<vmem>>, vector<1x16xf32>,
        %get3A_962 = vector.shape_cast %get3A_961 : vector<1x16xf32> to vector<16xf32>
        %max3A_963 = arith.maximumf %get3A_957, %get3A_962 : vector<16xf32>
        %min3A_964 = arith.minimumf %get3A_957, %get3A_962 : vector<16xf32>
        %min3A_965 = arith.minimumf %max3A_948, %max3A_963 : vector<16xf32>
        %max3A_966 = arith.maximumf %max3A_948, %max3A_963 : vector<16xf32>
        %max3A_967 = arith.maximumf %max3A_950, %min3A_964 : vector<16xf32>
        %max3A_968 = arith.maximumf %min3A_965, %max3A_967 : vector<16xf32>
        %min3A_969 = arith.minimumf %min3A_965, %max3A_967 : vector<16xf32>
        %max3A_970 = arith.maximumf %max3A_952, %min3A_969 : vector<16xf32>
        %get3A_971 = arith.constant 32 : i32
        %get3A_972 = arith.index_cast %get3A_971 : i32 to index
        %get3A_973 = arith.index_cast %mul3A_670 : i32 to index
        %get3A_974 = tpu.vector_load %arg5[%get3A_972, %get3A_973] {strides = array<i32>} : memref<64x512xf32, #tpu.memory_space<vmem>>, vector<1x16xf32>,
        %get3A_975 = vector.shape_cast %get3A_974 : vector<1x16xf32> to vector<16xf32>
        %get3A_976 = arith.constant 33 : i32
        %get3A_977 = arith.index_cast %get3A_976 : i32 to index
        %get3A_978 = arith.index_cast %mul3A_670 : i32 to index
        %get3A_979 = tpu.vector_load %arg5[%get3A_977, %get3A_978] {strides = array<i32>} : memref<64x512xf32, #tpu.memory_space<vmem>>, vector<1x16xf32>,
        %get3A_980 = vector.shape_cast %get3A_979 : vector<1x16xf32> to vector<16xf32>
        %max3A_981 = arith.maximumf %get3A_975, %get3A_980 : vector<16xf32>
        %min3A_982 = arith.minimumf %get3A_975, %get3A_980 : vector<16xf32>
        %min3A_983 = arith.minimumf %max3A_966, %max3A_981 : vector<16xf32>
        %max3A_984 = arith.maximumf %max3A_966, %max3A_981 : vector<16xf32>
        %max3A_985 = arith.maximumf %max3A_968, %min3A_982 : vector<16xf32>
        %max3A_986 = arith.maximumf %min3A_983, %max3A_985 : vector<16xf32>
        %min3A_987 = arith.minimumf %min3A_983, %max3A_985 : vector<16xf32>
        %max3A_988 = arith.maximumf %max3A_970, %min3A_987 : vector<16xf32>
        %get3A_989 = arith.constant 34 : i32
        %get3A_990 = arith.index_cast %get3A_989 : i32 to index
        %get3A_991 = arith.index_cast %mul3A_670 : i32 to index
        %get3A_992 = tpu.vector_load %arg5[%get3A_990, %get3A_991] {strides = array<i32>} : memref<64x512xf32, #tpu.memory_space<vmem>>, vector<1x16xf32>,
        %get3A_993 = vector.shape_cast %get3A_992 : vector<1x16xf32> to vector<16xf32>
        %get3A_994 = arith.constant 35 : i32
        %get3A_995 = arith.index_cast %get3A_994 : i32 to index
        %get3A_996 = arith.index_cast %mul3A_670 : i32 to index
        %get3A_997 = tpu.vector_load %arg5[%get3A_995, %get3A_996] {strides = array<i32>} : memref<64x512xf32, #tpu.memory_space<vmem>>, vector<1x16xf32>,
        %get3A_998 = vector.shape_cast %get3A_997 : vector<1x16xf32> to vector<16xf32>
        %max3A_999 = arith.maximumf %get3A_993, %get3A_998 : vector<16xf32>
        %min3A_1000 = arith.minimumf %get3A_993, %get3A_998 : vector<16xf32>
        %min3A_1001 = arith.minimumf %max3A_984, %max3A_999 : vector<16xf32>
        %max3A_1002 = arith.maximumf %max3A_984, %max3A_999 : vector<16xf32>
        %max3A_1003 = arith.maximumf %max3A_986, %min3A_1000 : vector<16xf32>
        %max3A_1004 = arith.maximumf %min3A_1001, %max3A_1003 : vector<16xf32>
        %min3A_1005 = arith.minimumf %min3A_1001, %max3A_1003 : vector<16xf32>
        %max3A_1006 = arith.maximumf %max3A_988, %min3A_1005 : vector<16xf32>
        %get3A_1007 = arith.constant 36 : i32
        %get3A_1008 = arith.index_cast %get3A_1007 : i32 to index
        %get3A_1009 = arith.index_cast %mul3A_670 : i32 to index
        %get3A_1010 = tpu.vector_load %arg5[%get3A_1008, %get3A_1009] {strides = array<i32>} : memref<64x512xf32, #tpu.memory_space<vmem>>, vector<1x16xf32>,
        %get3A_1011 = vector.shape_cast %get3A_1010 : vector<1x16xf32> to vector<16xf32>
        %get3A_1012 = arith.constant 37 : i32
        %get3A_1013 = arith.index_cast %get3A_1012 : i32 to index
        %get3A_1014 = arith.index_cast %mul3A_670 : i32 to index
        %get3A_1015 = tpu.vector_load %arg5[%get3A_1013, %get3A_1014] {strides = array<i32>} : memref<64x512xf32, #tpu.memory_space<vmem>>, vector<1x16xf32>,
        %get3A_1016 = vector.shape_cast %get3A_1015 : vector<1x16xf32> to vector<16xf32>
        %max3A_1017 = arith.maximumf %get3A_1011, %get3A_1016 : vector<16xf32>
        %min3A_1018 = arith.minimumf %get3A_1011, %get3A_1016 : vector<16xf32>
        %min3A_1019 = arith.minimumf %max3A_1002, %max3A_1017 : vector<16xf32>
        %max3A_1020 = arith.maximumf %max3A_1002, %max3A_1017 : vector<16xf32>
        %max3A_1021 = arith.maximumf %max3A_1004, %min3A_1018 : vector<16xf32>
        %max3A_1022 = arith.maximumf %min3A_1019, %max3A_1021 : vector<16xf32>
        %min3A_1023 = arith.minimumf %min3A_1019, %max3A_1021 : vector<16xf32>
        %max3A_1024 = arith.maximumf %max3A_1006, %min3A_1023 : vector<16xf32>
        %get3A_1025 = arith.constant 38 : i32
        %get3A_1026 = arith.index_cast %get3A_1025 : i32 to index
        %get3A_1027 = arith.index_cast %mul3A_670 : i32 to index
        %get3A_1028 = tpu.vector_load %arg5[%get3A_1026, %get3A_1027] {strides = array<i32>} : memref<64x512xf32, #tpu.memory_space<vmem>>, vector<1x16xf32>,
        %get3A_1029 = vector.shape_cast %get3A_1028 : vector<1x16xf32> to vector<16xf32>
        %get3A_1030 = arith.constant 39 : i32
        %get3A_1031 = arith.index_cast %get3A_1030 : i32 to index
        %get3A_1032 = arith.index_cast %mul3A_670 : i32 to index
        %get3A_1033 = tpu.vector_load %arg5[%get3A_1031, %get3A_1032] {strides = array<i32>} : memref<64x512xf32, #tpu.memory_space<vmem>>, vector<1x16xf32>,
        %get3A_1034 = vector.shape_cast %get3A_1033 : vector<1x16xf32> to vector<16xf32>
        %max3A_1035 = arith.maximumf %get3A_1029, %get3A_1034 : vector<16xf32>
        %min3A_1036 = arith.minimumf %get3A_1029, %get3A_1034 : vector<16xf32>
        %min3A_1037 = arith.minimumf %max3A_1020, %max3A_1035 : vector<16xf32>
        %max3A_1038 = arith.maximumf %max3A_1020, %max3A_1035 : vector<16xf32>
        %max3A_1039 = arith.maximumf %max3A_1022, %min3A_1036 : vector<16xf32>
        %max3A_1040 = arith.maximumf %min3A_1037, %max3A_1039 : vector<16xf32>
        %min3A_1041 = arith.minimumf %min3A_1037, %max3A_1039 : vector<16xf32>
        %max3A_1042 = arith.maximumf %max3A_1024, %min3A_1041 : vector<16xf32>
        %get3A_1043 = arith.constant 40 : i32
        %get3A_1044 = arith.index_cast %get3A_1043 : i32 to index
        %get3A_1045 = arith.index_cast %mul3A_670 : i32 to index
        %get3A_1046 = tpu.vector_load %arg5[%get3A_1044, %get3A_1045] {strides = array<i32>} : memref<64x512xf32, #tpu.memory_space<vmem>>, vector<1x16xf32>,
        %get3A_1047 = vector.shape_cast %get3A_1046 : vector<1x16xf32> to vector<16xf32>
        %get3A_1048 = arith.constant 41 : i32
        %get3A_1049 = arith.index_cast %get3A_1048 : i32 to index
        %get3A_1050 = arith.index_cast %mul3A_670 : i32 to index
        %get3A_1051 = tpu.vector_load %arg5[%get3A_1049, %get3A_1050] {strides = array<i32>} : memref<64x512xf32, #tpu.memory_space<vmem>>, vector<1x16xf32>,
        %get3A_1052 = vector.shape_cast %get3A_1051 : vector<1x16xf32> to vector<16xf32>
        %max3A_1053 = arith.maximumf %get3A_1047, %get3A_1052 : vector<16xf32>
        %min3A_1054 = arith.minimumf %get3A_1047, %get3A_1052 : vector<16xf32>
        %min3A_1055 = arith.minimumf %max3A_1038, %max3A_1053 : vector<16xf32>
        %max3A_1056 = arith.maximumf %max3A_1038, %max3A_1053 : vector<16xf32>
        %max3A_1057 = arith.maximumf %max3A_1040, %min3A_1054 : vector<16xf32>
        %max3A_1058 = arith.maximumf %min3A_1055, %max3A_1057 : vector<16xf32>
        %min3A_1059 = arith.minimumf %min3A_1055, %max3A_1057 : vector<16xf32>
        %max3A_1060 = arith.maximumf %max3A_1042, %min3A_1059 : vector<16xf32>
        %get3A_1061 = arith.constant 42 : i32
        %get3A_1062 = arith.index_cast %get3A_1061 : i32 to index
        %get3A_1063 = arith.index_cast %mul3A_670 : i32 to index
        %get3A_1064 = tpu.vector_load %arg5[%get3A_1062, %get3A_1063] {strides = array<i32>} : memref<64x512xf32, #tpu.memory_space<vmem>>, vector<1x16xf32>,
        %get3A_1065 = vector.shape_cast %get3A_1064 : vector<1x16xf32> to vector<16xf32>
        %get3A_1066 = arith.constant 43 : i32
        %get3A_1067 = arith.index_cast %get3A_1066 : i32 to index
        %get3A_1068 = arith.index_cast %mul3A_670 : i32 to index
        %get3A_1069 = tpu.vector_load %arg5[%get3A_1067, %get3A_1068] {strides = array<i32>} : memref<64x512xf32, #tpu.memory_space<vmem>>, vector<1x16xf32>,
        %get3A_1070 = vector.shape_cast %get3A_1069 : vector<1x16xf32> to vector<16xf32>
        %max3A_1071 = arith.maximumf %get3A_1065, %get3A_1070 : vector<16xf32>
        %min3A_1072 = arith.minimumf %get3A_1065, %get3A_1070 : vector<16xf32>
        %min3A_1073 = arith.minimumf %max3A_1056, %max3A_1071 : vector<16xf32>
        %max3A_1074 = arith.maximumf %max3A_1056, %max3A_1071 : vector<16xf32>
        %max3A_1075 = arith.maximumf %max3A_1058, %min3A_1072 : vector<16xf32>
        %max3A_1076 = arith.maximumf %min3A_1073, %max3A_1075 : vector<16xf32>
        %min3A_1077 = arith.minimumf %min3A_1073, %max3A_1075 : vector<16xf32>
        %max3A_1078 = arith.maximumf %max3A_1060, %min3A_1077 : vector<16xf32>
        %get3A_1079 = arith.constant 44 : i32
        %get3A_1080 = arith.index_cast %get3A_1079 : i32 to index
        %get3A_1081 = arith.index_cast %mul3A_670 : i32 to index
        %get3A_1082 = tpu.vector_load %arg5[%get3A_1080, %get3A_1081] {strides = array<i32>} : memref<64x512xf32, #tpu.memory_space<vmem>>, vector<1x16xf32>,
        %get3A_1083 = vector.shape_cast %get3A_1082 : vector<1x16xf32> to vector<16xf32>
        %get3A_1084 = arith.constant 45 : i32
        %get3A_1085 = arith.index_cast %get3A_1084 : i32 to index
        %get3A_1086 = arith.index_cast %mul3A_670 : i32 to index
        %get3A_1087 = tpu.vector_load %arg5[%get3A_1085, %get3A_1086] {strides = array<i32>} : memref<64x512xf32, #tpu.memory_space<vmem>>, vector<1x16xf32>,
        %get3A_1088 = vector.shape_cast %get3A_1087 : vector<1x16xf32> to vector<16xf32>
        %max3A_1089 = arith.maximumf %get3A_1083, %get3A_1088 : vector<16xf32>
        %min3A_1090 = arith.minimumf %get3A_1083, %get3A_1088 : vector<16xf32>
        %min3A_1091 = arith.minimumf %max3A_1074, %max3A_1089 : vector<16xf32>
        %max3A_1092 = arith.maximumf %max3A_1074, %max3A_1089 : vector<16xf32>
        %max3A_1093 = arith.maximumf %max3A_1076, %min3A_1090 : vector<16xf32>
        %max3A_1094 = arith.maximumf %min3A_1091, %max3A_1093 : vector<16xf32>
        %min3A_1095 = arith.minimumf %min3A_1091, %max3A_1093 : vector<16xf32>
        %max3A_1096 = arith.maximumf %max3A_1078, %min3A_1095 : vector<16xf32>
        %get3A_1097 = arith.constant 46 : i32
        %get3A_1098 = arith.index_cast %get3A_1097 : i32 to index
        %get3A_1099 = arith.index_cast %mul3A_670 : i32 to index
        %get3A_1100 = tpu.vector_load %arg5[%get3A_1098, %get3A_1099] {strides = array<i32>} : memref<64x512xf32, #tpu.memory_space<vmem>>, vector<1x16xf32>,
        %get3A_1101 = vector.shape_cast %get3A_1100 : vector<1x16xf32> to vector<16xf32>
        %get3A_1102 = arith.constant 47 : i32
        %get3A_1103 = arith.index_cast %get3A_1102 : i32 to index
        %get3A_1104 = arith.index_cast %mul3A_670 : i32 to index
        %get3A_1105 = tpu.vector_load %arg5[%get3A_1103, %get3A_1104] {strides = array<i32>} : memref<64x512xf32, #tpu.memory_space<vmem>>, vector<1x16xf32>,
        %get3A_1106 = vector.shape_cast %get3A_1105 : vector<1x16xf32> to vector<16xf32>
        %max3A_1107 = arith.maximumf %get3A_1101, %get3A_1106 : vector<16xf32>
        %min3A_1108 = arith.minimumf %get3A_1101, %get3A_1106 : vector<16xf32>
        %min3A_1109 = arith.minimumf %max3A_1092, %max3A_1107 : vector<16xf32>
        %max3A_1110 = arith.maximumf %max3A_1092, %max3A_1107 : vector<16xf32>
        %max3A_1111 = arith.maximumf %max3A_1094, %min3A_1108 : vector<16xf32>
        %max3A_1112 = arith.maximumf %min3A_1109, %max3A_1111 : vector<16xf32>
        %min3A_1113 = arith.minimumf %min3A_1109, %max3A_1111 : vector<16xf32>
        %max3A_1114 = arith.maximumf %max3A_1096, %min3A_1113 : vector<16xf32>
        %get3A_1115 = arith.constant 48 : i32
        %get3A_1116 = arith.index_cast %get3A_1115 : i32 to index
        %get3A_1117 = arith.index_cast %mul3A_670 : i32 to index
        %get3A_1118 = tpu.vector_load %arg5[%get3A_1116, %get3A_1117] {strides = array<i32>} : memref<64x512xf32, #tpu.memory_space<vmem>>, vector<1x16xf32>,
        %get3A_1119 = vector.shape_cast %get3A_1118 : vector<1x16xf32> to vector<16xf32>
        %get3A_1120 = arith.constant 49 : i32
        %get3A_1121 = arith.index_cast %get3A_1120 : i32 to index
        %get3A_1122 = arith.index_cast %mul3A_670 : i32 to index
        %get3A_1123 = tpu.vector_load %arg5[%get3A_1121, %get3A_1122] {strides = array<i32>} : memref<64x512xf32, #tpu.memory_space<vmem>>, vector<1x16xf32>,
        %get3A_1124 = vector.shape_cast %get3A_1123 : vector<1x16xf32> to vector<16xf32>
        %max3A_1125 = arith.maximumf %get3A_1119, %get3A_1124 : vector<16xf32>
        %min3A_1126 = arith.minimumf %get3A_1119, %get3A_1124 : vector<16xf32>
        %min3A_1127 = arith.minimumf %max3A_1110, %max3A_1125 : vector<16xf32>
        %max3A_1128 = arith.maximumf %max3A_1110, %max3A_1125 : vector<16xf32>
        %max3A_1129 = arith.maximumf %max3A_1112, %min3A_1126 : vector<16xf32>
        %max3A_1130 = arith.maximumf %min3A_1127, %max3A_1129 : vector<16xf32>
        %min3A_1131 = arith.minimumf %min3A_1127, %max3A_1129 : vector<16xf32>
        %max3A_1132 = arith.maximumf %max3A_1114, %min3A_1131 : vector<16xf32>
        %get3A_1133 = arith.constant 50 : i32
        %get3A_1134 = arith.index_cast %get3A_1133 : i32 to index
        %get3A_1135 = arith.index_cast %mul3A_670 : i32 to index
        %get3A_1136 = tpu.vector_load %arg5[%get3A_1134, %get3A_1135] {strides = array<i32>} : memref<64x512xf32, #tpu.memory_space<vmem>>, vector<1x16xf32>,
        %get3A_1137 = vector.shape_cast %get3A_1136 : vector<1x16xf32> to vector<16xf32>
        %get3A_1138 = arith.constant 51 : i32
        %get3A_1139 = arith.index_cast %get3A_1138 : i32 to index
        %get3A_1140 = arith.index_cast %mul3A_670 : i32 to index
        %get3A_1141 = tpu.vector_load %arg5[%get3A_1139, %get3A_1140] {strides = array<i32>} : memref<64x512xf32, #tpu.memory_space<vmem>>, vector<1x16xf32>,
        %get3A_1142 = vector.shape_cast %get3A_1141 : vector<1x16xf32> to vector<16xf32>
        %max3A_1143 = arith.maximumf %get3A_1137, %get3A_1142 : vector<16xf32>
        %min3A_1144 = arith.minimumf %get3A_1137, %get3A_1142 : vector<16xf32>
        %min3A_1145 = arith.minimumf %max3A_1128, %max3A_1143 : vector<16xf32>
        %max3A_1146 = arith.maximumf %max3A_1128, %max3A_1143 : vector<16xf32>
        %max3A_1147 = arith.maximumf %max3A_1130, %min3A_1144 : vector<16xf32>
        %max3A_1148 = arith.maximumf %min3A_1145, %max3A_1147 : vector<16xf32>
        %min3A_1149 = arith.minimumf %min3A_1145, %max3A_1147 : vector<16xf32>
        %max3A_1150 = arith.maximumf %max3A_1132, %min3A_1149 : vector<16xf32>
        %get3A_1151 = arith.constant 52 : i32
        %get3A_1152 = arith.index_cast %get3A_1151 : i32 to index
        %get3A_1153 = arith.index_cast %mul3A_670 : i32 to index
        %get3A_1154 = tpu.vector_load %arg5[%get3A_1152, %get3A_1153] {strides = array<i32>} : memref<64x512xf32, #tpu.memory_space<vmem>>, vector<1x16xf32>,
        %get3A_1155 = vector.shape_cast %get3A_1154 : vector<1x16xf32> to vector<16xf32>
        %get3A_1156 = arith.constant 53 : i32
        %get3A_1157 = arith.index_cast %get3A_1156 : i32 to index
        %get3A_1158 = arith.index_cast %mul3A_670 : i32 to index
        %get3A_1159 = tpu.vector_load %arg5[%get3A_1157, %get3A_1158] {strides = array<i32>} : memref<64x512xf32, #tpu.memory_space<vmem>>, vector<1x16xf32>,
        %get3A_1160 = vector.shape_cast %get3A_1159 : vector<1x16xf32> to vector<16xf32>
        %max3A_1161 = arith.maximumf %get3A_1155, %get3A_1160 : vector<16xf32>
        %min3A_1162 = arith.minimumf %get3A_1155, %get3A_1160 : vector<16xf32>
        %min3A_1163 = arith.minimumf %max3A_1146, %max3A_1161 : vector<16xf32>
        %max3A_1164 = arith.maximumf %max3A_1146, %max3A_1161 : vector<16xf32>
        %max3A_1165 = arith.maximumf %max3A_1148, %min3A_1162 : vector<16xf32>
        %max3A_1166 = arith.maximumf %min3A_1163, %max3A_1165 : vector<16xf32>
        %min3A_1167 = arith.minimumf %min3A_1163, %max3A_1165 : vector<16xf32>
        %max3A_1168 = arith.maximumf %max3A_1150, %min3A_1167 : vector<16xf32>
        %get3A_1169 = arith.constant 54 : i32
        %get3A_1170 = arith.index_cast %get3A_1169 : i32 to index
        %get3A_1171 = arith.index_cast %mul3A_670 : i32 to index
        %get3A_1172 = tpu.vector_load %arg5[%get3A_1170, %get3A_1171] {strides = array<i32>} : memref<64x512xf32, #tpu.memory_space<vmem>>, vector<1x16xf32>,
        %get3A_1173 = vector.shape_cast %get3A_1172 : vector<1x16xf32> to vector<16xf32>
        %get3A_1174 = arith.constant 55 : i32
        %get3A_1175 = arith.index_cast %get3A_1174 : i32 to index
        %get3A_1176 = arith.index_cast %mul3A_670 : i32 to index
        %get3A_1177 = tpu.vector_load %arg5[%get3A_1175, %get3A_1176] {strides = array<i32>} : memref<64x512xf32, #tpu.memory_space<vmem>>, vector<1x16xf32>,
        %get3A_1178 = vector.shape_cast %get3A_1177 : vector<1x16xf32> to vector<16xf32>
        %max3A_1179 = arith.maximumf %get3A_1173, %get3A_1178 : vector<16xf32>
        %min3A_1180 = arith.minimumf %get3A_1173, %get3A_1178 : vector<16xf32>
        %min3A_1181 = arith.minimumf %max3A_1164, %max3A_1179 : vector<16xf32>
        %max3A_1182 = arith.maximumf %max3A_1164, %max3A_1179 : vector<16xf32>
        %max3A_1183 = arith.maximumf %max3A_1166, %min3A_1180 : vector<16xf32>
        %max3A_1184 = arith.maximumf %min3A_1181, %max3A_1183 : vector<16xf32>
        %min3A_1185 = arith.minimumf %min3A_1181, %max3A_1183 : vector<16xf32>
        %max3A_1186 = arith.maximumf %max3A_1168, %min3A_1185 : vector<16xf32>
        %get3A_1187 = arith.constant 56 : i32
        %get3A_1188 = arith.index_cast %get3A_1187 : i32 to index
        %get3A_1189 = arith.index_cast %mul3A_670 : i32 to index
        %get3A_1190 = tpu.vector_load %arg5[%get3A_1188, %get3A_1189] {strides = array<i32>} : memref<64x512xf32, #tpu.memory_space<vmem>>, vector<1x16xf32>,
        %get3A_1191 = vector.shape_cast %get3A_1190 : vector<1x16xf32> to vector<16xf32>
        %get3A_1192 = arith.constant 57 : i32
        %get3A_1193 = arith.index_cast %get3A_1192 : i32 to index
        %get3A_1194 = arith.index_cast %mul3A_670 : i32 to index
        %get3A_1195 = tpu.vector_load %arg5[%get3A_1193, %get3A_1194] {strides = array<i32>} : memref<64x512xf32, #tpu.memory_space<vmem>>, vector<1x16xf32>,
        %get3A_1196 = vector.shape_cast %get3A_1195 : vector<1x16xf32> to vector<16xf32>
        %max3A_1197 = arith.maximumf %get3A_1191, %get3A_1196 : vector<16xf32>
        %min3A_1198 = arith.minimumf %get3A_1191, %get3A_1196 : vector<16xf32>
        %min3A_1199 = arith.minimumf %max3A_1182, %max3A_1197 : vector<16xf32>
        %max3A_1200 = arith.maximumf %max3A_1182, %max3A_1197 : vector<16xf32>
        %max3A_1201 = arith.maximumf %max3A_1184, %min3A_1198 : vector<16xf32>
        %max3A_1202 = arith.maximumf %min3A_1199, %max3A_1201 : vector<16xf32>
        %min3A_1203 = arith.minimumf %min3A_1199, %max3A_1201 : vector<16xf32>
        %max3A_1204 = arith.maximumf %max3A_1186, %min3A_1203 : vector<16xf32>
        %get3A_1205 = arith.constant 58 : i32
        %get3A_1206 = arith.index_cast %get3A_1205 : i32 to index
        %get3A_1207 = arith.index_cast %mul3A_670 : i32 to index
        %get3A_1208 = tpu.vector_load %arg5[%get3A_1206, %get3A_1207] {strides = array<i32>} : memref<64x512xf32, #tpu.memory_space<vmem>>, vector<1x16xf32>,
        %get3A_1209 = vector.shape_cast %get3A_1208 : vector<1x16xf32> to vector<16xf32>
        %get3A_1210 = arith.constant 59 : i32
        %get3A_1211 = arith.index_cast %get3A_1210 : i32 to index
        %get3A_1212 = arith.index_cast %mul3A_670 : i32 to index
        %get3A_1213 = tpu.vector_load %arg5[%get3A_1211, %get3A_1212] {strides = array<i32>} : memref<64x512xf32, #tpu.memory_space<vmem>>, vector<1x16xf32>,
        %get3A_1214 = vector.shape_cast %get3A_1213 : vector<1x16xf32> to vector<16xf32>
        %max3A_1215 = arith.maximumf %get3A_1209, %get3A_1214 : vector<16xf32>
        %min3A_1216 = arith.minimumf %get3A_1209, %get3A_1214 : vector<16xf32>
        %min3A_1217 = arith.minimumf %max3A_1200, %max3A_1215 : vector<16xf32>
        %max3A_1218 = arith.maximumf %max3A_1200, %max3A_1215 : vector<16xf32>
        %max3A_1219 = arith.maximumf %max3A_1202, %min3A_1216 : vector<16xf32>
        %max3A_1220 = arith.maximumf %min3A_1217, %max3A_1219 : vector<16xf32>
        %min3A_1221 = arith.minimumf %min3A_1217, %max3A_1219 : vector<16xf32>
        %max3A_1222 = arith.maximumf %max3A_1204, %min3A_1221 : vector<16xf32>
        %get3A_1223 = arith.constant 60 : i32
        %get3A_1224 = arith.index_cast %get3A_1223 : i32 to index
        %get3A_1225 = arith.index_cast %mul3A_670 : i32 to index
        %get3A_1226 = tpu.vector_load %arg5[%get3A_1224, %get3A_1225] {strides = array<i32>} : memref<64x512xf32, #tpu.memory_space<vmem>>, vector<1x16xf32>,
        %get3A_1227 = vector.shape_cast %get3A_1226 : vector<1x16xf32> to vector<16xf32>
        %get3A_1228 = arith.constant 61 : i32
        %get3A_1229 = arith.index_cast %get3A_1228 : i32 to index
        %get3A_1230 = arith.index_cast %mul3A_670 : i32 to index
        %get3A_1231 = tpu.vector_load %arg5[%get3A_1229, %get3A_1230] {strides = array<i32>} : memref<64x512xf32, #tpu.memory_space<vmem>>, vector<1x16xf32>,
        %get3A_1232 = vector.shape_cast %get3A_1231 : vector<1x16xf32> to vector<16xf32>
        %max3A_1233 = arith.maximumf %get3A_1227, %get3A_1232 : vector<16xf32>
        %min3A_1234 = arith.minimumf %get3A_1227, %get3A_1232 : vector<16xf32>
        %min3A_1235 = arith.minimumf %max3A_1218, %max3A_1233 : vector<16xf32>
        %max3A_1236 = arith.maximumf %max3A_1218, %max3A_1233 : vector<16xf32>
        %max3A_1237 = arith.maximumf %max3A_1220, %min3A_1234 : vector<16xf32>
        %max3A_1238 = arith.maximumf %min3A_1235, %max3A_1237 : vector<16xf32>
        %min3A_1239 = arith.minimumf %min3A_1235, %max3A_1237 : vector<16xf32>
        %max3A_1240 = arith.maximumf %max3A_1222, %min3A_1239 : vector<16xf32>
        %get3A_1241 = arith.constant 62 : i32
        %get3A_1242 = arith.index_cast %get3A_1241 : i32 to index
        %get3A_1243 = arith.index_cast %mul3A_670 : i32 to index
        %get3A_1244 = tpu.vector_load %arg5[%get3A_1242, %get3A_1243] {strides = array<i32>} : memref<64x512xf32, #tpu.memory_space<vmem>>, vector<1x16xf32>,
        %get3A_1245 = vector.shape_cast %get3A_1244 : vector<1x16xf32> to vector<16xf32>
        %get3A_1246 = arith.constant 63 : i32
        %get3A_1247 = arith.index_cast %get3A_1246 : i32 to index
        %get3A_1248 = arith.index_cast %mul3A_670 : i32 to index
        %get3A_1249 = tpu.vector_load %arg5[%get3A_1247, %get3A_1248] {strides = array<i32>} : memref<64x512xf32, #tpu.memory_space<vmem>>, vector<1x16xf32>,
        %get3A_1250 = vector.shape_cast %get3A_1249 : vector<1x16xf32> to vector<16xf32>
        %max3A_1251 = arith.maximumf %get3A_1245, %get3A_1250 : vector<16xf32>
        %min3A_1252 = arith.minimumf %get3A_1245, %get3A_1250 : vector<16xf32>
        %min3A_1253 = arith.minimumf %max3A_1236, %max3A_1251 : vector<16xf32>
        %max3A_1254 = arith.maximumf %max3A_1236, %max3A_1251 : vector<16xf32>
        %max3A_1255 = arith.maximumf %max3A_1238, %min3A_1252 : vector<16xf32>
        %max3A_1256 = arith.maximumf %min3A_1253, %max3A_1255 : vector<16xf32>
        %min3A_1257 = arith.minimumf %min3A_1253, %max3A_1255 : vector<16xf32>
        %max3A_1258 = arith.maximumf %max3A_1240, %min3A_1257 : vector<16xf32>
        %swap3A_1259 = arith.constant 0 : i32
        %swap3A_1260 = arith.index_cast %swap3A_1259 : i32 to index
        %swap3A_1261 = arith.index_cast %mul3A_670 : i32 to index
        %swap3A_1262 = tpu.vector_load %arg6[%swap3A_1260, %swap3A_1261] {strides = array<i32>} : memref<3x512xf32, #tpu.memory_space<vmem>>, vector<1x16xf32>,
        %swap3A_1263 = vector.shape_cast %swap3A_1262 : vector<1x16xf32> to vector<16xf32>
        %swap3A_1264 = vector.shape_cast %max3A_1254 : vector<16xf32> to vector<1x16xf32>
        tpu.vector_store %arg6[%swap3A_1260, %swap3A_1261], %swap3A_1264 {strides = array<i32>} : memref<3x512xf32, #tpu.memory_space<vmem>>, vector<1x16xf32>,
        %swap3A_1265 = arith.constant 1 : i32
        %swap3A_1266 = arith.index_cast %swap3A_1265 : i32 to index
        %swap3A_1267 = arith.index_cast %mul3A_670 : i32 to index
        %swap3A_1268 = tpu.vector_load %arg6[%swap3A_1266, %swap3A_1267] {strides = array<i32>} : memref<3x512xf32, #tpu.memory_space<vmem>>, vector<1x16xf32>,
        %swap3A_1269 = vector.shape_cast %swap3A_1268 : vector<1x16xf32> to vector<16xf32>
        %swap3A_1270 = vector.shape_cast %max3A_1256 : vector<16xf32> to vector<1x16xf32>
        tpu.vector_store %arg6[%swap3A_1266, %swap3A_1267], %swap3A_1270 {strides = array<i32>} : memref<3x512xf32, #tpu.memory_space<vmem>>, vector<1x16xf32>,
        %swap3A_1271 = arith.constant 2 : i32
        %swap3A_1272 = arith.index_cast %swap3A_1271 : i32 to index
        %swap3A_1273 = arith.index_cast %mul3A_670 : i32 to index
        %swap3A_1274 = tpu.vector_load %arg6[%swap3A_1272, %swap3A_1273] {strides = array<i32>} : memref<3x512xf32, #tpu.memory_space<vmem>>, vector<1x16xf32>,
        %swap3A_1275 = vector.shape_cast %swap3A_1274 : vector<1x16xf32> to vector<16xf32>
        %swap3A_1276 = vector.shape_cast %max3A_1258 : vector<16xf32> to vector<1x16xf32>
        tpu.vector_store %arg6[%swap3A_1272, %swap3A_1273], %swap3A_1276 {strides = array<i32>} : memref<3x512xf32, #tpu.memory_space<vmem>>, vector<1x16xf32>,
      }
      %scan3A_656 = arith.constant 32 : i32
      %add3A_657 = arith.constant 3 : i32
      %add3A_658 = arith.addi %mul3A_630, %add3A_657 : i32
      %lt3A_659 = arith.constant 32 : i32
      %lt3A_660 = arith.cmpi slt, %add3A_658, %lt3A_659 : i32
      %convert_element_type3A_661 = arith.extui %lt3A_660 : i1 to i32
      %cond3A_662 = arith.constant 0 : i32
      %cond3A_663 = arith.cmpi ne, %convert_element_type3A_661, %cond3A_662 : i32
      scf.if %cond3A_663 {
        %add3A_664 = arith.constant 3 : i32
        %add3A_665 = arith.addi %mul3A_630, %add3A_664 : i32
        %mul3A_666 = arith.constant 64 : i32
        %mul3A_667 = arith.muli %add3A_665, %mul3A_666 : i32
        %dma_start3A_668 = tpu.memref_slice %arg2[%select_n3A, %mul3A_667, %mul3A_32] : memref<4x2048x4096xf32, #tpu.memory_space<hbm>> -> memref<1x64x512xf32, #tpu.memory_space<hbm>>
        %dma_start3A_669 = tpu.memref_squeeze %dma_start3A_668 : memref<1x64x512xf32, #tpu.memory_space<hbm>> -> memref<64x512xf32, #tpu.memory_space<hbm>>
        %dma_start3A_670 = tpu.memref_slice %arg2[%select_n3A, %mul3A_667, %mul3A_32] : memref<4x2048x4096xf32, #tpu.memory_space<hbm>> -> memref<1x64x512xf32, #tpu.memory_space<hbm>>
        %dma_start3A_671 = tpu.memref_squeeze %dma_start3A_670 : memref<1x64x512xf32, #tpu.memory_space<hbm>> -> memref<64x512xf32, #tpu.memory_space<hbm>>
        tpu.enqueue_dma source(%dma_start3A_671 : memref<64x512xf32, #tpu.memory_space<hbm>>) target(%arg5 : memref<64x512xf32, #tpu.memory_space<vmem>>) target_semaphore(%arg8 : memref<!tpu.dma_semaphore, #tpu.memory_space<semaphore_mem>>)
      } else {
      }
    }
    %scan3A_623 = arith.constant 16 : i32
    "tpu.region"() ({
      %run_scoped3A = tpu.sem_alloc : memref<!tpu.dma_semaphore, #tpu.memory_space<semaphore_mem>>
      %dma_start3A_624 = arith.constant 0 : i32
      %dma_start3A_625 = tpu.memref_slice %arg3[%select_n3A, %dma_start3A_624, %mul3A_32] : memref<4x3x4096xf32, #tpu.memory_space<hbm>> -> memref<1x3x512xf32, #tpu.memory_space<hbm>>
      %dma_start3A_626 = tpu.memref_squeeze %dma_start3A_625 : memref<1x3x512xf32, #tpu.memory_space<hbm>> -> memref<3x512xf32, #tpu.memory_space<hbm>>
      %dma_start3A_627 = arith.constant 0 : i32
      %dma_start3A_628 = tpu.memref_slice %arg3[%select_n3A, %dma_start3A_627, %mul3A_32] : memref<4x3x4096xf32, #tpu.memory_space<hbm>> -> memref<1x3x512xf32, #tpu.memory_space<hbm>>
      %dma_start3A_629 = tpu.memref_squeeze %dma_start3A_628 : memref<1x3x512xf32, #tpu.memory_space<hbm>> -> memref<3x512xf32, #tpu.memory_space<hbm>>
      tpu.enqueue_dma source(%arg6 : memref<3x512xf32, #tpu.memory_space<vmem>>) target(%dma_start3A_629 : memref<3x512xf32, #tpu.memory_space<hbm>>) target_semaphore(%run_scoped3A : memref<!tpu.dma_semaphore, #tpu.memory_space<semaphore_mem>>)
      %dma_wait3A = arith.constant 0 : i32
      %dma_wait3A_630 = tpu.memref_slice %arg3[%select_n3A, %dma_wait3A, %mul3A_32] : memref<4x3x4096xf32, #tpu.memory_space<hbm>> -> memref<1x3x512xf32, #tpu.memory_space<hbm>>
      %dma_wait3A_631 = tpu.memref_squeeze %dma_wait3A_630 : memref<1x3x512xf32, #tpu.memory_space<hbm>> -> memref<3x512xf32, #tpu.memory_space<hbm>>
      %dma_wait3A_632 = arith.constant 0 : i32
      %dma_wait3A_633 = tpu.memref_slice %arg3[%select_n3A, %dma_wait3A_632, %mul3A_32] : memref<4x3x4096xf32, #tpu.memory_space<hbm>> -> memref<1x3x512xf32, #tpu.memory_space<hbm>>
      %dma_wait3A_634 = tpu.memref_squeeze %dma_wait3A_633 : memref<1x3x512xf32, #tpu.memory_space<hbm>> -> memref<3x512xf32, #tpu.memory_space<hbm>>
      tpu.wait_dma2 semaphore(%run_scoped3A : memref<!tpu.dma_semaphore, #tpu.memory_space<semaphore_mem>>) src(%arg6 : memref<3x512xf32, #tpu.memory_space<vmem>>) dst(%dma_wait3A_634 : memref<3x512xf32, #tpu.memory_space<hbm>>)
      tpu.yield
    }) : () -> ()
    return
  }
}

module attributes {stable_mosaic.version = 14 : i64} {
  func.func @_linear_body(%arg0: i32, %arg1: memref<16x4096xf32, #tpu.memory_space<vmem>>, %arg2: memref<512x4096xf32, #tpu.memory_space<vmem>>, %arg3: memref<1x512xf32, #tpu.memory_space<vmem>>, %arg4: memref<16x512xf32, #tpu.memory_space<vmem>>) attributes {dimension_semantics = [#tpu.dimension_semantics<arbitrary>], iteration_bounds = array<i64: 8>, scalar_prefetch = 0 : i64, scratch_operands = 0 : i64, tpu.core_type = #tpu.core_type<tc>, window_params = [{pipeline_mode = #tpu.pipeline_mode<synchronous>, transform_indices = @transform_0, window_bounds = array<i64: 16, 4096>}, {transform_indices = @transform_1, window_bounds = array<i64: 512, 4096>}, {transform_indices = @transform_2, window_bounds = array<i64: 1, 512>}, {transform_indices = @transform_3, window_bounds = array<i64: 16, 512>}]} {
    %get3A = arith.constant 0 : index
    %get3A_0 = arith.constant 0 : index
    %get3A_1 = vector.load %arg1[%get3A, %get3A_0] : memref<16x4096xf32, #tpu.memory_space<vmem>>, vector<16x4096xf32>
    %convert_element_type3A = arith.truncf %get3A_1 : vector<16x4096xf32> to vector<16x4096xbf16>
    %get3A_2 = arith.constant 0 : index
    %get3A_3 = arith.constant 0 : index
    %get3A_4 = vector.load %arg2[%get3A_2, %get3A_3] : memref<512x4096xf32, #tpu.memory_space<vmem>>, vector<512x4096xf32>
    %convert_element_type3A_5 = arith.truncf %get3A_4 : vector<512x4096xf32> to vector<512x4096xbf16>
    %dot_general3A = arith.constant dense<0.000000e+00> : vector<16x512xf32>
    %dot_general3A_6 = tpu.matmul %convert_element_type3A, %convert_element_type3A_5, %dot_general3A {dimension_numbers = #tpu.dot_dimension_numbers<[1], [1], [0], [0], [0, 0, 1, 0], [], []>, transpose_lhs_hint = false} : vector<16x4096xbf16>, vector<512x4096xbf16>, vector<16x512xf32> -> vector<16x512xf32>
    %get3A_7 = arith.constant 0 : index
    %get3A_8 = arith.constant 0 : index
    %get3A_9 = vector.load %arg3[%get3A_7, %get3A_8] : memref<1x512xf32, #tpu.memory_space<vmem>>, vector<1x512xf32>
    %add3A = vector.broadcast %get3A_9 : vector<1x512xf32> to vector<16x512xf32>
    %add3A_10 = arith.addf %dot_general3A_6, %add3A : vector<16x512xf32>
    %tanh3A = math.tanh %add3A_10 : vector<16x512xf32>
    %swap3A = arith.constant 0 : index
    %swap3A_11 = arith.constant 0 : index
    %swap3A_12 = vector.load %arg4[%swap3A, %swap3A_11] : memref<16x512xf32, #tpu.memory_space<vmem>>, vector<16x512xf32>
    tpu.vector_store %arg4[%swap3A, %swap3A_11], %tanh3A {strides = array<i32>} : memref<16x512xf32, #tpu.memory_space<vmem>>, vector<16x512xf32>,
    return
  }
  func.func @transform_0(%arg0: i32) -> (i32, i32) {
    %c0_i32 = arith.constant 0 : i32
    %c0_i32_0 = arith.constant 0 : i32
    %c0_i32_1 = arith.constant 0 : i32
    return %c0_i32, %c0_i32_0 : i32, i32
  }
  func.func @transform_1(%arg0: i32) -> (i32, i32) {
    %c0_i32 = arith.constant 0 : i32
    %c0_i32_0 = arith.constant 0 : i32
    return %arg0, %c0_i32 : i32, i32
  }
  func.func @transform_2(%arg0: i32) -> (i32, i32) {
    %c0_i32 = arith.constant 0 : i32
    %c0_i32_0 = arith.constant 0 : i32
    return %c0_i32, %arg0 : i32, i32
  }
  func.func @transform_3(%arg0: i32) -> (i32, i32) {
    %c0_i32 = arith.constant 0 : i32
    %c0_i32_0 = arith.constant 0 : i32
    return %c0_i32, %arg0 : i32, i32
  }
}

</mosaic_0001>

<sc_bundles>
// kernel: kernel.4.cloned.1.call-start
scs
__scs_entry_jumppad:
0x0: {  	(pc) =	sbr.rel $0x88, $3  }
0x1: {  	(tag) =	ssettag $0x0;
	lr =	simm.s32 $0x1  }
0x2: {  	[smem:$0x3F9E] =	sst lr;
	_ =	strace $0xD0000000  }
0x3: {  	_ = 	snop  }
0x4: {  	_ = 	snop  }
0x5: {  	_ = 	snop  }
0x6: {  	_ = 	snop  }
0x7: {  	_ = 	snop  }
__scs_overlays_trampoline_lowered:
0x8: {  	[smem:$0x3FAD] =	sst s0  }
0x9: {  	[smem:$0x3FAE] =	sst s1  }
0xa: {  	[smem:$0x3FAF] =	sst s2  }
0xb: {  	[smem:$0x3FB0] =	sst s3  }
0xc: {  	[smem:$0x3FB1] =	sst s4  }
0xd: {  	[smem:$0x3FB2] =	sst s5  }
0xe: {  	[smem:$0x3FB3] =	sst s6  }
0xf: {  	[smem:$0x3FB4] =	sst s7  }
0x10: {  	[smem:$0x3FB5] =	sst s8  }
0x11: {  	[smem:$0x3FB6] =	sst s9;
	s0 =	simm.s32 @!p0 $0x0  }
0x12: {  	s1 =	sld [smem:$0x3F9C];
	s0 =	simm.s32 @p0 $0x1  }
0x13: {  	[smem:$0x3FB7] =	sst s0;
	s0 =	simm.s32 @!p1 $0x0  }
0x14: {  	s2 =	sld [smem:$0x3F9B];
	s0 =	simm.s32 @p1 $0x1  }
0x15: {  	[smem:$0x3FB8] =	sst s0;
	s0 =	simm.s32 @!p2 $0x0  }
0x16: {  	s3 =	sld [smem:$0x3FDB];
	s0 =	simm.s32 @p2 $0x1  }
0x17: {  	s4 =	simm.s32 $0x1BF5;
	[smem:$0x3FBA] =	sst s0  }
0x18: {  	s0 =	sld [smem:$0x3F9D];
	_ =	swait.ge [sflag:s4], $0x0  }
0x19: {  	s7 =	sld [smem:$0x3F9E]  }
0x1a: {  	s8 =	sadd.s32 $0xFFFFE003, lr  }
0x1b: {  	s9 =	sadd.s32 $0xFFFFFEF7, lr;
	s5 =	simm.s32 $0xFFFFFFFF;
	p2 =	slt.u32 s8, $0xFFFFF086  }
0x1c: {  	p1 =	slt.u32 s9, $0xF7A;
	s5 =	simm.s32 @!p2 $0x0  }
0x1d: {  	s5 =	simm.s32 @p1 $0x1;
	p0 =	seq.s32 s7, s2  }
0x1e: {  	s7 =	smul.u32 @!p0 $0xF7A, s2;
	p2 =	seq.s32 @!p0 s5, $0x0  }
0x1f: {  	s9 =	smul.u32 $0xF7A, s1;
	s8 =	simm.s32 @!p0 $0x1BF5;
	p2 =	por !p2, p0  }
0x20: {  	[sflag:s8] =	ssyncset.s32 @!p0 $0xFFFFF086;
	s6 =	sadd.s32 @!p0 s3, s7;
	s7 =	simm.s32 @!p0 $0x108  }
0x21: {  	s3 =	sadd.s32 s3, s9;
	s6 =	sadd.s32 @!p0 $0x88, s6;
	s7 =	simm.s32 @p2 $0x1082  }
0x22: {  	[simem:s7], [sflag:s8] =	dma.local @!p0 [hbm:s6], $0xF7A  }
0x23: {  	s9 =	sor.u32 $0xD0000000, s2;
	s6 =	simm.s32 $0x108;
	_ =	swait.ge @!p0 [sflag:s8], $0x0  }
0x24: {  	s3 =	sadd.s32 $0x88, s3;
	s6 =	simm.s32 @!p1 $0x1082;
	[sflag:s4] =	ssyncset.s32 $0xFFFFF086  }
0x25: {  	[simem:s6], [sflag:s4] =	dma.local [hbm:s3], $0xF7A  }
0x26: {  	[smem:$0x3F9E] =	sst s1;
	(tag) =	ssettag s2;
	_ =	strace s9  }
0x27: {  	s1 =	sld [smem:$0x3FAE]  }
0x28: {  	s2 =	sld [smem:$0x3FAF]  }
0x29: {  	s4 =	sld [smem:$0x3FB1]  }
0x2a: {  	p0 =	seq.s32 s5, $0x0;
	s5 =	sld [smem:$0x3FB2]  }
0x2b: {  	s6 =	sld [smem:$0x3FB3]  }
0x2c: {  	s7 =	sld [smem:$0x3FB4]  }
0x2d: {  	s3 =	simm.s32 $0x108;
	s8 =	sld [smem:$0x3FB5]  }
0x2e: {  	s3 =	simm.s32 @!p0 $0x1082;
	s9 =	sld [smem:$0x3FB6]  }
0x2f: {  	lr =	sadd.s32 s0, s3;
	s0 =	sld [smem:$0x3FAD]  }
0x30: {  	s3 =	sld [smem:$0x3FB0]  }
0x31: {  	[smem:$0x3FB9] =	sst s10  }
0x32: {  	s10 =	sld [smem:$0x3FB7];
	_ =	sdelay $0x3  }
0x33: {  	p0 =	seq.s32 s10, $0x1;
	s10 =	sld [smem:$0x3FB9];
	_ =	sdelay $0x3  }
0x34: {  	[smem:$0x3FB9] =	sst s10  }
0x35: {  	s10 =	sld [smem:$0x3FB8];
	_ =	sdelay $0x3  }
0x36: {  	p1 =	seq.s32 s10, $0x1;
	s10 =	sld [smem:$0x3FB9];
	_ =	sdelay $0x3  }
0x37: {  	[smem:$0x3FB9] =	sst s10  }
0x38: {  	s10 =	sld [smem:$0x3FBA]  }
0x39: {  	_ = 	snop;
	(pc) =	sbr.ind lr, $3  }
0x3a: {  	_ = 	snop  }
0x3b: {  	_ = 	snop  }
0x3c: {  	p2 =	seq.s32 s10, $0x1;
	s10 =	sld [smem:$0x3FB9]  }
0x3d: {  	_ =	shalt  }
0x3e: {  	_ =	shalt  }
0x3f: {  	_ =	shalt  }
0x40: {  	_ =	shalt  }
0x41: {  	_ =	shalt  }
0x42: {  	_ =	shalt  }
0x43: {  	_ =	shalt  }
0x44: {  	_ =	shalt  }
0x45: {  	_ =	shalt  }
0x46: {  	_ =	shalt  }
0x47: {  	_ =	shalt  }
0x48: {  	_ =	shalt  }
0x49: {  	_ =	shalt  }
0x4a: {  	_ =	shalt  }
0x4b: {  	_ =	shalt  }
0x4c: {  	_ =	shalt  }
0x4d: {  	_ =	shalt  }
0x4e: {  	_ =	shalt  }
0x4f: {  	_ =	shalt  }
0x50: {  	_ =	shalt  }
0x51: {  	_ =	shalt  }
0x52: {  	_ =	shalt  }
0x53: {  	_ =	shalt  }
0x54: {  	_ =	shalt  }
0x55: {  	_ =	shalt  }
0x56: {  	_ =	shalt  }
0x57: {  	_ =	shalt  }
0x58: {  	_ =	shalt  }
0x59: {  	_ =	shalt  }
0x5a: {  	_ =	shalt  }
0x5b: {  	_ =	shalt  }
0x5c: {  	_ =	shalt  }
0x5d: {  	_ =	shalt  }
0x5e: {  	_ =	shalt  }
0x5f: {  	_ =	shalt  }
0x60: {  	_ =	shalt  }
0x61: {  	_ =	shalt  }
0x62: {  	_ =	shalt  }
0x63: {  	_ =	shalt  }
0x64: {  	_ =	shalt  }
0x65: {  	_ =	shalt  }
0x66: {  	_ =	shalt  }
0x67: {  	_ =	shalt  }
0x68: {  	_ =	shalt  }
0x69: {  	_ =	shalt  }
0x6a: {  	_ =	shalt  }
0x6b: {  	_ =	shalt  }
0x6c: {  	_ =	shalt  }
0x6d: {  	_ =	shalt  }
0x6e: {  	_ =	shalt  }
0x6f: {  	_ =	shalt  }
0x70: {  	_ =	shalt  }
0x71: {  	_ =	shalt  }
0x72: {  	_ =	shalt  }
0x73: {  	_ =	shalt  }
0x74: {  	_ =	shalt  }
0x75: {  	_ =	shalt  }
0x76: {  	_ =	shalt  }
0x77: {  	_ =	shalt  }
0x78: {  	_ =	shalt  }
0x79: {  	_ =	shalt  }
0x7a: {  	_ =	shalt  }
0x7b: {  	_ =	shalt  }
0x7c: {  	_ =	shalt  }
0x7d: {  	_ =	shalt  }
0x7e: {  	_ =	shalt  }
0x7f: {  	_ =	shalt  }
0x80: {  	_ =	shalt  }
0x81: {  	_ =	shalt  }
0x82: {  	_ =	shalt  }
0x83: {  	_ =	shalt  }
0x84: {  	_ =	shalt  }
0x85: {  	_ =	shalt  }
0x86: {  	_ =	shalt  }
0x87: {  	_ =	shalt  }
.Lfunc_end0:
.L_simem_size_0:
called_computation_lowered:
.L_overlay_start_0:
0x88: {  	s2 =	sld [smem:$0x3FD9]  }
0x89: {  	s3 =	sld [smem:$0x3FFE];
	_ =	sdelay $0x1  }
0x8a: {  	s1 =	srdreg.scid  }
0x8b: {  	s0 =	sand.u32 $0x1, s1  }
0x8c: {  	s17 =	sshll.u32 s0, $0xA;
	s2 =	sadd.s32 s3, s2  }
0x8d: {  	s2 =	sadd.s32 s2, s17  }
0x8e: {  	[smem:$0x3FC5] =	sst s2  }
0x8f: {  	_ = 	snop  }
0x90: {  	s2 =	sld [smem:$0x3FC9];
	(tm) =	ssettm $0x1  }
0x91: {  	s18 =	sld [smem:$0x3FFB];
	_ =	sdelay $0x3  }
0x92: {  	_ =	strace s18  }
0x93: {  	s3 =	sld [smem:$0x3FFC];
	_ =	sdelay $0x3  }
0x94: {  	_ =	strace s3  }
0x95: {  	s3 =	sld [smem:$0x3FFD];
	_ =	sdelay $0x3  }
0x96: {  	_ =	strace s3  }
0x97: {  	_ =	strace $0x8FFFFFFF  }
0x98: {  	s19 =	sld [smem:$0x3FDB];
	_ =	sdelay $0x1  }
0x99: {  	s4 =	simm.s32 $_scs_section_size  }
0x9a: {  	s5 =	simm.s32 $_size__tile_overlayer_lowered;
	s6 =	simm.s32 $_tile_overlayer_lowered  }
0x9b: {  	s22 =	simm.s32 $0x1BFF;
	s21 =	sshll.u32 s6, $0x1;
	s3 =	sadd.s32 s4, s19  }
0x9c: {  	s7 =	simm.s32 $0x0;
	s20 =	sshll.u32 s5, $0x1;
	s5 =	sadd.s32 s21, s3  }
0x9d: {  	[timem:s7], [sflag:s22] =	dma.local [hbm:s5], s20  }
0x9e: {  	_ =	swait.ge [sflag:s22], s20  }
0x9f: {  	s4 =	ssub.s32 $0x0, s20;
	[sflag:s22] =	ssyncset.done $0x0  }
0xa0: {  	[sflag:s22] =	ssyncadd.s32 s4;
	_ =	sdelay $0x1  }
0xa1: {  	s23 =	simm.s32 $0x1B8B  }
0xa2: {  	_ =	swait.ge [sflag:s23], $0x1  }
0xa3: {  	[sflag:s23] =	ssyncset.done $0x0  }
0xa4: {  	s25 =	simm.s32 $0x1B8E;
	s24 =	sld [smem:$0x3FFE];
	[sflag:s23] =	ssyncadd.s32 $0xFFFFFFFF  }
0xa5: {  	s26 =	simm.s32 $execute0_lowered;
	[smem:$0x3FD2] =	sst s25  }
0xa6: {  	s5 =	sshll.u32 s26, $0x1;
	_ =	strace $0x80000046;
	[dreg:$0x1] =	wrdreg $0xFFFFFFFF  }
0xa7: {  	s28 =	simm.s32 $_size_execute0_lowered;
	s3 =	sadd.s32 s3, s5;
	[dreg:$0x0] =	wrdreg $0x0  }
0xa8: {  	s5 =	sshll.u32 s28, $0x1;
	[dreg:$0x2] =	wrdreg s3  }
0xa9: {  	[dreg:$0x3] =	wrdreg s5  }
0xaa: {  	[dreg:$0x4] =	wrdreg $0xC0  }
0xab: {  	_ =	task [dreg:s7], $0x5FFFF  }
0xac: {  	[dreg:$0x1] =	wrdreg $0xFFFFFFFF  }
0xad: {  	[dreg:$0x0] =	wrdreg $0x60  }
0xae: {  	[dreg:$0x2] =	wrdreg s2  }
0xaf: {  	[dreg:$0x3] =	wrdreg s24  }
0xb0: {  	[dreg:$0x4] =	wrdreg $0x9  }
0xb1: {  	_ =	task.clear_ibuf [dreg:s7], $0x5FFFF;
	_ =	strace $0x90000046  }
0xb2: {  	s29 =	simm.s32 $0x9;
	_ =	strace $0x80000048  }
0xb3: {  	_ =	swait.ge [sflag:s29], $0x1  }
0xb4: {  	[sflag:s29] =	ssyncadd.s32 $0xFFFFFFFF  }
0xb5: {  	_ =	strace $0x90000048  }
0xb6: {  	_ =	sfence  }
0xb7: {  	s30 =	sld [smem:$0x0];
	_ =	sdelay $0x2  }
0xb8: {  	s31 =	sshll.u32 s1, $0xD;
	s1 =	sshrl.u32 s1, $0x2  }
0xb9: {  	s3 =	sand.u32 $0x4000, s31;
	s1 =	sadd.s32 s1, s30  }
0xba: {  	s0 =	sor.u32 s3, s0;
	s1 =	sshll.u32 s1, $0x11  }
0xbb: {  	s0 =	sor.u32 s1, s0  }
0xbc: {  	s0 =	sadd.s32 $0x8F2B, s0  }
0xbd: {  	[sflag:s0] =	ssyncadd.remote.s32 $0x1  }
0xbe: {  	_ =	sfence.sel $0xFFFF  }
0xbf: {  	[dreg:$0x0] =	wrdreg $0xFFFFFFFF;
	(pc) =	sbr.abs _section_cstart, $3  }
0xc0: {  	[dreg:$0x1] =	wrdreg $0xFFFFFFFF  }
0xc1: {  	_ =	task.clear_ibuf [dreg:s7], $0x2FFFF;
	_ =	strace $0x9FFFFFFF  }
0xc2: {  	(tm) =	ssettm $0x7FFFFFFF  }
0xc3: {  	_ =	shalt  }
tec
execute0_lowered:
.L_overlay_start_1:
0x0: {  	(tag) =	ssettag $0x1  }
0x1: {  	s2 =	rddreg [dreg:$0x0]  }
0x2: {  	s0 =	stileid.u32;
	s4 =	rddreg [dreg:$0x1]  }
0x3: {  	s3 =	srdreg.scid;
	s1 =	rddreg [dreg:$0x2]  }
0x4: {  	s12 =	simm.s32 $0x1;
	s13 =	simm.s32 $0x2;
	s14 =	simm.s32 $0x10000  }
0x5: {  	s15 =	simm.s32 $0x3;
	s16 =	simm.s32 $0x0;
	s5 =	sshll.u32 s0, $0x1  }
0x6: {  	s6 =	sand.u32 $0x1, s3;
	s3 =	simm.s32 $0x0;
	s7 =	sshrl.u32 s0, $0x2  }
0x7: {  	s5 =	sand.u32 $0x6, s5;
	[smem:$0x7FF] =	sst s3;
	s8 =	sshll.u32 s7, $0x17  }
0x8: {  	s7 =	sshll.u32 s7, $0xB;
	s5 =	sor.u32 s6, s5;
	_ =	strace $0x80000047  }
0x9: {  	s6 =	ssub.s32 $0x2, s6;
	s10 =	sadd.s32 s7, s4;
	s9 =	sshll.u32 s5, $0xC  }
.Ltmp0:
0xa: {  	s29 =	sshrl.u32 s6, $0x1;
	s11 =	sshll.u32 s5, $0x8;
	(pc) =	sbr.rel .LBB2_1-.Ltmp0, $4  }
0xb: {  	s8 =	sor.u32 s8, s9;
	s30 =	ssub.s32 s6, s29;
	s31 =	sadd.s32 s11, s10  }
0xc: {  	s10 =	simm.s32 $0x1000;
	s11 =	simm.s32 $0x8000;
	s9 =	sshrl.u32 s8, $0x3  }
0xd: {  	s6 =	sor.u32 $0x80000, s8;
	s7 =	sor.u32 $0xC0000, s8;
	s4 =	sadd.s32 s2, s9  }
0xe: {  	v0 =	vimm.f32 $-Inf;
	s8 =	sadd.s32 $0x600, s31;
	s9 =	smax.u32 s30, $0x1;
	s5 =	sadd.s32 $0x8000, s4  }
.LBB2_8:
0xf: {  	s16 =	sadd.s32 $0x1, s16  }
0x10: {  	p0 =	sne.s32 s16, s9  }
.Ltmp1:
0x11: {  	_ = 	snop;
	(pc) =	sbr.rel @!p0 .LBB2_9-.Ltmp1, $4  }
0x12: {  	[hbm4b:s8+s3] =	stream.linear.scatter [tilespmem:s14], [sflag:$0x3], $0x800, $0x38;
	[tilespmem:$0x10800] =	vst v63  }
0x13: {  	_ =	swait.ge [sflag:s15], $0x800  }
0x14: {  	[sflag:s15] =	ssyncset.done $0x0  }
0x15: {  	[sflag:s15] =	ssyncadd.s32 $0xFFFFF800  }
.LBB2_1:
0x16: {  	[tilespmem:$0x10000] =	vst v0  }
0x17: {  	[tilespmem:$0x10080] =	vst v0  }
0x18: {  	[tilespmem:$0x10100] =	vst v0  }
0x19: {  	[tilespmem:$0x10010] =	vst v0  }
0x1a: {  	[tilespmem:$0x10090] =	vst v0  }
0x1b: {  	[tilespmem:$0x10110] =	vst v0  }
0x1c: {  	[tilespmem:$0x10020] =	vst v0  }
0x1d: {  	[tilespmem:$0x100A0] =	vst v0  }
0x1e: {  	[tilespmem:$0x10120] =	vst v0  }
0x1f: {  	[tilespmem:$0x10030] =	vst v0  }
0x20: {  	[tilespmem:$0x100B0] =	vst v0  }
0x21: {  	[tilespmem:$0x10130] =	vst v0  }
0x22: {  	[tilespmem:$0x10040] =	vst v0  }
0x23: {  	[tilespmem:$0x100C0] =	vst v0  }
0x24: {  	[tilespmem:$0x10140] =	vst v0  }
0x25: {  	[tilespmem:$0x10050] =	vst v0  }
0x26: {  	[tilespmem:$0x100D0] =	vst v0  }
0x27: {  	[tilespmem:$0x10150] =	vst v0  }
0x28: {  	[tilespmem:$0x10060] =	vst v0  }
0x29: {  	[tilespmem:$0x100E0] =	vst v0  }
0x2a: {  	[tilespmem:$0x10160] =	vst v0  }
0x2b: {  	[tilespmem:$0x10070] =	vst v0  }
0x2c: {  	[tilespmem:$0x100F0] =	vst v0  }
0x2d: {  	[tilespmem:$0x10170] =	vst v0  }
0x2e: {  	[tilespmem:$0x10200] =	vst v0  }
0x2f: {  	[tilespmem:$0x10280] =	vst v0  }
0x30: {  	[tilespmem:$0x10300] =	vst v0  }
0x31: {  	[tilespmem:$0x10210] =	vst v0  }
0x32: {  	[tilespmem:$0x10290] =	vst v0  }
0x33: {  	[tilespmem:$0x10310] =	vst v0  }
0x34: {  	[tilespmem:$0x10220] =	vst v0  }
0x35: {  	[tilespmem:$0x102A0] =	vst v0  }
0x36: {  	[tilespmem:$0x10320] =	vst v0  }
0x37: {  	[tilespmem:$0x10230] =	vst v0  }
0x38: {  	[tilespmem:$0x102B0] =	vst v0  }
0x39: {  	[tilespmem:$0x10330] =	vst v0  }
0x3a: {  	[tilespmem:$0x10240] =	vst v0  }
0x3b: {  	[tilespmem:$0x102C0] =	vst v0  }
0x3c: {  	[tilespmem:$0x10340] =	vst v0  }
0x3d: {  	[tilespmem:$0x10250] =	vst v0  }
0x3e: {  	[tilespmem:$0x102D0] =	vst v0  }
0x3f: {  	[tilespmem:$0x10350] =	vst v0  }
0x40: {  	[tilespmem:$0x10260] =	vst v0  }
0x41: {  	[tilespmem:$0x102E0] =	vst v0  }
0x42: {  	[tilespmem:$0x10360] =	vst v0  }
0x43: {  	[tilespmem:$0x10270] =	vst v0  }
0x44: {  	[tilespmem:$0x102F0] =	vst v0  }
0x45: {  	[tilespmem:$0x10370] =	vst v0  }
0x46: {  	[tilespmem:$0x10400] =	vst v0  }
0x47: {  	[tilespmem:$0x10480] =	vst v0  }
0x48: {  	[tilespmem:$0x10500] =	vst v0  }
0x49: {  	[tilespmem:$0x10410] =	vst v0  }
0x4a: {  	[tilespmem:$0x10490] =	vst v0  }
0x4b: {  	[tilespmem:$0x10510] =	vst v0  }
0x4c: {  	[tilespmem:$0x10420] =	vst v0  }
0x4d: {  	[tilespmem:$0x104A0] =	vst v0  }
0x4e: {  	[tilespmem:$0x10520] =	vst v0  }
0x4f: {  	[tilespmem:$0x10430] =	vst v0  }
0x50: {  	[tilespmem:$0x104B0] =	vst v0  }
0x51: {  	[tilespmem:$0x10530] =	vst v0  }
0x52: {  	[tilespmem:$0x10440] =	vst v0  }
0x53: {  	[tilespmem:$0x104C0] =	vst v0  }
0x54: {  	[tilespmem:$0x10540] =	vst v0  }
0x55: {  	[tilespmem:$0x10450] =	vst v0  }
0x56: {  	[tilespmem:$0x104D0] =	vst v0  }
0x57: {  	[tilespmem:$0x10550] =	vst v0  }
0x58: {  	[tilespmem:$0x10460] =	vst v0  }
0x59: {  	[tilespmem:$0x104E0] =	vst v0  }
0x5a: {  	[tilespmem:$0x10560] =	vst v0  }
0x5b: {  	[tilespmem:$0x10470] =	vst v0  }
0x5c: {  	[tilespmem:$0x104F0] =	vst v0  }
0x5d: {  	[tilespmem:$0x10570] =	vst v0  }
0x5e: {  	[tilespmem:$0x10600] =	vst v0  }
0x5f: {  	[tilespmem:$0x10680] =	vst v0  }
0x60: {  	[tilespmem:$0x10700] =	vst v0  }
0x61: {  	[tilespmem:$0x10610] =	vst v0  }
0x62: {  	[tilespmem:$0x10690] =	vst v0  }
0x63: {  	[tilespmem:$0x10710] =	vst v0  }
0x64: {  	[tilespmem:$0x10620] =	vst v0  }
0x65: {  	[tilespmem:$0x106A0] =	vst v0  }
0x66: {  	[tilespmem:$0x10720] =	vst v0  }
0x67: {  	[tilespmem:$0x10630] =	vst v0  }
0x68: {  	[tilespmem:$0x106B0] =	vst v0  }
0x69: {  	[tilespmem:$0x10730] =	vst v0  }
0x6a: {  	[tilespmem:$0x10640] =	vst v0  }
0x6b: {  	[tilespmem:$0x106C0] =	vst v0  }
0x6c: {  	[tilespmem:$0x10740] =	vst v0  }
0x6d: {  	[tilespmem:$0x10650] =	vst v0  }
0x6e: {  	[tilespmem:$0x106D0] =	vst v0  }
0x6f: {  	[tilespmem:$0x10750] =	vst v0  }
0x70: {  	[tilespmem:$0x10660] =	vst v0  }
0x71: {  	[tilespmem:$0x106E0] =	vst v0  }
0x72: {  	[tilespmem:$0x10760] =	vst v0  }
0x73: {  	[tilespmem:$0x10670] =	vst v0  }
0x74: {  	[tilespmem:$0x106F0] =	vst v0  }
0x75: {  	[tilespmem:$0x10770] =	vst v0  }
0x76: {  	[tilespmem:s3], [sflag:$0x1] =	stream.strided.gather [hbm4b:s4+s10], $0x8000, s11, s10, $0x38;
	[tilespmem:$0x10800] =	vst v63  }
0x77: {  	s17 =	simm.s32 $0x0  }
0x78: {  	[tilespmem:s11], [sflag:$0x2] =	stream.strided.gather [hbm4b:s5+s10], $0x8000, s11, s10, $0x38;
	[tilespmem:$0x10800] =	vst v63  }
.LBB2_2:
0x79: {  	_ =	swait.ge [sflag:s12], $0x8000  }
0x7a: {  	[sflag:s12] =	ssyncset.done $0x0  }
0x7b: {  	s18 =	simm.s32 $0x0;
	s19 =	simm.s32 $0x0;
	[sflag:s12] =	ssyncadd.s32 $0xFFFF8000  }
.LBB2_3:
0x7c: {  	s20 =	sshll.u32 s19, $0x6  }
0x7d: {  	s21 =	sand.u32 $0x70, s18;
	s22 =	sshll.u32 s19, $0x7;
	s20 =	sand.u32 $0x3FFFFE00, s20  }
0x7e: {  	s22 =	sand.u32 $0x3FFFFC00, s22;
	s20 =	sor.u32 s21, s20  }
0x7f: {  	s22 =	sor.u32 s21, s22;
	v1 =	vld [tilespmem:s20+$0x10000]  }
0x80: {  	v2 =	vld [tilespmem:s22+$0x0]  }
0x81: {  	v3 =	vld [tilespmem:s22+$0x80]  }
0x82: {  	v5 =	vld [tilespmem:s22+$0x100]  }
0x83: {  	v6 =	vld [tilespmem:s22+$0x180]  }
0x84: {  	v10 =	vld [tilespmem:s22+$0x300]  }
0x85: {  	v63 =	vld [tilespmem:s22+$0x380]  }
0x86: {  	v13 =	vld [tilespmem:s22+$0x1000]  }
0x87: {  	v15 =	vld [tilespmem:s22+$0x1080]  }
0x88: {  	v21 =	vld [tilespmem:s22+$0x1200]  }
0x89: {  	v23 =	vld [tilespmem:s22+$0x1280]  }
0x8a: {  	v25 =	vld [tilespmem:s22+$0x1300]  }
0x8b: {  	v26 =	vld [tilespmem:s22+$0x1380]  }
0x8c: {  	v32 =	vld [tilespmem:s22+$0x2100]  }
0x8d: {  	v34 =	vld [tilespmem:s22+$0x2180]  }
0x8e: {  	v36 =	vld [tilespmem:s22+$0x2200]  }
0x8f: {  	v37 =	vld [tilespmem:s22+$0x2280]  }
0x90: {  	v42 =	vld [tilespmem:s22+$0x3000]  }
0x91: {  	v44 =	vld [tilespmem:s22+$0x3080]  }
0x92: {  	v46 =	vld [tilespmem:s22+$0x3100]  }
0x93: {  	v47 =	vld [tilespmem:s22+$0x3180]  }
0x94: {  	v52 =	vld [tilespmem:s22+$0x3300]  }
0x95: {  	v54 =	vld [tilespmem:s22+$0x3380]  }
0x96: {  	v56 =	vld [tilespmem:s22+$0x4000]  }
0x97: {  	s31 =	sadd.s32 $0x10000, s20;
	v57 =	vld [tilespmem:s22+$0x4080]  }
0x98: {  	v4 =	vld [tilespmem:s31+$0x80];
	v8 =	vmax.f32 v2, v3;
	v2 =	vmin.f32 v2, v3;
	v62 =	vmax.f32 v5, v6  }
0x99: {  	v5 =	vmin.f32 v5, v6;
	v17 =	vmax.f32 v10, v63;
	v6 =	vmin.f32 v10, v63  }
0x9a: {  	v60 =	vld [tilespmem:s22+$0x280];
	v22 =	vmax.f32 v13, v15;
	v28 =	vmax.f32 v21, v23;
	v33 =	vmax.f32 v25, v26  }
0x9b: {  	v7 =	vld [tilespmem:s31+$0x100];
	v38 =	vmax.f32 v32, v34;
	v43 =	vmax.f32 v36, v37;
	v48 =	vmax.f32 v42, v44  }
0x9c: {  	v3 =	vld [tilespmem:s22+$0x200];
	v53 =	vmax.f32 v46, v47;
	v58 =	vmax.f32 v52, v54;
	v63 =	vmax.f32 v56, v57  }
0x9d: {  	v9 =	vmin.f32 v1, v8;
	v2 =	vmax.f32 v4, v2;
	v1 =	vmax.f32 v1, v8  }
0x9e: {  	v4 =	vmin.f32 v13, v15;
	v61 =	vmax.f32 v9, v2;
	v2 =	vmin.f32 v9, v2  }
0x9f: {  	v18 =	vld [tilespmem:s22+$0x1100];
	v12 =	vmin.f32 v1, v62;
	v1 =	vmax.f32 v1, v62;
	v5 =	vmax.f32 v61, v5  }
0xa0: {  	v20 =	vld [tilespmem:s22+$0x1180];
	v2 =	vmax.f32 v7, v2;
	v7 =	vmin.f32 v21, v23;
	v8 =	vmax.f32 v12, v5  }
0xa1: {  	v62 =	vld [tilespmem:s22+$0x4200];
	v5 =	vmin.f32 v12, v5;
	v14 =	vmax.f32 v3, v60;
	v3 =	vmin.f32 v3, v60  }
0xa2: {  	v12 =	vld [tilespmem:s22+$0x4280];
	v2 =	vmax.f32 v2, v5;
	v9 =	vmin.f32 v1, v14;
	v3 =	vmax.f32 v8, v3  }
0xa3: {  	v15 =	vld [tilespmem:s22+$0x4380];
	v1 =	vmax.f32 v1, v14;
	v16 =	vmax.f32 v9, v3;
	v3 =	vmin.f32 v9, v3  }
0xa4: {  	v14 =	vld [tilespmem:s22+$0x4300];
	v19 =	vmin.f32 v1, v17;
	v1 =	vmax.f32 v1, v17;
	v5 =	vmax.f32 v16, v6  }
0xa5: {  	v2 =	vmax.f32 v2, v3;
	v24 =	vmin.f32 v1, v22;
	v1 =	vmax.f32 v1, v22  }
0xa6: {  	v6 =	vmin.f32 v18, v20;
	v3 =	vmax.f32 v19, v5;
	v5 =	vmin.f32 v19, v5  }
0xa7: {  	v29 =	vld [tilespmem:s22+$0x2000];
	v16 =	vmax.f32 v62, v12;
	v2 =	vmax.f32 v2, v5;
	v3 =	vmax.f32 v3, v4  }
0xa8: {  	v31 =	vld [tilespmem:s22+$0x2080];
	v5 =	vmin.f32 v25, v26;
	v4 =	vmax.f32 v24, v3;
	v3 =	vmin.f32 v24, v3  }
0xa9: {  	v22 =	vld [tilespmem:s22+$0x5180];
	v21 =	vmax.f32 v14, v15;
	v2 =	vmax.f32 v2, v3;
	v3 =	vmax.f32 v18, v20  }
0xaa: {  	v25 =	vld [tilespmem:s22+$0x5280];
	v27 =	vmin.f32 v1, v3;
	v1 =	vmax.f32 v1, v3;
	v3 =	vmax.f32 v4, v6  }
0xab: {  	v20 =	vld [tilespmem:s22+$0x5100];
	v6 =	vmin.f32 v32, v34;
	v4 =	vmax.f32 v27, v3;
	v3 =	vmin.f32 v27, v3  }
0xac: {  	v24 =	vld [tilespmem:s22+$0x5200];
	v30 =	vmin.f32 v1, v28;
	v1 =	vmax.f32 v1, v28;
	v4 =	vmax.f32 v4, v7  }
0xad: {  	v2 =	vmax.f32 v2, v3;
	v35 =	vmin.f32 v1, v33;
	v1 =	vmax.f32 v1, v33  }
0xae: {  	v32 =	vld [tilespmem:s22+$0x6080];
	v7 =	vmin.f32 v29, v31;
	v3 =	vmax.f32 v30, v4;
	v4 =	vmin.f32 v30, v4  }
0xaf: {  	v30 =	vld [tilespmem:s22+$0x6000];
	v2 =	vmax.f32 v2, v4;
	v3 =	vmax.f32 v3, v5;
	v4 =	vmin.f32 v36, v37  }
0xb0: {  	v26 =	vmax.f32 v20, v22;
	v5 =	vmax.f32 v35, v3;
	v3 =	vmin.f32 v35, v3  }
0xb1: {  	v39 =	vld [tilespmem:s22+$0x2300];
	v2 =	vmax.f32 v2, v3;
	v3 =	vmax.f32 v29, v31;
	v31 =	vmax.f32 v24, v25  }
0xb2: {  	v41 =	vld [tilespmem:s22+$0x2380];
	v10 =	vmin.f32 v1, v3;
	v1 =	vmax.f32 v1, v3;
	v3 =	vmax.f32 v5, v7  }
0xb3: {  	v34 =	vld [tilespmem:s22+$0x6100];
	v7 =	vmin.f32 v42, v44;
	v5 =	vmax.f32 v10, v3;
	v3 =	vmin.f32 v10, v3  }
0xb4: {  	v35 =	vld [tilespmem:s22+$0x6180];
	v40 =	vmin.f32 v1, v38;
	v1 =	vmax.f32 v1, v38;
	v36 =	vmax.f32 v30, v32  }
0xb5: {  	v5 =	vmax.f32 v5, v6;
	v2 =	vmax.f32 v2, v3;
	v45 =	vmin.f32 v1, v43  }
0xb6: {  	v42 =	vld [tilespmem:s22+$0x6380];
	v1 =	vmax.f32 v1, v43;
	v3 =	vmax.f32 v40, v5;
	v5 =	vmin.f32 v40, v5  }
0xb7: {  	v6 =	vmin.f32 v39, v41;
	v40 =	vld [tilespmem:s22+$0x6300];
	v2 =	vmax.f32 v2, v5;
	v3 =	vmax.f32 v3, v4  }
0xb8: {  	v5 =	vmin.f32 v46, v47;
	v4 =	vmax.f32 v45, v3;
	v3 =	vmin.f32 v45, v3  }
0xb9: {  	v49 =	vld [tilespmem:s22+$0x3200];
	v2 =	vmax.f32 v2, v3;
	v3 =	vmax.f32 v39, v41;
	v41 =	vmax.f32 v34, v35  }
0xba: {  	v51 =	vld [tilespmem:s22+$0x3280];
	v10 =	vmin.f32 v1, v3;
	v1 =	vmax.f32 v1, v3;
	v3 =	vmax.f32 v4, v6  }
0xbb: {  	v44 =	vld [tilespmem:s22+$0x7000];
	v6 =	vmin.f32 v52, v54;
	v4 =	vmax.f32 v10, v3;
	v3 =	vmin.f32 v10, v3  }
0xbc: {  	v45 =	vld [tilespmem:s22+$0x7080];
	v50 =	vmin.f32 v1, v48;
	v1 =	vmax.f32 v1, v48;
	v46 =	vmax.f32 v40, v42  }
0xbd: {  	v4 =	vmax.f32 v4, v7;
	v2 =	vmax.f32 v2, v3;
	v55 =	vmin.f32 v1, v53  }
0xbe: {  	v52 =	vld [tilespmem:s22+$0x7280];
	v1 =	vmax.f32 v1, v53;
	v3 =	vmax.f32 v50, v4;
	v4 =	vmin.f32 v50, v4  }
0xbf: {  	v7 =	vmin.f32 v49, v51;
	v50 =	vld [tilespmem:s22+$0x7200];
	v2 =	vmax.f32 v2, v4;
	v3 =	vmax.f32 v3, v5  }
0xc0: {  	v4 =	vmin.f32 v56, v57;
	v5 =	vmax.f32 v55, v3;
	v3 =	vmin.f32 v55, v3  }
0xc1: {  	v59 =	vld [tilespmem:s22+$0x4100];
	v2 =	vmax.f32 v2, v3;
	v3 =	vmax.f32 v49, v51;
	v51 =	vmax.f32 v44, v45  }
0xc2: {  	v61 =	vld [tilespmem:s22+$0x4180];
	v10 =	vmin.f32 v1, v3;
	v1 =	vmax.f32 v1, v3;
	v3 =	vmax.f32 v5, v7  }
0xc3: {  	v7 =	vmin.f32 v62, v12;
	v5 =	vmax.f32 v10, v3;
	v3 =	vmin.f32 v10, v3  }
0xc4: {  	v60 =	vmin.f32 v1, v58;
	v1 =	vmax.f32 v1, v58;
	v56 =	vmax.f32 v50, v52  }
0xc5: {  	v54 =	vld [tilespmem:s22+$0x7300];
	v57 =	vmin.f32 v50, v52;
	v5 =	vmax.f32 v5, v6;
	v2 =	vmax.f32 v2, v3  }
0xc6: {  	v55 =	vld [tilespmem:s22+$0x7380];
	v13 =	vmin.f32 v1, v63;
	v1 =	vmax.f32 v1, v63;
	v3 =	vmax.f32 v60, v5  }
0xc7: {  	v6 =	vmin.f32 v59, v61;
	v5 =	vmin.f32 v60, v5;
	v3 =	vmax.f32 v3, v4  }
0xc8: {  	v2 =	vmax.f32 v2, v5;
	v4 =	vmax.f32 v13, v3;
	v3 =	vmin.f32 v13, v3  }
0xc9: {  	v5 =	vmin.f32 v14, v15;
	v2 =	vmax.f32 v2, v3;
	v3 =	vmax.f32 v59, v61  }
0xca: {  	v17 =	vld [tilespmem:s22+$0x5000];
	v10 =	vmin.f32 v1, v3;
	v1 =	vmax.f32 v1, v3;
	v3 =	vmax.f32 v4, v6  }
0xcb: {  	v19 =	vld [tilespmem:s22+$0x5080];
	v61 =	vmax.f32 v54, v55;
	v6 =	vmin.f32 v20, v22;
	v4 =	vmax.f32 v10, v3  }
0xcc: {  	v3 =	vmin.f32 v10, v3;
	v18 =	vmin.f32 v1, v16;
	v4 =	vmax.f32 v4, v7  }
0xcd: {  	v1 =	vmax.f32 v1, v16;
	v2 =	vmax.f32 v2, v3;
	v3 =	vmax.f32 v18, v4  }
0xce: {  	v23 =	vmin.f32 v1, v21;
	v4 =	vmin.f32 v18, v4;
	v3 =	vmax.f32 v3, v5  }
0xcf: {  	v2 =	vmax.f32 v2, v4;
	v5 =	vmax.f32 v23, v3;
	v3 =	vmin.f32 v23, v3  }
0xd0: {  	v27 =	vld [tilespmem:s22+$0x5300];
	v1 =	vmax.f32 v1, v21;
	v2 =	vmax.f32 v2, v3;
	v3 =	vmax.f32 v17, v19  }
0xd1: {  	v29 =	vld [tilespmem:s22+$0x5380];
	v7 =	vmin.f32 v17, v19;
	v4 =	vmin.f32 v24, v25;
	v10 =	vmin.f32 v1, v3  }
0xd2: {  	v1 =	vmax.f32 v1, v3;
	v3 =	vmax.f32 v5, v7;
	v7 =	vmin.f32 v30, v32  }
0xd3: {  	v5 =	vmax.f32 v10, v3;
	v3 =	vmin.f32 v10, v3;
	v28 =	vmin.f32 v1, v26  }
0xd4: {  	v1 =	vmax.f32 v1, v26;
	v5 =	vmax.f32 v5, v6;
	v2 =	vmax.f32 v2, v3  }
0xd5: {  	v33 =	vmin.f32 v1, v31;
	v1 =	vmax.f32 v1, v31;
	v3 =	vmax.f32 v28, v5  }
0xd6: {  	v6 =	vmin.f32 v27, v29;
	v5 =	vmin.f32 v28, v5;
	v3 =	vmax.f32 v3, v4  }
0xd7: {  	v2 =	vmax.f32 v2, v5;
	v4 =	vmax.f32 v33, v3;
	v3 =	vmin.f32 v33, v3  }
0xd8: {  	v5 =	vmin.f32 v34, v35;
	v2 =	vmax.f32 v2, v3;
	v3 =	vmax.f32 v27, v29  }
0xd9: {  	v37 =	vld [tilespmem:s22+$0x6200];
	v10 =	vmin.f32 v1, v3;
	v1 =	vmax.f32 v1, v3;
	v3 =	vmax.f32 v4, v6  }
0xda: {  	v39 =	vld [tilespmem:s22+$0x6280];
	v6 =	vmin.f32 v40, v42;
	v4 =	vmax.f32 v10, v3;
	v3 =	vmin.f32 v10, v3  }
0xdb: {  	v38 =	vmin.f32 v1, v36;
	v1 =	vmax.f32 v1, v36;
	v4 =	vmax.f32 v4, v7  }
0xdc: {  	v2 =	vmax.f32 v2, v3;
	v43 =	vmin.f32 v1, v41;
	v3 =	vmax.f32 v38, v4  }
0xdd: {  	v1 =	vmax.f32 v1, v41;
	v4 =	vmin.f32 v38, v4;
	v3 =	vmax.f32 v3, v5  }
0xde: {  	v2 =	vmax.f32 v2, v4;
	v5 =	vmax.f32 v43, v3;
	v3 =	vmin.f32 v43, v3  }
0xdf: {  	v7 =	vmin.f32 v37, v39;
	v2 =	vmax.f32 v2, v3;
	v3 =	vmax.f32 v37, v39  }
0xe0: {  	v47 =	vld [tilespmem:s22+$0x7100];
	v10 =	vmin.f32 v1, v3;
	v1 =	vmax.f32 v1, v3;
	v3 =	vmax.f32 v5, v7  }
0xe1: {  	v49 =	vld [tilespmem:s22+$0x7180];
	v4 =	vmin.f32 v44, v45;
	v5 =	vmax.f32 v10, v3;
	v3 =	vmin.f32 v10, v3  }
0xe2: {  	v48 =	vmin.f32 v1, v46;
	v1 =	vmax.f32 v1, v46;
	v5 =	vmax.f32 v5, v6  }
0xe3: {  	v2 =	vmax.f32 v2, v3;
	v53 =	vmin.f32 v1, v51;
	v3 =	vmax.f32 v48, v5  }
0xe4: {  	v1 =	vmax.f32 v1, v51;
	v5 =	vmin.f32 v48, v5;
	v3 =	vmax.f32 v3, v4  }
0xe5: {  	v2 =	vmax.f32 v2, v5;
	v4 =	vmax.f32 v53, v3;
	v3 =	vmin.f32 v53, v3  }
0xe6: {  	v6 =	vmin.f32 v47, v49;
	v2 =	vmax.f32 v2, v3;
	v3 =	vmax.f32 v47, v49  }
0xe7: {  	v10 =	vmin.f32 v1, v3;
	v1 =	vmax.f32 v1, v3;
	v3 =	vmax.f32 v4, v6  }
0xe8: {  	v5 =	vmin.f32 v54, v55;
	v58 =	vmax.f32 v10, v3;
	v3 =	vmin.f32 v10, v3  }
0xe9: {  	p0 =	sne.s32 s19, $0x1F;
	v59 =	vmin.f32 v1, v56;
	v1 =	vmax.f32 v1, v56;
	v6 =	vmax.f32 v58, v57  }
.Ltmp2:
0xea: {  	v2 =	vmax.f32 v2, v3;
	v62 =	vmin.f32 v1, v61;
	v3 =	vmax.f32 v59, v6;
	(pc) =	sbr.rel @p0 .LBB2_3-.Ltmp2, $4  }
0xeb: {  	v1 =	vmax.f32 v1, v61;
	v60 =	vmin.f32 v59, v6;
	v3 =	vmax.f32 v3, v5  }
0xec: {  	[tilespmem:s20+$0x10000] =	vst v1;
	v2 =	vmax.f32 v2, v60;
	v63 =	vmax.f32 v62, v3;
	v3 =	vmin.f32 v62, v3  }
0xed: {  	v1 =	vmax.f32 v2, v3;
	[tilespmem:s31+$0x80] =	vst v63  }
0xee: {  	s18 =	sadd.s32 $0x10, s18;
	s19 =	sadd.s32 $0x1, s19;
	[tilespmem:s31+$0x100] =	vst v1  }
0xef: {  	s18 =	sshll.u32 s17, $0x13;
	p0 =	seq.s32 s17, $0xF  }
0xf0: {  	s19 =	sadd.s32 @!p0 s18, s6  }
0xf1: {  	s20 =	simm.s32 @!p0 $0x1000;
	s19 =	sshrl.u32 @!p0 s19, $0x3  }
0xf2: {  	s21 =	simm.s32 @!p0 $0x8000;
	s22 =	simm.s32 @!p0 $0x0;
	s19 =	sadd.s32 @!p0 s2, s19  }
0xf3: {  	[tilespmem:s22], [sflag:$0x1] =	stream.strided.gather @!p0 [hbm4b:s19+s20], $0x8000, s21, s20, $0x38;
	[tilespmem:$0x10800] =	vst v63  }
0xf4: {  	_ =	swait.ge [sflag:s13], $0x8000  }
0xf5: {  	[sflag:s13] =	ssyncset.done $0x0  }
0xf6: {  	s19 =	simm.s32 $0x0;
	s20 =	simm.s32 $0x0;
	[sflag:s13] =	ssyncadd.s32 $0xFFFF8000  }
.LBB2_5:
0xf7: {  	s21 =	sshll.u32 s20, $0x6  }
0xf8: {  	s22 =	sand.u32 $0x70, s19;
	s23 =	sshll.u32 s20, $0x7;
	s21 =	sand.u32 $0x3FFFFE00, s21  }
0xf9: {  	s23 =	sand.u32 $0x3FFFFC00, s23;
	s21 =	sor.u32 s22, s21  }
0xfa: {  	s23 =	sor.u32 s22, s23;
	v1 =	vld [tilespmem:s21+$0x10000]  }
0xfb: {  	v2 =	vld [tilespmem:s23+$0x8000]  }
0xfc: {  	v3 =	vld [tilespmem:s23+$0x8080]  }
0xfd: {  	v5 =	vld [tilespmem:s23+$0x8100]  }
0xfe: {  	v6 =	vld [tilespmem:s23+$0x8180]  }
0xff: {  	v10 =	vld [tilespmem:s23+$0x8300]  }
0x100: {  	v63 =	vld [tilespmem:s23+$0x8380]  }
0x101: {  	v13 =	vld [tilespmem:s23+$0x9000]  }
0x102: {  	v15 =	vld [tilespmem:s23+$0x9080]  }
0x103: {  	v21 =	vld [tilespmem:s23+$0x9200]  }
0x104: {  	v23 =	vld [tilespmem:s23+$0x9280]  }
0x105: {  	v25 =	vld [tilespmem:s23+$0x9300]  }
0x106: {  	v26 =	vld [tilespmem:s23+$0x9380]  }
0x107: {  	v32 =	vld [tilespmem:s23+$0xA100]  }
0x108: {  	v34 =	vld [tilespmem:s23+$0xA180]  }
0x109: {  	v36 =	vld [tilespmem:s23+$0xA200]  }
0x10a: {  	v37 =	vld [tilespmem:s23+$0xA280]  }
0x10b: {  	v42 =	vld [tilespmem:s23+$0xB000]  }
0x10c: {  	v44 =	vld [tilespmem:s23+$0xB080]  }
0x10d: {  	v46 =	vld [tilespmem:s23+$0xB100]  }
0x10e: {  	v47 =	vld [tilespmem:s23+$0xB180]  }
0x10f: {  	v52 =	vld [tilespmem:s23+$0xB300]  }
0x110: {  	v54 =	vld [tilespmem:s23+$0xB380]  }
0x111: {  	v56 =	vld [tilespmem:s23+$0xC000]  }
0x112: {  	s31 =	sadd.s32 $0x10000, s21;
	v57 =	vld [tilespmem:s23+$0xC080]  }
0x113: {  	v4 =	vld [tilespmem:s31+$0x80];
	v8 =	vmax.f32 v2, v3;
	v2 =	vmin.f32 v2, v3;
	v62 =	vmax.f32 v5, v6  }
0x114: {  	v5 =	vmin.f32 v5, v6;
	v17 =	vmax.f32 v10, v63;
	v6 =	vmin.f32 v10, v63  }
0x115: {  	v60 =	vld [tilespmem:s23+$0x8280];
	v22 =	vmax.f32 v13, v15;
	v28 =	vmax.f32 v21, v23;
	v33 =	vmax.f32 v25, v26  }
0x116: {  	v7 =	vld [tilespmem:s31+$0x100];
	v38 =	vmax.f32 v32, v34;
	v43 =	vmax.f32 v36, v37;
	v48 =	vmax.f32 v42, v44  }
0x117: {  	v3 =	vld [tilespmem:s23+$0x8200];
	v53 =	vmax.f32 v46, v47;
	v58 =	vmax.f32 v52, v54;
	v63 =	vmax.f32 v56, v57  }
0x118: {  	v9 =	vmin.f32 v1, v8;
	v2 =	vmax.f32 v4, v2;
	v1 =	vmax.f32 v1, v8  }
0x119: {  	v4 =	vmin.f32 v13, v15;
	v61 =	vmax.f32 v9, v2;
	v2 =	vmin.f32 v9, v2  }
0x11a: {  	v18 =	vld [tilespmem:s23+$0x9100];
	v12 =	vmin.f32 v1, v62;
	v1 =	vmax.f32 v1, v62;
	v5 =	vmax.f32 v61, v5  }
0x11b: {  	v20 =	vld [tilespmem:s23+$0x9180];
	v2 =	vmax.f32 v7, v2;
	v7 =	vmin.f32 v21, v23;
	v8 =	vmax.f32 v12, v5  }
0x11c: {  	v62 =	vld [tilespmem:s23+$0xC200];
	v5 =	vmin.f32 v12, v5;
	v14 =	vmax.f32 v3, v60;
	v3 =	vmin.f32 v3, v60  }
0x11d: {  	v12 =	vld [tilespmem:s23+$0xC280];
	v2 =	vmax.f32 v2, v5;
	v9 =	vmin.f32 v1, v14;
	v3 =	vmax.f32 v8, v3  }
0x11e: {  	v15 =	vld [tilespmem:s23+$0xC380];
	v1 =	vmax.f32 v1, v14;
	v16 =	vmax.f32 v9, v3;
	v3 =	vmin.f32 v9, v3  }
0x11f: {  	v14 =	vld [tilespmem:s23+$0xC300];
	v19 =	vmin.f32 v1, v17;
	v1 =	vmax.f32 v1, v17;
	v5 =	vmax.f32 v16, v6  }
0x120: {  	v2 =	vmax.f32 v2, v3;
	v24 =	vmin.f32 v1, v22;
	v1 =	vmax.f32 v1, v22  }
0x121: {  	v6 =	vmin.f32 v18, v20;
	v3 =	vmax.f32 v19, v5;
	v5 =	vmin.f32 v19, v5  }
0x122: {  	v29 =	vld [tilespmem:s23+$0xA000];
	v16 =	vmax.f32 v62, v12;
	v2 =	vmax.f32 v2, v5;
	v3 =	vmax.f32 v3, v4  }
0x123: {  	v31 =	vld [tilespmem:s23+$0xA080];
	v5 =	vmin.f32 v25, v26;
	v4 =	vmax.f32 v24, v3;
	v3 =	vmin.f32 v24, v3  }
0x124: {  	v22 =	vld [tilespmem:s23+$0xD180];
	v21 =	vmax.f32 v14, v15;
	v2 =	vmax.f32 v2, v3;
	v3 =	vmax.f32 v18, v20  }
0x125: {  	v25 =	vld [tilespmem:s23+$0xD280];
	v27 =	vmin.f32 v1, v3;
	v1 =	vmax.f32 v1, v3;
	v3 =	vmax.f32 v4, v6  }
0x126: {  	v20 =	vld [tilespmem:s23+$0xD100];
	v6 =	vmin.f32 v32, v34;
	v4 =	vmax.f32 v27, v3;
	v3 =	vmin.f32 v27, v3  }
0x127: {  	v24 =	vld [tilespmem:s23+$0xD200];
	v30 =	vmin.f32 v1, v28;
	v1 =	vmax.f32 v1, v28;
	v4 =	vmax.f32 v4, v7  }
0x128: {  	v2 =	vmax.f32 v2, v3;
	v35 =	vmin.f32 v1, v33;
	v1 =	vmax.f32 v1, v33  }
0x129: {  	v32 =	vld [tilespmem:s23+$0xE080];
	v7 =	vmin.f32 v29, v31;
	v3 =	vmax.f32 v30, v4;
	v4 =	vmin.f32 v30, v4  }
0x12a: {  	v30 =	vld [tilespmem:s23+$0xE000];
	v2 =	vmax.f32 v2, v4;
	v3 =	vmax.f32 v3, v5;
	v4 =	vmin.f32 v36, v37  }
0x12b: {  	v26 =	vmax.f32 v20, v22;
	v5 =	vmax.f32 v35, v3;
	v3 =	vmin.f32 v35, v3  }
0x12c: {  	v39 =	vld [tilespmem:s23+$0xA300];
	v2 =	vmax.f32 v2, v3;
	v3 =	vmax.f32 v29, v31;
	v31 =	vmax.f32 v24, v25  }
0x12d: {  	v41 =	vld [tilespmem:s23+$0xA380];
	v10 =	vmin.f32 v1, v3;
	v1 =	vmax.f32 v1, v3;
	v3 =	vmax.f32 v5, v7  }
0x12e: {  	v34 =	vld [tilespmem:s23+$0xE100];
	v7 =	vmin.f32 v42, v44;
	v5 =	vmax.f32 v10, v3;
	v3 =	vmin.f32 v10, v3  }
0x12f: {  	v35 =	vld [tilespmem:s23+$0xE180];
	v40 =	vmin.f32 v1, v38;
	v1 =	vmax.f32 v1, v38;
	v36 =	vmax.f32 v30, v32  }
0x130: {  	v5 =	vmax.f32 v5, v6;
	v2 =	vmax.f32 v2, v3;
	v45 =	vmin.f32 v1, v43  }
0x131: {  	v42 =	vld [tilespmem:s23+$0xE380];
	v1 =	vmax.f32 v1, v43;
	v3 =	vmax.f32 v40, v5;
	v5 =	vmin.f32 v40, v5  }
0x132: {  	v6 =	vmin.f32 v39, v41;
	v40 =	vld [tilespmem:s23+$0xE300];
	v2 =	vmax.f32 v2, v5;
	v3 =	vmax.f32 v3, v4  }
0x133: {  	v5 =	vmin.f32 v46, v47;
	v4 =	vmax.f32 v45, v3;
	v3 =	vmin.f32 v45, v3  }
0x134: {  	v49 =	vld [tilespmem:s23+$0xB200];
	v2 =	vmax.f32 v2, v3;
	v3 =	vmax.f32 v39, v41;
	v41 =	vmax.f32 v34, v35  }
0x135: {  	v51 =	vld [tilespmem:s23+$0xB280];
	v10 =	vmin.f32 v1, v3;
	v1 =	vmax.f32 v1, v3;
	v3 =	vmax.f32 v4, v6  }
0x136: {  	v44 =	vld [tilespmem:s23+$0xF000];
	v6 =	vmin.f32 v52, v54;
	v4 =	vmax.f32 v10, v3;
	v3 =	vmin.f32 v10, v3  }
0x137: {  	v45 =	vld [tilespmem:s23+$0xF080];
	v50 =	vmin.f32 v1, v48;
	v1 =	vmax.f32 v1, v48;
	v46 =	vmax.f32 v40, v42  }
0x138: {  	v4 =	vmax.f32 v4, v7;
	v2 =	vmax.f32 v2, v3;
	v55 =	vmin.f32 v1, v53  }
0x139: {  	v52 =	vld [tilespmem:s23+$0xF280];
	v1 =	vmax.f32 v1, v53;
	v3 =	vmax.f32 v50, v4;
	v4 =	vmin.f32 v50, v4  }
0x13a: {  	v7 =	vmin.f32 v49, v51;
	v50 =	vld [tilespmem:s23+$0xF200];
	v2 =	vmax.f32 v2, v4;
	v3 =	vmax.f32 v3, v5  }
0x13b: {  	v4 =	vmin.f32 v56, v57;
	v5 =	vmax.f32 v55, v3;
	v3 =	vmin.f32 v55, v3  }
0x13c: {  	v59 =	vld [tilespmem:s23+$0xC100];
	v2 =	vmax.f32 v2, v3;
	v3 =	vmax.f32 v49, v51;
	v51 =	vmax.f32 v44, v45  }
0x13d: {  	v61 =	vld [tilespmem:s23+$0xC180];
	v10 =	vmin.f32 v1, v3;
	v1 =	vmax.f32 v1, v3;
	v3 =	vmax.f32 v5, v7  }
0x13e: {  	v7 =	vmin.f32 v62, v12;
	v5 =	vmax.f32 v10, v3;
	v3 =	vmin.f32 v10, v3  }
0x13f: {  	v60 =	vmin.f32 v1, v58;
	v1 =	vmax.f32 v1, v58;
	v56 =	vmax.f32 v50, v52  }
0x140: {  	v54 =	vld [tilespmem:s23+$0xF300];
	v57 =	vmin.f32 v50, v52;
	v5 =	vmax.f32 v5, v6;
	v2 =	vmax.f32 v2, v3  }
0x141: {  	v55 =	vld [tilespmem:s23+$0xF380];
	v13 =	vmin.f32 v1, v63;
	v1 =	vmax.f32 v1, v63;
	v3 =	vmax.f32 v60, v5  }
0x142: {  	v6 =	vmin.f32 v59, v61;
	v5 =	vmin.f32 v60, v5;
	v3 =	vmax.f32 v3, v4  }
0x143: {  	v2 =	vmax.f32 v2, v5;
	v4 =	vmax.f32 v13, v3;
	v3 =	vmin.f32 v13, v3  }
0x144: {  	v5 =	vmin.f32 v14, v15;
	v2 =	vmax.f32 v2, v3;
	v3 =	vmax.f32 v59, v61  }
0x145: {  	v17 =	vld [tilespmem:s23+$0xD000];
	v10 =	vmin.f32 v1, v3;
	v1 =	vmax.f32 v1, v3;
	v3 =	vmax.f32 v4, v6  }
0x146: {  	v19 =	vld [tilespmem:s23+$0xD080];
	v61 =	vmax.f32 v54, v55;
	v6 =	vmin.f32 v20, v22;
	v4 =	vmax.f32 v10, v3  }
0x147: {  	v3 =	vmin.f32 v10, v3;
	v18 =	vmin.f32 v1, v16;
	v4 =	vmax.f32 v4, v7  }
0x148: {  	v1 =	vmax.f32 v1, v16;
	v2 =	vmax.f32 v2, v3;
	v3 =	vmax.f32 v18, v4  }
0x149: {  	v23 =	vmin.f32 v1, v21;
	v4 =	vmin.f32 v18, v4;
	v3 =	vmax.f32 v3, v5  }
0x14a: {  	v2 =	vmax.f32 v2, v4;
	v5 =	vmax.f32 v23, v3;
	v3 =	vmin.f32 v23, v3  }
0x14b: {  	v27 =	vld [tilespmem:s23+$0xD300];
	v1 =	vmax.f32 v1, v21;
	v2 =	vmax.f32 v2, v3;
	v3 =	vmax.f32 v17, v19  }
0x14c: {  	v29 =	vld [tilespmem:s23+$0xD380];
	v7 =	vmin.f32 v17, v19;
	v4 =	vmin.f32 v24, v25;
	v10 =	vmin.f32 v1, v3  }
0x14d: {  	v1 =	vmax.f32 v1, v3;
	v3 =	vmax.f32 v5, v7;
	v7 =	vmin.f32 v30, v32  }
0x14e: {  	v5 =	vmax.f32 v10, v3;
	v3 =	vmin.f32 v10, v3;
	v28 =	vmin.f32 v1, v26  }
0x14f: {  	v1 =	vmax.f32 v1, v26;
	v5 =	vmax.f32 v5, v6;
	v2 =	vmax.f32 v2, v3  }
0x150: {  	v33 =	vmin.f32 v1, v31;
	v1 =	vmax.f32 v1, v31;
	v3 =	vmax.f32 v28, v5  }
0x151: {  	v6 =	vmin.f32 v27, v29;
	v5 =	vmin.f32 v28, v5;
	v3 =	vmax.f32 v3, v4  }
0x152: {  	v2 =	vmax.f32 v2, v5;
	v4 =	vmax.f32 v33, v3;
	v3 =	vmin.f32 v33, v3  }
0x153: {  	v5 =	vmin.f32 v34, v35;
	v2 =	vmax.f32 v2, v3;
	v3 =	vmax.f32 v27, v29  }
0x154: {  	v37 =	vld [tilespmem:s23+$0xE200];
	v10 =	vmin.f32 v1, v3;
	v1 =	vmax.f32 v1, v3;
	v3 =	vmax.f32 v4, v6  }
0x155: {  	v39 =	vld [tilespmem:s23+$0xE280];
	v6 =	vmin.f32 v40, v42;
	v4 =	vmax.f32 v10, v3;
	v3 =	vmin.f32 v10, v3  }
0x156: {  	v38 =	vmin.f32 v1, v36;
	v1 =	vmax.f32 v1, v36;
	v4 =	vmax.f32 v4, v7  }
0x157: {  	v2 =	vmax.f32 v2, v3;
	v43 =	vmin.f32 v1, v41;
	v3 =	vmax.f32 v38, v4  }
0x158: {  	v1 =	vmax.f32 v1, v41;
	v4 =	vmin.f32 v38, v4;
	v3 =	vmax.f32 v3, v5  }
0x159: {  	v2 =	vmax.f32 v2, v4;
	v5 =	vmax.f32 v43, v3;
	v3 =	vmin.f32 v43, v3  }
0x15a: {  	v7 =	vmin.f32 v37, v39;
	v2 =	vmax.f32 v2, v3;
	v3 =	vmax.f32 v37, v39  }
0x15b: {  	v47 =	vld [tilespmem:s23+$0xF100];
	v10 =	vmin.f32 v1, v3;
	v1 =	vmax.f32 v1, v3;
	v3 =	vmax.f32 v5, v7  }
0x15c: {  	v49 =	vld [tilespmem:s23+$0xF180];
	v4 =	vmin.f32 v44, v45;
	v5 =	vmax.f32 v10, v3;
	v3 =	vmin.f32 v10, v3  }
0x15d: {  	v48 =	vmin.f32 v1, v46;
	v1 =	vmax.f32 v1, v46;
	v5 =	vmax.f32 v5, v6  }
0x15e: {  	v2 =	vmax.f32 v2, v3;
	v53 =	vmin.f32 v1, v51;
	v3 =	vmax.f32 v48, v5  }
0x15f: {  	v1 =	vmax.f32 v1, v51;
	v5 =	vmin.f32 v48, v5;
	v3 =	vmax.f32 v3, v4  }
0x160: {  	v2 =	vmax.f32 v2, v5;
	v4 =	vmax.f32 v53, v3;
	v3 =	vmin.f32 v53, v3  }
0x161: {  	v6 =	vmin.f32 v47, v49;
	v2 =	vmax.f32 v2, v3;
	v3 =	vmax.f32 v47, v49  }
0x162: {  	v10 =	vmin.f32 v1, v3;
	v1 =	vmax.f32 v1, v3;
	v3 =	vmax.f32 v4, v6  }
0x163: {  	v5 =	vmin.f32 v54, v55;
	v58 =	vmax.f32 v10, v3;
	v3 =	vmin.f32 v10, v3  }
0x164: {  	p1 =	sne.s32 s20, $0x1F;
	v59 =	vmin.f32 v1, v56;
	v1 =	vmax.f32 v1, v56;
	v6 =	vmax.f32 v58, v57  }
.Ltmp3:
0x165: {  	v2 =	vmax.f32 v2, v3;
	v62 =	vmin.f32 v1, v61;
	v3 =	vmax.f32 v59, v6;
	(pc) =	sbr.rel @p1 .LBB2_5-.Ltmp3, $4  }
0x166: {  	v1 =	vmax.f32 v1, v61;
	v60 =	vmin.f32 v59, v6;
	v3 =	vmax.f32 v3, v5  }
0x167: {  	[tilespmem:s21+$0x10000] =	vst v1;
	v2 =	vmax.f32 v2, v60;
	v63 =	vmax.f32 v62, v3;
	v3 =	vmin.f32 v62, v3  }
0x168: {  	v1 =	vmax.f32 v2, v3;
	[tilespmem:s31+$0x80] =	vst v63  }
0x169: {  	s19 =	sadd.s32 $0x10, s19;
	s20 =	sadd.s32 $0x1, s20;
	[tilespmem:s31+$0x100] =	vst v1  }
.Ltmp4:
0x16a: {  	(pc) =	sbr.rel @p0 .LBB2_8-.Ltmp4, $1  }
0x16b: {  	_ =	sdelay $0x3  }
.Ltmp5:
0x16c: {  	(pc) =	sbr.rel .LBB2_2-.Ltmp5, $4  }
0x16d: {  	s18 =	sadd.s32 s18, s7  }
0x16e: {  	s18 =	sshrl.u32 s18, $0x3  }
0x16f: {  	s17 =	sadd.s32 $0x1, s17;
	s18 =	sadd.s32 s2, s18  }
0x170: {  	[tilespmem:s11], [sflag:$0x2] =	stream.strided.gather [hbm4b:s18+s10], $0x8000, s11, s10, $0x38;
	[tilespmem:$0x10800] =	vst v63  }
.LBB2_9:
0x171: {  	_ =	sfence.sel $0x180000  }
0x172: {  	[bflag:$0x0] =	sbarrier.arrive $0xFFFF  }
0x173: {  	p0 =	sne.s32 s0, $0x0;
	_ =	strace $0x90000047  }
0x174: {  	s0 =	sadd.s32 @!p0 $0x100000, s1;
	[bflag:$0x2] =	sbarrier.arrive $0xFFFF  }
0x175: {  	[sflag:s0] =	ssyncadd.tile.s32 @!p0 $0x1;
	_ =	shalt  }
.Lfunc_end2:
_tile_overlayer_lowered:
.L_overlay_start_2:
0x176: {  	(tag) =	ssettag $0x2  }
0x177: {  	s0 =	rddreg [dreg:$0x0];
	s2 =	stileid.u32  }
0x178: {  	s1 =	rddreg [dreg:$0x1];
	p0 =	sne.s32 s2, $0x0  }
0x179: {  	s3 =	rddreg [dreg:$0x2];
	[bflag:$0x3] =	sbarrier.arrive $0xFFFF;
	s2 =	simm.s32 @!p0 $0x1C03  }
0x17a: {  	[timem:s3], [sflag:s2] =	dma.local @!p0 [hbm:s0], s1  }
0x17b: {  	s0 =	simm.s32 @!p0 $0x3  }
0x17c: {  	_ =	swait.ge @!p0 [sflag:s0], s1  }
0x17d: {  	s1 =	ssub.s32 @!p0 $0x0, s1;
	[sflag:s0] =	ssyncset.done @!p0 $0x0  }
0x17e: {  	[sflag:s0] =	ssyncadd.s32 @!p0 s1  }
0x17f: {  	[bflag:$0x3] =	sbarrier.arrive $0xFFFF  }
0x180: {  	_ =	shalt  }

</sc_bundles>
